<compile_context>
chip_gen: v7x
topology: tpu7x:2x2x1
jax: 0.10.2.dev20260603
libtpu: 0.0.44.dev20260713+nightly
codegen_flags: <defaults>
</compile_context>

<pallas_src>
import functools

import jax
import jax.numpy as jnp
from jax import lax
from jax.experimental import pallas as pl
from jax.experimental.pallas import tpu as pltpu
from jax.experimental.pallas import tpu_sc as plsc

N = 10000
E = 320000
D = 128
L = 16
NC = 2
NS = 16
NW = NC * NS
CHUNK = 128
NCH = 80
E_PAD = NW * NCH * CHUNK
ROWS_PER_TILE = 624
ROWS_TAIL = N - NS * ROWS_PER_TILE


def _sc_mesh():
    return plsc.VectorSubcoreMesh(core_axis_name="c", subcore_axis_name="s")


@functools.partial(
    pl.kernel,
    out_type=jax.ShapeDtypeStruct((NC, N, D), jnp.float32),
    mesh=_sc_mesh(),
    scratch_types=[
        pltpu.VMEM((2, CHUNK), jnp.int32),
        pltpu.VMEM((2, CHUNK), jnp.int32),
        pltpu.VMEM((2, CHUNK * L), jnp.float32),
        pltpu.VMEM((2, CHUNK, D), jnp.float32),
        pltpu.VMEM_SHARED((N, D), jnp.float32),
        pltpu.SemaphoreType.DMA,
        pltpu.SemaphoreType.DMA,
        pltpu.SemaphoreType.DMA,
        pltpu.SemaphoreType.DMA,
        pltpu.SemaphoreType.DMA,
    ],
)
def _sc_aggregate(h_hbm, srcf_hbm, dstf_hbm, wrep_hbm, zeros_hbm, out_hbm,
                  src_v, dst_v, wsp_v, rows_v, acc_sh,
                  sem_g, sem_w, sem_si, sem_di, sem_s):
    cid = lax.axis_index("c")
    sid = lax.axis_index("s")
    wid = sid * NC + cid

    pltpu.sync_copy(zeros_hbm.at[pl.ds(sid * ROWS_PER_TILE, ROWS_PER_TILE)],
                    acc_sh.at[pl.ds(sid * ROWS_PER_TILE, ROWS_PER_TILE)])

    @pl.when(sid == NS - 1)
    def _():
        pltpu.sync_copy(zeros_hbm.at[pl.ds(NS * ROWS_PER_TILE, ROWS_TAIL)],
                        acc_sh.at[pl.ds(NS * ROWS_PER_TILE, ROWS_TAIL)])

    plsc.subcore_barrier()

    pltpu.sync_copy(srcf_hbm.at[wid, pl.ds(0, CHUNK)], src_v.at[0])
    pltpu.sync_copy(dstf_hbm.at[wid, pl.ds(0, CHUNK)], dst_v.at[0])
    pltpu.async_copy(wrep_hbm.at[wid, pl.ds(0, CHUNK * L)], wsp_v.at[0], sem_w)
    pltpu.async_copy(h_hbm.at[src_v.at[0]], rows_v.at[0], sem_g)

    def chunk_body(j, carry):
        p = lax.rem(j, 2)
        q = 1 - p

        @pl.when(j > 0)
        def _():
            pltpu.make_async_copy(rows_v.at[q], acc_sh.at[dst_v.at[q]],
                                  sem_s).wait()

        pltpu.make_async_copy(wrep_hbm.at[wid, pl.ds(0, CHUNK * L)],
                              wsp_v.at[p], sem_w).wait()

        @pl.when(j < NCH - 1)
        def _():
            off = (j + 1) * CHUNK
            pltpu.async_copy(srcf_hbm.at[wid, pl.ds(off, CHUNK)],
                             src_v.at[q], sem_si)
            pltpu.async_copy(dstf_hbm.at[wid, pl.ds(off, CHUNK)],
                             dst_v.at[q], sem_di)
            pltpu.async_copy(wrep_hbm.at[wid, pl.ds(off * L, CHUNK * L)],
                             wsp_v.at[q], sem_w)

        pltpu.make_async_copy(h_hbm.at[src_v.at[p]], rows_v.at[p], sem_g).wait()

        @pl.when(j < NCH - 1)
        def _():
            off = (j + 1) * CHUNK
            pltpu.make_async_copy(srcf_hbm.at[wid, pl.ds(off, CHUNK)],
                                  src_v.at[q], sem_si).wait()
            pltpu.make_async_copy(dstf_hbm.at[wid, pl.ds(off, CHUNK)],
                                  dst_v.at[q], sem_di).wait()
            pltpu.async_copy(h_hbm.at[src_v.at[q]], rows_v.at[q], sem_g)

        @plsc.parallel_loop(0, CHUNK, 1, unroll=4)
        def edge_body(e):
            ws = wsp_v[p, pl.ds(e * L, L)]
            for r in range(D // L):
                rows_v[p, e, pl.ds(r * L, L)] = rows_v[p, e, pl.ds(r * L, L)] * ws

        pltpu.async_copy(rows_v.at[p], acc_sh.at[dst_v.at[p]], sem_s, add=True)
        return carry

    lax.fori_loop(0, NCH, chunk_body, 0)
    pltpu.make_async_copy(rows_v.at[(NCH - 1) % 2],
                          acc_sh.at[dst_v.at[(NCH - 1) % 2]], sem_s).wait()
    plsc.subcore_barrier()

    pltpu.sync_copy(acc_sh.at[pl.ds(sid * ROWS_PER_TILE, ROWS_PER_TILE)],
                    out_hbm.at[cid, pl.ds(sid * ROWS_PER_TILE, ROWS_PER_TILE)])

    @pl.when(sid == NS - 1)
    def _():
        pltpu.sync_copy(acc_sh.at[pl.ds(NS * ROWS_PER_TILE, ROWS_TAIL)],
                        out_hbm.at[cid, pl.ds(NS * ROWS_PER_TILE, ROWS_TAIL)])


_BLK = 1000


def _tc_linear_body(p_ref, h_ref, wr_ref, wt_ref, b_ref, o_ref):
    aggr = p_ref[0] + p_ref[1]
    acc = jnp.dot(aggr, wr_ref[...], preferred_element_type=jnp.float32)
    acc = acc + jnp.dot(h_ref[...], wt_ref[...], preferred_element_type=jnp.float32)
    o_ref[...] = acc + b_ref[...]


def _tc_linear(parts, h, w_rel, w_root, b):
    return pl.pallas_call(
        _tc_linear_body,
        grid=(N // _BLK,),
        in_specs=[
            pl.BlockSpec((NC, _BLK, D), lambda i: (0, i, 0)),
            pl.BlockSpec((_BLK, D), lambda i: (i, 0)),
            pl.BlockSpec((D, D), lambda i: (0, 0)),
            pl.BlockSpec((D, D), lambda i: (0, 0)),
            pl.BlockSpec((1, D), lambda i: (0, 0)),
        ],
        out_specs=pl.BlockSpec((_BLK, D), lambda i: (i, 0)),
        out_shape=jax.ShapeDtypeStruct((N, D), jnp.float32),
    )(parts, h, w_rel, w_root, b.reshape(1, D))


def kernel(x, edge_index, edge_attr,
           W_rel0, b_rel0, W_root0,
           W_rel1, b_rel1, W_root1,
           W_rel2, b_rel2, W_root2,
           W_lin, b_lin):
    pad = E_PAD - E
    src = jnp.concatenate([edge_index[0], jnp.zeros((pad,), jnp.int32)])
    dst = jnp.concatenate([edge_index[1], jnp.zeros((pad,), jnp.int32)])
    w = jnp.concatenate([edge_attr, jnp.zeros((pad,), jnp.float32)])
    srcc = src.reshape(NW, NCH * CHUNK)
    dstc = dst.reshape(NW, NCH * CHUNK)
    wrep = jnp.broadcast_to(w[:, None], (E_PAD, L)).reshape(NW, NCH * CHUNK * L)
    zeros = jnp.zeros((N, D), jnp.float32)

    W_rel2f = W_rel2 @ W_lin
    W_root2f = W_root2 @ W_lin
    b2f = b_rel2 @ W_lin + b_lin

    h = x
    layers = [(W_rel0, W_root0, b_rel0),
              (W_rel1, W_root1, b_rel1),
              (W_rel2f, W_root2f, b2f)]
    for w_rel, w_root, b in layers:
        parts = _sc_aggregate(h, srcc, dstc, wrep, zeros)
        h = _tc_linear(parts, h, w_rel, w_root, b)
    return h

# --- scband reference (transcript-rebuilt; emitter-appended) ---
"""Pipeline reference for scband-gnn-73512660238642 (READ-ONLY COPY).

The authoritative reference and input builder live on the scoring server;
editing this copy changes nothing except your own understanding.
"""

import jax, jax.numpy as jnp
import numpy as np

N = 10000
E = 320000
D_IN = 128
D_HID = 128
D_OUT = 128


def _linear_init(key, d_in, d_out):
    k1, k2 = jax.random.split(key)
    bound = 1.0 / np.sqrt(d_in)
    W = jax.random.uniform(k1, (d_in, d_out), dtype=jnp.float32, minval=-bound, maxval=bound)
    b = jax.random.uniform(k2, (d_out,), dtype=jnp.float32, minval=-bound, maxval=bound)
    return W, b


def setup_inputs(seed: int = 0) -> dict:
    key = jax.random.key(seed)
    ks = jax.random.split(key, 16)
    x = jax.random.normal(ks[0], (N, D_IN), dtype=jnp.float32)
    edge_index = jax.random.randint(ks[1], (2, E), 0, N, dtype=jnp.int32)
    edge_attr = jax.random.uniform(ks[2], (E,), dtype=jnp.float32)
    # GraphConv layer 0: in -> hidden
    W_rel0, b_rel0 = _linear_init(ks[3], D_IN, D_HID)
    W_root0, _ = _linear_init(ks[4], D_IN, D_HID)
    # GraphConv layer 1: hidden -> hidden
    W_rel1, b_rel1 = _linear_init(ks[5], D_HID, D_HID)
    W_root1, _ = _linear_init(ks[6], D_HID, D_HID)
    # GraphConv layer 2: hidden -> out
    W_rel2, b_rel2 = _linear_init(ks[7], D_HID, D_OUT)
    W_root2, _ = _linear_init(ks[8], D_HID, D_OUT)
    # final Linear: out -> out
    W_lin, b_lin = _linear_init(ks[9], D_OUT, D_OUT)
    return {
        "x": x, "edge_index": edge_index, "edge_attr": edge_attr,
        "W_rel0": W_rel0, "b_rel0": b_rel0, "W_root0": W_root0,
        "W_rel1": W_rel1, "b_rel1": b_rel1, "W_root1": W_root1,
        "W_rel2": W_rel2, "b_rel2": b_rel2, "W_root2": W_root2,
        "W_lin": W_lin, "b_lin": b_lin,
    }


def _graph_conv(x, edge_index, edge_weight, W_rel, b_rel, W_root):
    # PyG GraphConv with aggr='add':
    #   out_i = W_rel @ (sum_{j->i} e_ji * x_j) + b_rel + W_root @ x_i
    src = edge_index[0]
    dst = edge_index[1]
    msg = jnp.take(x, src, axis=0) * edge_weight[:, None]
    aggr = jnp.zeros((x.shape[0], x.shape[1]), dtype=x.dtype).at[dst].add(msg)
    return aggr @ W_rel + b_rel + x @ W_root


def reference(x, edge_index, edge_attr,
              W_rel0, b_rel0, W_root0,
              W_rel1, b_rel1, W_root1,
              W_rel2, b_rel2, W_root2,
              W_lin, b_lin):
    h = _graph_conv(x, edge_index, edge_attr, W_rel0, b_rel0, W_root0)
    h = _graph_conv(h, edge_index, edge_attr, W_rel1, b_rel1, W_root1)
    h = _graph_conv(h, edge_index, edge_attr, W_rel2, b_rel2, W_root2)
    out = h @ W_lin + b_lin
    return out

if __name__ == "__main__":
    import jax
    _d = setup_inputs()
    print(jax.jit(kernel)(*tuple(_d.values())))

</pallas_src>

<mosaic_0001>
#map = affine_map<(d0, d1) -> (0, 0)>
#map1 = affine_map<(d0, d1) -> (0, 0, 0)>
module attributes {stable_mosaic.version = 14 : i64} {
  func.func @_sc_aggregate(%arg0: i32, %arg1: i32, %arg2: memref<10000x128xf32, #tpu.memory_space<hbm>>, %arg3: memref<32x10240xi32, #tpu.memory_space<hbm>>, %arg4: memref<32x10240xi32, #tpu.memory_space<hbm>>, %arg5: memref<32x163840xf32, #tpu.memory_space<hbm>>, %arg6: memref<10000x128xf32, #tpu.memory_space<hbm>>, %arg7: memref<2x10000x128xf32, #tpu.memory_space<hbm>>, %arg8: memref<2x128xi32, #tpu.memory_space<vmem>>, %arg9: memref<2x128xi32, #tpu.memory_space<vmem>>, %arg10: memref<2x2048xf32, #tpu.memory_space<vmem>>, %arg11: memref<2x128x128xf32, #tpu.memory_space<vmem>>, %arg12: memref<10000x128xf32, #tpu.memory_space<vmem_shared>>, %arg13: memref<!tpu.dma_semaphore, #tpu.memory_space<semaphore_mem>>, %arg14: memref<!tpu.dma_semaphore, #tpu.memory_space<semaphore_mem>>, %arg15: memref<!tpu.dma_semaphore, #tpu.memory_space<semaphore_mem>>, %arg16: memref<!tpu.dma_semaphore, #tpu.memory_space<semaphore_mem>>, %arg17: memref<!tpu.dma_semaphore, #tpu.memory_space<semaphore_mem>>) attributes {dimension_semantics = [#tpu.dimension_semantics<core_parallel>, #tpu.dimension_semantics<subcore_parallel>], iteration_bounds = array<i64: 2, 16>, scalar_prefetch = 0 : i64, scratch_operands = 10 : i64, tpu.core_type = #tpu.core_type<sc_vector_subcore>, window_params = [{transform_indices = #map}, {transform_indices = #map}, {transform_indices = #map}, {transform_indices = #map}, {transform_indices = #map}, {transform_indices = #map1}]} {
    %mul3A = arith.constant 2 : i32
    %mul3A_0 = arith.muli %arg1, %mul3A : i32
    %add3A = arith.addi %mul3A_0, %arg0 : i32
    %mul3A_1 = arith.constant 624 : i32
    %mul3A_2 = arith.muli %arg1, %mul3A_1 : i32
    %mul3A_3 = arith.constant 624 : i32
    %mul3A_4 = arith.muli %arg1, %mul3A_3 : i32
    "tpu.region"() ({
      %run_scoped3A_58 = tpu.sem_alloc : memref<!tpu.dma_semaphore, #tpu.memory_space<semaphore_mem>>
      %dma_start3A_59 = arith.constant 0 : i32
      %dma_start3A_60 = tpu.memref_slice %arg12[%mul3A_4, %dma_start3A_59] : memref<10000x128xf32, #tpu.memory_space<vmem_shared>> -> memref<624x128xf32, #tpu.memory_space<vmem_shared>>
      %dma_start3A_61 = arith.constant 0 : i32
      %dma_start3A_62 = tpu.memref_slice %arg6[%mul3A_2, %dma_start3A_61] : memref<10000x128xf32, #tpu.memory_space<hbm>> -> memref<624x128xf32, #tpu.memory_space<hbm>>
      tpu.enqueue_dma source(%dma_start3A_62 : memref<624x128xf32, #tpu.memory_space<hbm>>) target(%dma_start3A_60 : memref<624x128xf32, #tpu.memory_space<vmem_shared>>) target_semaphore(%run_scoped3A_58 : memref<!tpu.dma_semaphore, #tpu.memory_space<semaphore_mem>>)
      %dma_wait3A_63 = arith.constant 0 : i32
      %dma_wait3A_64 = tpu.memref_slice %arg12[%mul3A_4, %dma_wait3A_63] : memref<10000x128xf32, #tpu.memory_space<vmem_shared>> -> memref<624x128xf32, #tpu.memory_space<vmem_shared>>
      %dma_wait3A_65 = arith.constant 0 : i32
      %dma_wait3A_66 = tpu.memref_slice %arg6[%mul3A_2, %dma_wait3A_65] : memref<10000x128xf32, #tpu.memory_space<hbm>> -> memref<624x128xf32, #tpu.memory_space<hbm>>
      tpu.wait_dma2 semaphore(%run_scoped3A_58 : memref<!tpu.dma_semaphore, #tpu.memory_space<semaphore_mem>>) src(%dma_wait3A_66 : memref<624x128xf32, #tpu.memory_space<hbm>>) dst(%dma_wait3A_64 : memref<624x128xf32, #tpu.memory_space<vmem_shared>>)
      tpu.yield
    }) : () -> ()
    %eq3A = arith.constant 15 : i32
    %eq3A_5 = arith.cmpi eq, %arg1, %eq3A : i32
    %convert_element_type3A = arith.extui %eq3A_5 : i1 to i32
    %cond3A = arith.constant 0 : i32
    %cond3A_6 = arith.cmpi ne, %convert_element_type3A, %cond3A : i32
    scf.if %cond3A_6 {
      "tpu.region"() ({
        %run_scoped3A_58 = tpu.sem_alloc : memref<!tpu.dma_semaphore, #tpu.memory_space<semaphore_mem>>
        %dma_start3A_59 = arith.constant 9984 : i32
        %dma_start3A_60 = arith.constant 0 : i32
        %dma_start3A_61 = tpu.memref_slice %arg12[%dma_start3A_59, %dma_start3A_60] : memref<10000x128xf32, #tpu.memory_space<vmem_shared>> -> memref<16x128xf32, #tpu.memory_space<vmem_shared>>
        %dma_start3A_62 = arith.constant 9984 : i32
        %dma_start3A_63 = arith.constant 0 : i32
        %dma_start3A_64 = tpu.memref_slice %arg6[%dma_start3A_62, %dma_start3A_63] : memref<10000x128xf32, #tpu.memory_space<hbm>> -> memref<16x128xf32, #tpu.memory_space<hbm>>
        tpu.enqueue_dma source(%dma_start3A_64 : memref<16x128xf32, #tpu.memory_space<hbm>>) target(%dma_start3A_61 : memref<16x128xf32, #tpu.memory_space<vmem_shared>>) target_semaphore(%run_scoped3A_58 : memref<!tpu.dma_semaphore, #tpu.memory_space<semaphore_mem>>)
        %dma_wait3A_65 = arith.constant 9984 : i32
        %dma_wait3A_66 = arith.constant 0 : i32
        %dma_wait3A_67 = tpu.memref_slice %arg12[%dma_wait3A_65, %dma_wait3A_66] : memref<10000x128xf32, #tpu.memory_space<vmem_shared>> -> memref<16x128xf32, #tpu.memory_space<vmem_shared>>
        %dma_wait3A_68 = arith.constant 9984 : i32
        %dma_wait3A_69 = arith.constant 0 : i32
        %dma_wait3A_70 = tpu.memref_slice %arg6[%dma_wait3A_68, %dma_wait3A_69] : memref<10000x128xf32, #tpu.memory_space<hbm>> -> memref<16x128xf32, #tpu.memory_space<hbm>>
        tpu.wait_dma2 semaphore(%run_scoped3A_58 : memref<!tpu.dma_semaphore, #tpu.memory_space<semaphore_mem>>) src(%dma_wait3A_70 : memref<16x128xf32, #tpu.memory_space<hbm>>) dst(%dma_wait3A_67 : memref<16x128xf32, #tpu.memory_space<vmem_shared>>)
        tpu.yield
      }) : () -> ()
    } else {
    }
    %barrier3A = arith.constant 0 : index
    tpu.barrier barrier_id(%barrier3A)
    %run_scoped3A = arith.constant 0 : i32
    "tpu.region"() ({
      %run_scoped3A_58 = tpu.sem_alloc : memref<!tpu.dma_semaphore, #tpu.memory_space<semaphore_mem>>
      %dma_start3A_59 = arith.constant 0 : i32
      %dma_start3A_60 = tpu.memref_slice %arg8[%run_scoped3A, %dma_start3A_59] : memref<2x128xi32, #tpu.memory_space<vmem>> -> memref<1x128xi32, #tpu.memory_space<vmem>>
      %dma_start3A_61 = tpu.memref_squeeze %dma_start3A_60 : memref<1x128xi32, #tpu.memory_space<vmem>> -> memref<128xi32, #tpu.memory_space<vmem>>
      %dma_start3A_62 = arith.constant 0 : i32
      %dma_start3A_63 = tpu.memref_slice %arg3[%add3A, %dma_start3A_62] : memref<32x10240xi32, #tpu.memory_space<hbm>> -> memref<1x128xi32, #tpu.memory_space<hbm>>
      %dma_start3A_64 = tpu.memref_squeeze %dma_start3A_63 : memref<1x128xi32, #tpu.memory_space<hbm>> -> memref<128xi32, #tpu.memory_space<hbm>>
      %dma_start3A_65 = arith.constant 0 : i32
      %dma_start3A_66 = tpu.memref_slice %arg8[%run_scoped3A, %dma_start3A_65] : memref<2x128xi32, #tpu.memory_space<vmem>> -> memref<1x128xi32, #tpu.memory_space<vmem>>
      %dma_start3A_67 = tpu.memref_squeeze %dma_start3A_66 : memref<1x128xi32, #tpu.memory_space<vmem>> -> memref<128xi32, #tpu.memory_space<vmem>>
      %dma_start3A_68 = arith.constant 0 : i32
      %dma_start3A_69 = tpu.memref_slice %arg3[%add3A, %dma_start3A_68] : memref<32x10240xi32, #tpu.memory_space<hbm>> -> memref<1x128xi32, #tpu.memory_space<hbm>>
      %dma_start3A_70 = tpu.memref_squeeze %dma_start3A_69 : memref<1x128xi32, #tpu.memory_space<hbm>> -> memref<128xi32, #tpu.memory_space<hbm>>
      tpu.enqueue_dma source(%dma_start3A_70 : memref<128xi32, #tpu.memory_space<hbm>>) target(%dma_start3A_67 : memref<128xi32, #tpu.memory_space<vmem>>) target_semaphore(%run_scoped3A_58 : memref<!tpu.dma_semaphore, #tpu.memory_space<semaphore_mem>>)
      %dma_wait3A_71 = arith.constant 0 : i32
      %dma_wait3A_72 = tpu.memref_slice %arg8[%run_scoped3A, %dma_wait3A_71] : memref<2x128xi32, #tpu.memory_space<vmem>> -> memref<1x128xi32, #tpu.memory_space<vmem>>
      %dma_wait3A_73 = tpu.memref_squeeze %dma_wait3A_72 : memref<1x128xi32, #tpu.memory_space<vmem>> -> memref<128xi32, #tpu.memory_space<vmem>>
      %dma_wait3A_74 = arith.constant 0 : i32
      %dma_wait3A_75 = tpu.memref_slice %arg3[%add3A, %dma_wait3A_74] : memref<32x10240xi32, #tpu.memory_space<hbm>> -> memref<1x128xi32, #tpu.memory_space<hbm>>
      %dma_wait3A_76 = tpu.memref_squeeze %dma_wait3A_75 : memref<1x128xi32, #tpu.memory_space<hbm>> -> memref<128xi32, #tpu.memory_space<hbm>>
      %dma_wait3A_77 = arith.constant 0 : i32
      %dma_wait3A_78 = tpu.memref_slice %arg8[%run_scoped3A, %dma_wait3A_77] : memref<2x128xi32, #tpu.memory_space<vmem>> -> memref<1x128xi32, #tpu.memory_space<vmem>>
      %dma_wait3A_79 = tpu.memref_squeeze %dma_wait3A_78 : memref<1x128xi32, #tpu.memory_space<vmem>> -> memref<128xi32, #tpu.memory_space<vmem>>
      %dma_wait3A_80 = arith.constant 0 : i32
      %dma_wait3A_81 = tpu.memref_slice %arg3[%add3A, %dma_wait3A_80] : memref<32x10240xi32, #tpu.memory_space<hbm>> -> memref<1x128xi32, #tpu.memory_space<hbm>>
      %dma_wait3A_82 = tpu.memref_squeeze %dma_wait3A_81 : memref<1x128xi32, #tpu.memory_space<hbm>> -> memref<128xi32, #tpu.memory_space<hbm>>
      tpu.wait_dma2 semaphore(%run_scoped3A_58 : memref<!tpu.dma_semaphore, #tpu.memory_space<semaphore_mem>>) src(%dma_wait3A_82 : memref<128xi32, #tpu.memory_space<hbm>>) dst(%dma_wait3A_79 : memref<128xi32, #tpu.memory_space<vmem>>)
      tpu.yield
    }) : () -> ()
    %run_scoped3A_7 = arith.constant 0 : i32
    "tpu.region"() ({
      %run_scoped3A_58 = tpu.sem_alloc : memref<!tpu.dma_semaphore, #tpu.memory_space<semaphore_mem>>
      %dma_start3A_59 = arith.constant 0 : i32
      %dma_start3A_60 = tpu.memref_slice %arg9[%run_scoped3A_7, %dma_start3A_59] : memref<2x128xi32, #tpu.memory_space<vmem>> -> memref<1x128xi32, #tpu.memory_space<vmem>>
      %dma_start3A_61 = tpu.memref_squeeze %dma_start3A_60 : memref<1x128xi32, #tpu.memory_space<vmem>> -> memref<128xi32, #tpu.memory_space<vmem>>
      %dma_start3A_62 = arith.constant 0 : i32
      %dma_start3A_63 = tpu.memref_slice %arg4[%add3A, %dma_start3A_62] : memref<32x10240xi32, #tpu.memory_space<hbm>> -> memref<1x128xi32, #tpu.memory_space<hbm>>
      %dma_start3A_64 = tpu.memref_squeeze %dma_start3A_63 : memref<1x128xi32, #tpu.memory_space<hbm>> -> memref<128xi32, #tpu.memory_space<hbm>>
      %dma_start3A_65 = arith.constant 0 : i32
      %dma_start3A_66 = tpu.memref_slice %arg9[%run_scoped3A_7, %dma_start3A_65] : memref<2x128xi32, #tpu.memory_space<vmem>> -> memref<1x128xi32, #tpu.memory_space<vmem>>
      %dma_start3A_67 = tpu.memref_squeeze %dma_start3A_66 : memref<1x128xi32, #tpu.memory_space<vmem>> -> memref<128xi32, #tpu.memory_space<vmem>>
      %dma_start3A_68 = arith.constant 0 : i32
      %dma_start3A_69 = tpu.memref_slice %arg4[%add3A, %dma_start3A_68] : memref<32x10240xi32, #tpu.memory_space<hbm>> -> memref<1x128xi32, #tpu.memory_space<hbm>>
      %dma_start3A_70 = tpu.memref_squeeze %dma_start3A_69 : memref<1x128xi32, #tpu.memory_space<hbm>> -> memref<128xi32, #tpu.memory_space<hbm>>
      tpu.enqueue_dma source(%dma_start3A_70 : memref<128xi32, #tpu.memory_space<hbm>>) target(%dma_start3A_67 : memref<128xi32, #tpu.memory_space<vmem>>) target_semaphore(%run_scoped3A_58 : memref<!tpu.dma_semaphore, #tpu.memory_space<semaphore_mem>>)
      %dma_wait3A_71 = arith.constant 0 : i32
      %dma_wait3A_72 = tpu.memref_slice %arg9[%run_scoped3A_7, %dma_wait3A_71] : memref<2x128xi32, #tpu.memory_space<vmem>> -> memref<1x128xi32, #tpu.memory_space<vmem>>
      %dma_wait3A_73 = tpu.memref_squeeze %dma_wait3A_72 : memref<1x128xi32, #tpu.memory_space<vmem>> -> memref<128xi32, #tpu.memory_space<vmem>>
      %dma_wait3A_74 = arith.constant 0 : i32
      %dma_wait3A_75 = tpu.memref_slice %arg4[%add3A, %dma_wait3A_74] : memref<32x10240xi32, #tpu.memory_space<hbm>> -> memref<1x128xi32, #tpu.memory_space<hbm>>
      %dma_wait3A_76 = tpu.memref_squeeze %dma_wait3A_75 : memref<1x128xi32, #tpu.memory_space<hbm>> -> memref<128xi32, #tpu.memory_space<hbm>>
      %dma_wait3A_77 = arith.constant 0 : i32
      %dma_wait3A_78 = tpu.memref_slice %arg9[%run_scoped3A_7, %dma_wait3A_77] : memref<2x128xi32, #tpu.memory_space<vmem>> -> memref<1x128xi32, #tpu.memory_space<vmem>>
      %dma_wait3A_79 = tpu.memref_squeeze %dma_wait3A_78 : memref<1x128xi32, #tpu.memory_space<vmem>> -> memref<128xi32, #tpu.memory_space<vmem>>
      %dma_wait3A_80 = arith.constant 0 : i32
      %dma_wait3A_81 = tpu.memref_slice %arg4[%add3A, %dma_wait3A_80] : memref<32x10240xi32, #tpu.memory_space<hbm>> -> memref<1x128xi32, #tpu.memory_space<hbm>>
      %dma_wait3A_82 = tpu.memref_squeeze %dma_wait3A_81 : memref<1x128xi32, #tpu.memory_space<hbm>> -> memref<128xi32, #tpu.memory_space<hbm>>
      tpu.wait_dma2 semaphore(%run_scoped3A_58 : memref<!tpu.dma_semaphore, #tpu.memory_space<semaphore_mem>>) src(%dma_wait3A_82 : memref<128xi32, #tpu.memory_space<hbm>>) dst(%dma_wait3A_79 : memref<128xi32, #tpu.memory_space<vmem>>)
      tpu.yield
    }) : () -> ()
    %dma_start3A = arith.constant 0 : i32
    %dma_start3A_8 = arith.constant 0 : i32
    %dma_start3A_9 = tpu.memref_slice %arg10[%dma_start3A, %dma_start3A_8] : memref<2x2048xf32, #tpu.memory_space<vmem>> -> memref<1x2048xf32, #tpu.memory_space<vmem>>
    %dma_start3A_10 = tpu.memref_squeeze %dma_start3A_9 : memref<1x2048xf32, #tpu.memory_space<vmem>> -> memref<2048xf32, #tpu.memory_space<vmem>>
    %dma_start3A_11 = arith.constant 0 : i32
    %dma_start3A_12 = tpu.memref_slice %arg5[%add3A, %dma_start3A_11] : memref<32x163840xf32, #tpu.memory_space<hbm>> -> memref<1x2048xf32, #tpu.memory_space<hbm>>
    %dma_start3A_13 = tpu.memref_squeeze %dma_start3A_12 : memref<1x2048xf32, #tpu.memory_space<hbm>> -> memref<2048xf32, #tpu.memory_space<hbm>>
    %dma_start3A_14 = arith.constant 0 : i32
    %dma_start3A_15 = tpu.memref_slice %arg10[%dma_start3A, %dma_start3A_14] : memref<2x2048xf32, #tpu.memory_space<vmem>> -> memref<1x2048xf32, #tpu.memory_space<vmem>>
    %dma_start3A_16 = tpu.memref_squeeze %dma_start3A_15 : memref<1x2048xf32, #tpu.memory_space<vmem>> -> memref<2048xf32, #tpu.memory_space<vmem>>
    %dma_start3A_17 = arith.constant 0 : i32
    %dma_start3A_18 = tpu.memref_slice %arg5[%add3A, %dma_start3A_17] : memref<32x163840xf32, #tpu.memory_space<hbm>> -> memref<1x2048xf32, #tpu.memory_space<hbm>>
    %dma_start3A_19 = tpu.memref_squeeze %dma_start3A_18 : memref<1x2048xf32, #tpu.memory_space<hbm>> -> memref<2048xf32, #tpu.memory_space<hbm>>
    tpu.enqueue_dma source(%dma_start3A_19 : memref<2048xf32, #tpu.memory_space<hbm>>) target(%dma_start3A_16 : memref<2048xf32, #tpu.memory_space<vmem>>) target_semaphore(%arg14 : memref<!tpu.dma_semaphore, #tpu.memory_space<semaphore_mem>>)
    %dma_start3A_20 = arith.constant 0 : i32
    %dma_start3A_21 = arith.constant 0 : i32
    %dma_start3A_22 = arith.constant 0 : i32
    %dma_start3A_23 = arith.constant 0 : i32
    %dma_start3A_24 = tpu.memref_slice %arg11[%dma_start3A_21, %dma_start3A_22, %dma_start3A_23] : memref<2x128x128xf32, #tpu.memory_space<vmem>> -> memref<1x128x128xf32, #tpu.memory_space<vmem>>
    %dma_start3A_25 = tpu.memref_squeeze %dma_start3A_24 : memref<1x128x128xf32, #tpu.memory_space<vmem>> -> memref<128x128xf32, #tpu.memory_space<vmem>>
    %dma_start3A_26 = arith.constant 0 : i32
    %dma_start3A_27 = tpu.memref_slice %arg8[%dma_start3A_20, %dma_start3A_26] : memref<2x128xi32, #tpu.memory_space<vmem>> -> memref<1x128xi32, #tpu.memory_space<vmem>>
    %dma_start3A_28 = tpu.memref_squeeze %dma_start3A_27 : memref<1x128xi32, #tpu.memory_space<vmem>> -> memref<128xi32, #tpu.memory_space<vmem>>
    %dma_start3A_29 = arith.constant 0 : i32
    %dma_start3A_30 = arith.constant 0 : i32
    %dma_start3A_31 = tpu.memref_slice %arg2[%dma_start3A_29, %dma_start3A_30] : memref<10000x128xf32, #tpu.memory_space<hbm>> -> memref<10000x128xf32, #tpu.memory_space<hbm>>
    tpu.enqueue_indirect_dma source(%dma_start3A_31 : memref<10000x128xf32, #tpu.memory_space<hbm>>) target(%dma_start3A_25 : memref<128x128xf32, #tpu.memory_space<vmem>>) offsets(%dma_start3A_28 : memref<128xi32, #tpu.memory_space<vmem>>) semaphore(%arg13 : memref<!tpu.dma_semaphore, #tpu.memory_space<semaphore_mem>>)
    %scan3A = arith.constant 0 : i32
    %scan3A_32 = arith.constant 0 : i32
    %scan3A_33 = arith.constant 80 : i32
    %scan3A_34 = arith.addi %scan3A_32, %scan3A_33 : i32
    %scan3A_35 = arith.constant 1 : i32
    scf.for %scan3A_58 = %scan3A_32 to %scan3A_34 step %scan3A_35  : i32 {
      %rem3A = arith.constant 2 : i32
      %rem3A_59 = arith.remsi %scan3A_58, %rem3A : i32
      %sub3A = arith.constant 1 : i32
      %sub3A_60 = arith.subi %sub3A, %rem3A_59 : i32
      %gt3A = arith.constant 0 : i32
      %gt3A_61 = arith.cmpi sgt, %scan3A_58, %gt3A : i32
      %convert_element_type3A_62 = arith.extui %gt3A_61 : i1 to i32
      %cond3A_63 = arith.constant 0 : i32
      %cond3A_64 = arith.cmpi ne, %convert_element_type3A_62, %cond3A_63 : i32
      scf.if %cond3A_64 {
        %dma_wait3A_108 = arith.constant 0 : i32
        %dma_wait3A_109 = arith.constant 0 : i32
        %dma_wait3A_110 = tpu.memref_slice %arg11[%sub3A_60, %dma_wait3A_108, %dma_wait3A_109] : memref<2x128x128xf32, #tpu.memory_space<vmem>> -> memref<1x128x128xf32, #tpu.memory_space<vmem>>
        %dma_wait3A_111 = tpu.memref_squeeze %dma_wait3A_110 : memref<1x128x128xf32, #tpu.memory_space<vmem>> -> memref<128x128xf32, #tpu.memory_space<vmem>>
        %dma_wait3A_112 = arith.constant 0 : i32
        %dma_wait3A_113 = tpu.memref_slice %arg9[%sub3A_60, %dma_wait3A_112] : memref<2x128xi32, #tpu.memory_space<vmem>> -> memref<1x128xi32, #tpu.memory_space<vmem>>
        %dma_wait3A_114 = tpu.memref_squeeze %dma_wait3A_113 : memref<1x128xi32, #tpu.memory_space<vmem>> -> memref<128xi32, #tpu.memory_space<vmem>>
        %dma_wait3A_115 = arith.constant 0 : i32
        %dma_wait3A_116 = arith.constant 0 : i32
        %dma_wait3A_117 = tpu.memref_slice %arg12[%dma_wait3A_115, %dma_wait3A_116] : memref<10000x128xf32, #tpu.memory_space<vmem_shared>> -> memref<10000x128xf32, #tpu.memory_space<vmem_shared>>
        tpu.wait_indirect_dma semaphore(%arg17 : memref<!tpu.dma_semaphore, #tpu.memory_space<semaphore_mem>>) src(%dma_wait3A_111 : memref<128x128xf32, #tpu.memory_space<vmem>>) dst(%dma_wait3A_117 : memref<10000x128xf32, #tpu.memory_space<vmem_shared>>)
      } else {
      }
      %dma_wait3A_65 = arith.constant 0 : i32
      %dma_wait3A_66 = tpu.memref_slice %arg10[%rem3A_59, %dma_wait3A_65] : memref<2x2048xf32, #tpu.memory_space<vmem>> -> memref<1x2048xf32, #tpu.memory_space<vmem>>
      %dma_wait3A_67 = tpu.memref_squeeze %dma_wait3A_66 : memref<1x2048xf32, #tpu.memory_space<vmem>> -> memref<2048xf32, #tpu.memory_space<vmem>>
      %dma_wait3A_68 = arith.constant 0 : i32
      %dma_wait3A_69 = tpu.memref_slice %arg5[%add3A, %dma_wait3A_68] : memref<32x163840xf32, #tpu.memory_space<hbm>> -> memref<1x2048xf32, #tpu.memory_space<hbm>>
      %dma_wait3A_70 = tpu.memref_squeeze %dma_wait3A_69 : memref<1x2048xf32, #tpu.memory_space<hbm>> -> memref<2048xf32, #tpu.memory_space<hbm>>
      %dma_wait3A_71 = arith.constant 0 : i32
      %dma_wait3A_72 = tpu.memref_slice %arg10[%rem3A_59, %dma_wait3A_71] : memref<2x2048xf32, #tpu.memory_space<vmem>> -> memref<1x2048xf32, #tpu.memory_space<vmem>>
      %dma_wait3A_73 = tpu.memref_squeeze %dma_wait3A_72 : memref<1x2048xf32, #tpu.memory_space<vmem>> -> memref<2048xf32, #tpu.memory_space<vmem>>
      %dma_wait3A_74 = arith.constant 0 : i32
      %dma_wait3A_75 = tpu.memref_slice %arg5[%add3A, %dma_wait3A_74] : memref<32x163840xf32, #tpu.memory_space<hbm>> -> memref<1x2048xf32, #tpu.memory_space<hbm>>
      %dma_wait3A_76 = tpu.memref_squeeze %dma_wait3A_75 : memref<1x2048xf32, #tpu.memory_space<hbm>> -> memref<2048xf32, #tpu.memory_space<hbm>>
      tpu.wait_dma2 semaphore(%arg14 : memref<!tpu.dma_semaphore, #tpu.memory_space<semaphore_mem>>) src(%dma_wait3A_76 : memref<2048xf32, #tpu.memory_space<hbm>>) dst(%dma_wait3A_73 : memref<2048xf32, #tpu.memory_space<vmem>>)
      %lt3A = arith.constant 79 : i32
      %lt3A_77 = arith.cmpi slt, %scan3A_58, %lt3A : i32
      %convert_element_type3A_78 = arith.extui %lt3A_77 : i1 to i32
      %cond3A_79 = arith.constant 0 : i32
      %cond3A_80 = arith.cmpi ne, %convert_element_type3A_78, %cond3A_79 : i32
      scf.if %cond3A_80 {
        %add3A_108 = arith.constant 1 : i32
        %add3A_109 = arith.addi %scan3A_58, %add3A_108 : i32
        %mul3A_110 = arith.constant 128 : i32
        %mul3A_111 = arith.muli %add3A_109, %mul3A_110 : i32
        %dma_start3A_112 = arith.constant 0 : i32
        %dma_start3A_113 = tpu.memref_slice %arg8[%sub3A_60, %dma_start3A_112] : memref<2x128xi32, #tpu.memory_space<vmem>> -> memref<1x128xi32, #tpu.memory_space<vmem>>
        %dma_start3A_114 = tpu.memref_squeeze %dma_start3A_113 : memref<1x128xi32, #tpu.memory_space<vmem>> -> memref<128xi32, #tpu.memory_space<vmem>>
        %dma_start3A_115 = tpu.memref_slice %arg3[%add3A, %mul3A_111] : memref<32x10240xi32, #tpu.memory_space<hbm>> -> memref<1x128xi32, #tpu.memory_space<hbm>>
        %dma_start3A_116 = tpu.memref_squeeze %dma_start3A_115 : memref<1x128xi32, #tpu.memory_space<hbm>> -> memref<128xi32, #tpu.memory_space<hbm>>
        %dma_start3A_117 = arith.constant 0 : i32
        %dma_start3A_118 = tpu.memref_slice %arg8[%sub3A_60, %dma_start3A_117] : memref<2x128xi32, #tpu.memory_space<vmem>> -> memref<1x128xi32, #tpu.memory_space<vmem>>
        %dma_start3A_119 = tpu.memref_squeeze %dma_start3A_118 : memref<1x128xi32, #tpu.memory_space<vmem>> -> memref<128xi32, #tpu.memory_space<vmem>>
        %dma_start3A_120 = tpu.memref_slice %arg3[%add3A, %mul3A_111] : memref<32x10240xi32, #tpu.memory_space<hbm>> -> memref<1x128xi32, #tpu.memory_space<hbm>>
        %dma_start3A_121 = tpu.memref_squeeze %dma_start3A_120 : memref<1x128xi32, #tpu.memory_space<hbm>> -> memref<128xi32, #tpu.memory_space<hbm>>
        tpu.enqueue_dma source(%dma_start3A_121 : memref<128xi32, #tpu.memory_space<hbm>>) target(%dma_start3A_119 : memref<128xi32, #tpu.memory_space<vmem>>) target_semaphore(%arg15 : memref<!tpu.dma_semaphore, #tpu.memory_space<semaphore_mem>>)
        %dma_start3A_122 = arith.constant 0 : i32
        %dma_start3A_123 = tpu.memref_slice %arg9[%sub3A_60, %dma_start3A_122] : memref<2x128xi32, #tpu.memory_space<vmem>> -> memref<1x128xi32, #tpu.memory_space<vmem>>
        %dma_start3A_124 = tpu.memref_squeeze %dma_start3A_123 : memref<1x128xi32, #tpu.memory_space<vmem>> -> memref<128xi32, #tpu.memory_space<vmem>>
        %dma_start3A_125 = tpu.memref_slice %arg4[%add3A, %mul3A_111] : memref<32x10240xi32, #tpu.memory_space<hbm>> -> memref<1x128xi32, #tpu.memory_space<hbm>>
        %dma_start3A_126 = tpu.memref_squeeze %dma_start3A_125 : memref<1x128xi32, #tpu.memory_space<hbm>> -> memref<128xi32, #tpu.memory_space<hbm>>
        %dma_start3A_127 = arith.constant 0 : i32
        %dma_start3A_128 = tpu.memref_slice %arg9[%sub3A_60, %dma_start3A_127] : memref<2x128xi32, #tpu.memory_space<vmem>> -> memref<1x128xi32, #tpu.memory_space<vmem>>
        %dma_start3A_129 = tpu.memref_squeeze %dma_start3A_128 : memref<1x128xi32, #tpu.memory_space<vmem>> -> memref<128xi32, #tpu.memory_space<vmem>>
        %dma_start3A_130 = tpu.memref_slice %arg4[%add3A, %mul3A_111] : memref<32x10240xi32, #tpu.memory_space<hbm>> -> memref<1x128xi32, #tpu.memory_space<hbm>>
        %dma_start3A_131 = tpu.memref_squeeze %dma_start3A_130 : memref<1x128xi32, #tpu.memory_space<hbm>> -> memref<128xi32, #tpu.memory_space<hbm>>
        tpu.enqueue_dma source(%dma_start3A_131 : memref<128xi32, #tpu.memory_space<hbm>>) target(%dma_start3A_129 : memref<128xi32, #tpu.memory_space<vmem>>) target_semaphore(%arg16 : memref<!tpu.dma_semaphore, #tpu.memory_space<semaphore_mem>>)
        %mul3A_132 = arith.constant 16 : i32
        %mul3A_133 = arith.muli %mul3A_111, %mul3A_132 : i32
        %dma_start3A_134 = arith.constant 0 : i32
        %dma_start3A_135 = tpu.memref_slice %arg10[%sub3A_60, %dma_start3A_134] : memref<2x2048xf32, #tpu.memory_space<vmem>> -> memref<1x2048xf32, #tpu.memory_space<vmem>>
        %dma_start3A_136 = tpu.memref_squeeze %dma_start3A_135 : memref<1x2048xf32, #tpu.memory_space<vmem>> -> memref<2048xf32, #tpu.memory_space<vmem>>
        %dma_start3A_137 = tpu.memref_slice %arg5[%add3A, %mul3A_133] : memref<32x163840xf32, #tpu.memory_space<hbm>> -> memref<1x2048xf32, #tpu.memory_space<hbm>>
        %dma_start3A_138 = tpu.memref_squeeze %dma_start3A_137 : memref<1x2048xf32, #tpu.memory_space<hbm>> -> memref<2048xf32, #tpu.memory_space<hbm>>
        %dma_start3A_139 = arith.constant 0 : i32
        %dma_start3A_140 = tpu.memref_slice %arg10[%sub3A_60, %dma_start3A_139] : memref<2x2048xf32, #tpu.memory_space<vmem>> -> memref<1x2048xf32, #tpu.memory_space<vmem>>
        %dma_start3A_141 = tpu.memref_squeeze %dma_start3A_140 : memref<1x2048xf32, #tpu.memory_space<vmem>> -> memref<2048xf32, #tpu.memory_space<vmem>>
        %dma_start3A_142 = tpu.memref_slice %arg5[%add3A, %mul3A_133] : memref<32x163840xf32, #tpu.memory_space<hbm>> -> memref<1x2048xf32, #tpu.memory_space<hbm>>
        %dma_start3A_143 = tpu.memref_squeeze %dma_start3A_142 : memref<1x2048xf32, #tpu.memory_space<hbm>> -> memref<2048xf32, #tpu.memory_space<hbm>>
        tpu.enqueue_dma source(%dma_start3A_143 : memref<2048xf32, #tpu.memory_space<hbm>>) target(%dma_start3A_141 : memref<2048xf32, #tpu.memory_space<vmem>>) target_semaphore(%arg14 : memref<!tpu.dma_semaphore, #tpu.memory_space<semaphore_mem>>)
      } else {
      }
      %dma_wait3A_81 = arith.constant 0 : i32
      %dma_wait3A_82 = arith.constant 0 : i32
      %dma_wait3A_83 = tpu.memref_slice %arg11[%rem3A_59, %dma_wait3A_81, %dma_wait3A_82] : memref<2x128x128xf32, #tpu.memory_space<vmem>> -> memref<1x128x128xf32, #tpu.memory_space<vmem>>
      %dma_wait3A_84 = tpu.memref_squeeze %dma_wait3A_83 : memref<1x128x128xf32, #tpu.memory_space<vmem>> -> memref<128x128xf32, #tpu.memory_space<vmem>>
      %dma_wait3A_85 = arith.constant 0 : i32
      %dma_wait3A_86 = tpu.memref_slice %arg8[%rem3A_59, %dma_wait3A_85] : memref<2x128xi32, #tpu.memory_space<vmem>> -> memref<1x128xi32, #tpu.memory_space<vmem>>
      %dma_wait3A_87 = tpu.memref_squeeze %dma_wait3A_86 : memref<1x128xi32, #tpu.memory_space<vmem>> -> memref<128xi32, #tpu.memory_space<vmem>>
      %dma_wait3A_88 = arith.constant 0 : i32
      %dma_wait3A_89 = arith.constant 0 : i32
      %dma_wait3A_90 = tpu.memref_slice %arg2[%dma_wait3A_88, %dma_wait3A_89] : memref<10000x128xf32, #tpu.memory_space<hbm>> -> memref<10000x128xf32, #tpu.memory_space<hbm>>
      tpu.wait_indirect_dma semaphore(%arg13 : memref<!tpu.dma_semaphore, #tpu.memory_space<semaphore_mem>>) src(%dma_wait3A_90 : memref<10000x128xf32, #tpu.memory_space<hbm>>) dst(%dma_wait3A_84 : memref<128x128xf32, #tpu.memory_space<vmem>>)
      %lt3A_91 = arith.constant 79 : i32
      %lt3A_92 = arith.cmpi slt, %scan3A_58, %lt3A_91 : i32
      %convert_element_type3A_93 = arith.extui %lt3A_92 : i1 to i32
      %cond3A_94 = arith.constant 0 : i32
      %cond3A_95 = arith.cmpi ne, %convert_element_type3A_93, %cond3A_94 : i32
      scf.if %cond3A_95 {
        %add3A_108 = arith.constant 1 : i32
        %add3A_109 = arith.addi %scan3A_58, %add3A_108 : i32
        %mul3A_110 = arith.constant 128 : i32
        %mul3A_111 = arith.muli %add3A_109, %mul3A_110 : i32
        %dma_wait3A_112 = arith.constant 0 : i32
        %dma_wait3A_113 = tpu.memref_slice %arg8[%sub3A_60, %dma_wait3A_112] : memref<2x128xi32, #tpu.memory_space<vmem>> -> memref<1x128xi32, #tpu.memory_space<vmem>>
        %dma_wait3A_114 = tpu.memref_squeeze %dma_wait3A_113 : memref<1x128xi32, #tpu.memory_space<vmem>> -> memref<128xi32, #tpu.memory_space<vmem>>
        %dma_wait3A_115 = tpu.memref_slice %arg3[%add3A, %mul3A_111] : memref<32x10240xi32, #tpu.memory_space<hbm>> -> memref<1x128xi32, #tpu.memory_space<hbm>>
        %dma_wait3A_116 = tpu.memref_squeeze %dma_wait3A_115 : memref<1x128xi32, #tpu.memory_space<hbm>> -> memref<128xi32, #tpu.memory_space<hbm>>
        %dma_wait3A_117 = arith.constant 0 : i32
        %dma_wait3A_118 = tpu.memref_slice %arg8[%sub3A_60, %dma_wait3A_117] : memref<2x128xi32, #tpu.memory_space<vmem>> -> memref<1x128xi32, #tpu.memory_space<vmem>>
        %dma_wait3A_119 = tpu.memref_squeeze %dma_wait3A_118 : memref<1x128xi32, #tpu.memory_space<vmem>> -> memref<128xi32, #tpu.memory_space<vmem>>
        %dma_wait3A_120 = tpu.memref_slice %arg3[%add3A, %mul3A_111] : memref<32x10240xi32, #tpu.memory_space<hbm>> -> memref<1x128xi32, #tpu.memory_space<hbm>>
        %dma_wait3A_121 = tpu.memref_squeeze %dma_wait3A_120 : memref<1x128xi32, #tpu.memory_space<hbm>> -> memref<128xi32, #tpu.memory_space<hbm>>
        tpu.wait_dma2 semaphore(%arg15 : memref<!tpu.dma_semaphore, #tpu.memory_space<semaphore_mem>>) src(%dma_wait3A_121 : memref<128xi32, #tpu.memory_space<hbm>>) dst(%dma_wait3A_119 : memref<128xi32, #tpu.memory_space<vmem>>)
        %dma_wait3A_122 = arith.constant 0 : i32
        %dma_wait3A_123 = tpu.memref_slice %arg9[%sub3A_60, %dma_wait3A_122] : memref<2x128xi32, #tpu.memory_space<vmem>> -> memref<1x128xi32, #tpu.memory_space<vmem>>
        %dma_wait3A_124 = tpu.memref_squeeze %dma_wait3A_123 : memref<1x128xi32, #tpu.memory_space<vmem>> -> memref<128xi32, #tpu.memory_space<vmem>>
        %dma_wait3A_125 = tpu.memref_slice %arg4[%add3A, %mul3A_111] : memref<32x10240xi32, #tpu.memory_space<hbm>> -> memref<1x128xi32, #tpu.memory_space<hbm>>
        %dma_wait3A_126 = tpu.memref_squeeze %dma_wait3A_125 : memref<1x128xi32, #tpu.memory_space<hbm>> -> memref<128xi32, #tpu.memory_space<hbm>>
        %dma_wait3A_127 = arith.constant 0 : i32
        %dma_wait3A_128 = tpu.memref_slice %arg9[%sub3A_60, %dma_wait3A_127] : memref<2x128xi32, #tpu.memory_space<vmem>> -> memref<1x128xi32, #tpu.memory_space<vmem>>
        %dma_wait3A_129 = tpu.memref_squeeze %dma_wait3A_128 : memref<1x128xi32, #tpu.memory_space<vmem>> -> memref<128xi32, #tpu.memory_space<vmem>>
        %dma_wait3A_130 = tpu.memref_slice %arg4[%add3A, %mul3A_111] : memref<32x10240xi32, #tpu.memory_space<hbm>> -> memref<1x128xi32, #tpu.memory_space<hbm>>
        %dma_wait3A_131 = tpu.memref_squeeze %dma_wait3A_130 : memref<1x128xi32, #tpu.memory_space<hbm>> -> memref<128xi32, #tpu.memory_space<hbm>>
        tpu.wait_dma2 semaphore(%arg16 : memref<!tpu.dma_semaphore, #tpu.memory_space<semaphore_mem>>) src(%dma_wait3A_131 : memref<128xi32, #tpu.memory_space<hbm>>) dst(%dma_wait3A_129 : memref<128xi32, #tpu.memory_space<vmem>>)
        %dma_start3A_132 = arith.constant 0 : i32
        %dma_start3A_133 = arith.constant 0 : i32
        %dma_start3A_134 = tpu.memref_slice %arg11[%sub3A_60, %dma_start3A_132, %dma_start3A_133] : memref<2x128x128xf32, #tpu.memory_space<vmem>> -> memref<1x128x128xf32, #tpu.memory_space<vmem>>
        %dma_start3A_135 = tpu.memref_squeeze %dma_start3A_134 : memref<1x128x128xf32, #tpu.memory_space<vmem>> -> memref<128x128xf32, #tpu.memory_space<vmem>>
        %dma_start3A_136 = arith.constant 0 : i32
        %dma_start3A_137 = tpu.memref_slice %arg8[%sub3A_60, %dma_start3A_136] : memref<2x128xi32, #tpu.memory_space<vmem>> -> memref<1x128xi32, #tpu.memory_space<vmem>>
        %dma_start3A_138 = tpu.memref_squeeze %dma_start3A_137 : memref<1x128xi32, #tpu.memory_space<vmem>> -> memref<128xi32, #tpu.memory_space<vmem>>
        %dma_start3A_139 = arith.constant 0 : i32
        %dma_start3A_140 = arith.constant 0 : i32
        %dma_start3A_141 = tpu.memref_slice %arg2[%dma_start3A_139, %dma_start3A_140] : memref<10000x128xf32, #tpu.memory_space<hbm>> -> memref<10000x128xf32, #tpu.memory_space<hbm>>
        tpu.enqueue_indirect_dma source(%dma_start3A_141 : memref<10000x128xf32, #tpu.memory_space<hbm>>) target(%dma_start3A_135 : memref<128x128xf32, #tpu.memory_space<vmem>>) offsets(%dma_start3A_138 : memref<128xi32, #tpu.memory_space<vmem>>) semaphore(%arg13 : memref<!tpu.dma_semaphore, #tpu.memory_space<semaphore_mem>>)
      } else {
      }
      %parallel_loop3A = arith.constant 0 : i32
      %parallel_loop3A_96 = arith.constant 128 : i32
      %parallel_loop3A_97 = arith.constant 1 : i32
      scf.for %parallel_loop3A_108 = %parallel_loop3A to %parallel_loop3A_96 step %parallel_loop3A_97  : i32 {
        %parallel_loop3A_109 = arith.constant 16 : i32
        %parallel_loop3A_110 = arith.muli %parallel_loop3A_108, %parallel_loop3A_109 : i32
        %parallel_loop3A_111 = arith.index_cast %rem3A_59 : i32 to index
        %parallel_loop3A_112 = arith.index_cast %parallel_loop3A_110 : i32 to index
        %parallel_loop3A_113 = tpu.vector_load %arg10[%parallel_loop3A_111, %parallel_loop3A_112] {strides = array<i32>} : memref<2x2048xf32, #tpu.memory_space<vmem>>, vector<1x16xf32>,
        %parallel_loop3A_114 = vector.shape_cast %parallel_loop3A_113 : vector<1x16xf32> to vector<16xf32>
        %parallel_loop3A_115 = arith.index_cast %rem3A_59 : i32 to index
        %parallel_loop3A_116 = arith.index_cast %parallel_loop3A_108 : i32 to index
        %parallel_loop3A_117 = arith.constant 0 : index
        %parallel_loop3A_118 = tpu.vector_load %arg11[%parallel_loop3A_115, %parallel_loop3A_116, %parallel_loop3A_117] {strides = array<i32>} : memref<2x128x128xf32, #tpu.memory_space<vmem>>, vector<1x1x16xf32>,
        %parallel_loop3A_119 = vector.shape_cast %parallel_loop3A_118 : vector<1x1x16xf32> to vector<16xf32>
        %parallel_loop3A_120 = arith.mulf %parallel_loop3A_119, %parallel_loop3A_114 : vector<16xf32>
        %parallel_loop3A_121 = arith.index_cast %rem3A_59 : i32 to index
        %parallel_loop3A_122 = arith.index_cast %parallel_loop3A_108 : i32 to index
        %parallel_loop3A_123 = arith.constant 0 : index
        %parallel_loop3A_124 = tpu.vector_load %arg11[%parallel_loop3A_121, %parallel_loop3A_122, %parallel_loop3A_123] {strides = array<i32>} : memref<2x128x128xf32, #tpu.memory_space<vmem>>, vector<1x1x16xf32>,
        %parallel_loop3A_125 = vector.shape_cast %parallel_loop3A_124 : vector<1x1x16xf32> to vector<16xf32>
        %parallel_loop3A_126 = vector.shape_cast %parallel_loop3A_120 : vector<16xf32> to vector<1x1x16xf32>
        tpu.vector_store %arg11[%parallel_loop3A_121, %parallel_loop3A_122, %parallel_loop3A_123], %parallel_loop3A_126 {strides = array<i32>} : memref<2x128x128xf32, #tpu.memory_space<vmem>>, vector<1x1x16xf32>,
        %parallel_loop3A_127 = arith.index_cast %rem3A_59 : i32 to index
        %parallel_loop3A_128 = arith.index_cast %parallel_loop3A_108 : i32 to index
        %parallel_loop3A_129 = arith.constant 16 : index
        %parallel_loop3A_130 = tpu.vector_load %arg11[%parallel_loop3A_127, %parallel_loop3A_128, %parallel_loop3A_129] {strides = array<i32>} : memref<2x128x128xf32, #tpu.memory_space<vmem>>, vector<1x1x16xf32>,
        %parallel_loop3A_131 = vector.shape_cast %parallel_loop3A_130 : vector<1x1x16xf32> to vector<16xf32>
        %parallel_loop3A_132 = arith.mulf %parallel_loop3A_131, %parallel_loop3A_114 : vector<16xf32>
        %parallel_loop3A_133 = arith.index_cast %rem3A_59 : i32 to index
        %parallel_loop3A_134 = arith.index_cast %parallel_loop3A_108 : i32 to index
        %parallel_loop3A_135 = arith.constant 16 : index
        %parallel_loop3A_136 = tpu.vector_load %arg11[%parallel_loop3A_133, %parallel_loop3A_134, %parallel_loop3A_135] {strides = array<i32>} : memref<2x128x128xf32, #tpu.memory_space<vmem>>, vector<1x1x16xf32>,
        %parallel_loop3A_137 = vector.shape_cast %parallel_loop3A_136 : vector<1x1x16xf32> to vector<16xf32>
        %parallel_loop3A_138 = vector.shape_cast %parallel_loop3A_132 : vector<16xf32> to vector<1x1x16xf32>
        tpu.vector_store %arg11[%parallel_loop3A_133, %parallel_loop3A_134, %parallel_loop3A_135], %parallel_loop3A_138 {strides = array<i32>} : memref<2x128x128xf32, #tpu.memory_space<vmem>>, vector<1x1x16xf32>,
        %parallel_loop3A_139 = arith.index_cast %rem3A_59 : i32 to index
        %parallel_loop3A_140 = arith.index_cast %parallel_loop3A_108 : i32 to index
        %parallel_loop3A_141 = arith.constant 32 : index
        %parallel_loop3A_142 = tpu.vector_load %arg11[%parallel_loop3A_139, %parallel_loop3A_140, %parallel_loop3A_141] {strides = array<i32>} : memref<2x128x128xf32, #tpu.memory_space<vmem>>, vector<1x1x16xf32>,
        %parallel_loop3A_143 = vector.shape_cast %parallel_loop3A_142 : vector<1x1x16xf32> to vector<16xf32>
        %parallel_loop3A_144 = arith.mulf %parallel_loop3A_143, %parallel_loop3A_114 : vector<16xf32>
        %parallel_loop3A_145 = arith.index_cast %rem3A_59 : i32 to index
        %parallel_loop3A_146 = arith.index_cast %parallel_loop3A_108 : i32 to index
        %parallel_loop3A_147 = arith.constant 32 : index
        %parallel_loop3A_148 = tpu.vector_load %arg11[%parallel_loop3A_145, %parallel_loop3A_146, %parallel_loop3A_147] {strides = array<i32>} : memref<2x128x128xf32, #tpu.memory_space<vmem>>, vector<1x1x16xf32>,
        %parallel_loop3A_149 = vector.shape_cast %parallel_loop3A_148 : vector<1x1x16xf32> to vector<16xf32>
        %parallel_loop3A_150 = vector.shape_cast %parallel_loop3A_144 : vector<16xf32> to vector<1x1x16xf32>
        tpu.vector_store %arg11[%parallel_loop3A_145, %parallel_loop3A_146, %parallel_loop3A_147], %parallel_loop3A_150 {strides = array<i32>} : memref<2x128x128xf32, #tpu.memory_space<vmem>>, vector<1x1x16xf32>,
        %parallel_loop3A_151 = arith.index_cast %rem3A_59 : i32 to index
        %parallel_loop3A_152 = arith.index_cast %parallel_loop3A_108 : i32 to index
        %parallel_loop3A_153 = arith.constant 48 : index
        %parallel_loop3A_154 = tpu.vector_load %arg11[%parallel_loop3A_151, %parallel_loop3A_152, %parallel_loop3A_153] {strides = array<i32>} : memref<2x128x128xf32, #tpu.memory_space<vmem>>, vector<1x1x16xf32>,
        %parallel_loop3A_155 = vector.shape_cast %parallel_loop3A_154 : vector<1x1x16xf32> to vector<16xf32>
        %parallel_loop3A_156 = arith.mulf %parallel_loop3A_155, %parallel_loop3A_114 : vector<16xf32>
        %parallel_loop3A_157 = arith.index_cast %rem3A_59 : i32 to index
        %parallel_loop3A_158 = arith.index_cast %parallel_loop3A_108 : i32 to index
        %parallel_loop3A_159 = arith.constant 48 : index
        %parallel_loop3A_160 = tpu.vector_load %arg11[%parallel_loop3A_157, %parallel_loop3A_158, %parallel_loop3A_159] {strides = array<i32>} : memref<2x128x128xf32, #tpu.memory_space<vmem>>, vector<1x1x16xf32>,
        %parallel_loop3A_161 = vector.shape_cast %parallel_loop3A_160 : vector<1x1x16xf32> to vector<16xf32>
        %parallel_loop3A_162 = vector.shape_cast %parallel_loop3A_156 : vector<16xf32> to vector<1x1x16xf32>
        tpu.vector_store %arg11[%parallel_loop3A_157, %parallel_loop3A_158, %parallel_loop3A_159], %parallel_loop3A_162 {strides = array<i32>} : memref<2x128x128xf32, #tpu.memory_space<vmem>>, vector<1x1x16xf32>,
        %parallel_loop3A_163 = arith.index_cast %rem3A_59 : i32 to index
        %parallel_loop3A_164 = arith.index_cast %parallel_loop3A_108 : i32 to index
        %parallel_loop3A_165 = arith.constant 64 : index
        %parallel_loop3A_166 = tpu.vector_load %arg11[%parallel_loop3A_163, %parallel_loop3A_164, %parallel_loop3A_165] {strides = array<i32>} : memref<2x128x128xf32, #tpu.memory_space<vmem>>, vector<1x1x16xf32>,
        %parallel_loop3A_167 = vector.shape_cast %parallel_loop3A_166 : vector<1x1x16xf32> to vector<16xf32>
        %parallel_loop3A_168 = arith.mulf %parallel_loop3A_167, %parallel_loop3A_114 : vector<16xf32>
        %parallel_loop3A_169 = arith.index_cast %rem3A_59 : i32 to index
        %parallel_loop3A_170 = arith.index_cast %parallel_loop3A_108 : i32 to index
        %parallel_loop3A_171 = arith.constant 64 : index
        %parallel_loop3A_172 = tpu.vector_load %arg11[%parallel_loop3A_169, %parallel_loop3A_170, %parallel_loop3A_171] {strides = array<i32>} : memref<2x128x128xf32, #tpu.memory_space<vmem>>, vector<1x1x16xf32>,
        %parallel_loop3A_173 = vector.shape_cast %parallel_loop3A_172 : vector<1x1x16xf32> to vector<16xf32>
        %parallel_loop3A_174 = vector.shape_cast %parallel_loop3A_168 : vector<16xf32> to vector<1x1x16xf32>
        tpu.vector_store %arg11[%parallel_loop3A_169, %parallel_loop3A_170, %parallel_loop3A_171], %parallel_loop3A_174 {strides = array<i32>} : memref<2x128x128xf32, #tpu.memory_space<vmem>>, vector<1x1x16xf32>,
        %parallel_loop3A_175 = arith.index_cast %rem3A_59 : i32 to index
        %parallel_loop3A_176 = arith.index_cast %parallel_loop3A_108 : i32 to index
        %parallel_loop3A_177 = arith.constant 80 : index
        %parallel_loop3A_178 = tpu.vector_load %arg11[%parallel_loop3A_175, %parallel_loop3A_176, %parallel_loop3A_177] {strides = array<i32>} : memref<2x128x128xf32, #tpu.memory_space<vmem>>, vector<1x1x16xf32>,
        %parallel_loop3A_179 = vector.shape_cast %parallel_loop3A_178 : vector<1x1x16xf32> to vector<16xf32>
        %parallel_loop3A_180 = arith.mulf %parallel_loop3A_179, %parallel_loop3A_114 : vector<16xf32>
        %parallel_loop3A_181 = arith.index_cast %rem3A_59 : i32 to index
        %parallel_loop3A_182 = arith.index_cast %parallel_loop3A_108 : i32 to index
        %parallel_loop3A_183 = arith.constant 80 : index
        %parallel_loop3A_184 = tpu.vector_load %arg11[%parallel_loop3A_181, %parallel_loop3A_182, %parallel_loop3A_183] {strides = array<i32>} : memref<2x128x128xf32, #tpu.memory_space<vmem>>, vector<1x1x16xf32>,
        %parallel_loop3A_185 = vector.shape_cast %parallel_loop3A_184 : vector<1x1x16xf32> to vector<16xf32>
        %parallel_loop3A_186 = vector.shape_cast %parallel_loop3A_180 : vector<16xf32> to vector<1x1x16xf32>
        tpu.vector_store %arg11[%parallel_loop3A_181, %parallel_loop3A_182, %parallel_loop3A_183], %parallel_loop3A_186 {strides = array<i32>} : memref<2x128x128xf32, #tpu.memory_space<vmem>>, vector<1x1x16xf32>,
        %parallel_loop3A_187 = arith.index_cast %rem3A_59 : i32 to index
        %parallel_loop3A_188 = arith.index_cast %parallel_loop3A_108 : i32 to index
        %parallel_loop3A_189 = arith.constant 96 : index
        %parallel_loop3A_190 = tpu.vector_load %arg11[%parallel_loop3A_187, %parallel_loop3A_188, %parallel_loop3A_189] {strides = array<i32>} : memref<2x128x128xf32, #tpu.memory_space<vmem>>, vector<1x1x16xf32>,
        %parallel_loop3A_191 = vector.shape_cast %parallel_loop3A_190 : vector<1x1x16xf32> to vector<16xf32>
        %parallel_loop3A_192 = arith.mulf %parallel_loop3A_191, %parallel_loop3A_114 : vector<16xf32>
        %parallel_loop3A_193 = arith.index_cast %rem3A_59 : i32 to index
        %parallel_loop3A_194 = arith.index_cast %parallel_loop3A_108 : i32 to index
        %parallel_loop3A_195 = arith.constant 96 : index
        %parallel_loop3A_196 = tpu.vector_load %arg11[%parallel_loop3A_193, %parallel_loop3A_194, %parallel_loop3A_195] {strides = array<i32>} : memref<2x128x128xf32, #tpu.memory_space<vmem>>, vector<1x1x16xf32>,
        %parallel_loop3A_197 = vector.shape_cast %parallel_loop3A_196 : vector<1x1x16xf32> to vector<16xf32>
        %parallel_loop3A_198 = vector.shape_cast %parallel_loop3A_192 : vector<16xf32> to vector<1x1x16xf32>
        tpu.vector_store %arg11[%parallel_loop3A_193, %parallel_loop3A_194, %parallel_loop3A_195], %parallel_loop3A_198 {strides = array<i32>} : memref<2x128x128xf32, #tpu.memory_space<vmem>>, vector<1x1x16xf32>,
        %parallel_loop3A_199 = arith.index_cast %rem3A_59 : i32 to index
        %parallel_loop3A_200 = arith.index_cast %parallel_loop3A_108 : i32 to index
        %parallel_loop3A_201 = arith.constant 112 : index
        %parallel_loop3A_202 = tpu.vector_load %arg11[%parallel_loop3A_199, %parallel_loop3A_200, %parallel_loop3A_201] {strides = array<i32>} : memref<2x128x128xf32, #tpu.memory_space<vmem>>, vector<1x1x16xf32>,
        %parallel_loop3A_203 = vector.shape_cast %parallel_loop3A_202 : vector<1x1x16xf32> to vector<16xf32>
        %parallel_loop3A_204 = arith.mulf %parallel_loop3A_203, %parallel_loop3A_114 : vector<16xf32>
        %parallel_loop3A_205 = arith.index_cast %rem3A_59 : i32 to index
        %parallel_loop3A_206 = arith.index_cast %parallel_loop3A_108 : i32 to index
        %parallel_loop3A_207 = arith.constant 112 : index
        %parallel_loop3A_208 = tpu.vector_load %arg11[%parallel_loop3A_205, %parallel_loop3A_206, %parallel_loop3A_207] {strides = array<i32>} : memref<2x128x128xf32, #tpu.memory_space<vmem>>, vector<1x1x16xf32>,
        %parallel_loop3A_209 = vector.shape_cast %parallel_loop3A_208 : vector<1x1x16xf32> to vector<16xf32>
        %parallel_loop3A_210 = vector.shape_cast %parallel_loop3A_204 : vector<16xf32> to vector<1x1x16xf32>
        tpu.vector_store %arg11[%parallel_loop3A_205, %parallel_loop3A_206, %parallel_loop3A_207], %parallel_loop3A_210 {strides = array<i32>} : memref<2x128x128xf32, #tpu.memory_space<vmem>>, vector<1x1x16xf32>,
      } {sc.loop_unroll_factor = 4 : i64, sc.parallel_access}
      %dma_start3A_98 = arith.constant 0 : i32
      %dma_start3A_99 = arith.constant 0 : i32
      %dma_start3A_100 = tpu.memref_slice %arg11[%rem3A_59, %dma_start3A_98, %dma_start3A_99] : memref<2x128x128xf32, #tpu.memory_space<vmem>> -> memref<1x128x128xf32, #tpu.memory_space<vmem>>
      %dma_start3A_101 = tpu.memref_squeeze %dma_start3A_100 : memref<1x128x128xf32, #tpu.memory_space<vmem>> -> memref<128x128xf32, #tpu.memory_space<vmem>>
      %dma_start3A_102 = arith.constant 0 : i32
      %dma_start3A_103 = tpu.memref_slice %arg9[%rem3A_59, %dma_start3A_102] : memref<2x128xi32, #tpu.memory_space<vmem>> -> memref<1x128xi32, #tpu.memory_space<vmem>>
      %dma_start3A_104 = tpu.memref_squeeze %dma_start3A_103 : memref<1x128xi32, #tpu.memory_space<vmem>> -> memref<128xi32, #tpu.memory_space<vmem>>
      %dma_start3A_105 = arith.constant 0 : i32
      %dma_start3A_106 = arith.constant 0 : i32
      %dma_start3A_107 = tpu.memref_slice %arg12[%dma_start3A_105, %dma_start3A_106] : memref<10000x128xf32, #tpu.memory_space<vmem_shared>> -> memref<10000x128xf32, #tpu.memory_space<vmem_shared>>
      tpu.enqueue_indirect_dma source(%dma_start3A_101 : memref<128x128xf32, #tpu.memory_space<vmem>>) target(%dma_start3A_107 : memref<10000x128xf32, #tpu.memory_space<vmem_shared>>) offsets(%dma_start3A_104 : memref<128xi32, #tpu.memory_space<vmem>>) semaphore(%arg17 : memref<!tpu.dma_semaphore, #tpu.memory_space<semaphore_mem>>) {add = true}
    }
    %scan3A_36 = arith.constant 80 : i32
    %dma_wait3A = arith.constant 1 : i32
    %dma_wait3A_37 = arith.constant 1 : i32
    %dma_wait3A_38 = arith.constant 0 : i32
    %dma_wait3A_39 = arith.constant 0 : i32
    %dma_wait3A_40 = tpu.memref_slice %arg11[%dma_wait3A, %dma_wait3A_38, %dma_wait3A_39] : memref<2x128x128xf32, #tpu.memory_space<vmem>> -> memref<1x128x128xf32, #tpu.memory_space<vmem>>
    %dma_wait3A_41 = tpu.memref_squeeze %dma_wait3A_40 : memref<1x128x128xf32, #tpu.memory_space<vmem>> -> memref<128x128xf32, #tpu.memory_space<vmem>>
    %dma_wait3A_42 = arith.constant 0 : i32
    %dma_wait3A_43 = tpu.memref_slice %arg9[%dma_wait3A_37, %dma_wait3A_42] : memref<2x128xi32, #tpu.memory_space<vmem>> -> memref<1x128xi32, #tpu.memory_space<vmem>>
    %dma_wait3A_44 = tpu.memref_squeeze %dma_wait3A_43 : memref<1x128xi32, #tpu.memory_space<vmem>> -> memref<128xi32, #tpu.memory_space<vmem>>
    %dma_wait3A_45 = arith.constant 0 : i32
    %dma_wait3A_46 = arith.constant 0 : i32
    %dma_wait3A_47 = tpu.memref_slice %arg12[%dma_wait3A_45, %dma_wait3A_46] : memref<10000x128xf32, #tpu.memory_space<vmem_shared>> -> memref<10000x128xf32, #tpu.memory_space<vmem_shared>>
    tpu.wait_indirect_dma semaphore(%arg17 : memref<!tpu.dma_semaphore, #tpu.memory_space<semaphore_mem>>) src(%dma_wait3A_41 : memref<128x128xf32, #tpu.memory_space<vmem>>) dst(%dma_wait3A_47 : memref<10000x128xf32, #tpu.memory_space<vmem_shared>>)
    %barrier3A_48 = arith.constant 0 : index
    tpu.barrier barrier_id(%barrier3A_48)
    %mul3A_49 = arith.constant 624 : i32
    %mul3A_50 = arith.muli %arg1, %mul3A_49 : i32
    %mul3A_51 = arith.constant 624 : i32
    %mul3A_52 = arith.muli %arg1, %mul3A_51 : i32
    "tpu.region"() ({
      %run_scoped3A_58 = tpu.sem_alloc : memref<!tpu.dma_semaphore, #tpu.memory_space<semaphore_mem>>
      %dma_start3A_59 = arith.constant 0 : i32
      %dma_start3A_60 = tpu.memref_slice %arg7[%arg0, %mul3A_52, %dma_start3A_59] : memref<2x10000x128xf32, #tpu.memory_space<hbm>> -> memref<1x624x128xf32, #tpu.memory_space<hbm>>
      %dma_start3A_61 = tpu.memref_squeeze %dma_start3A_60 : memref<1x624x128xf32, #tpu.memory_space<hbm>> -> memref<624x128xf32, #tpu.memory_space<hbm>>
      %dma_start3A_62 = arith.constant 0 : i32
      %dma_start3A_63 = tpu.memref_slice %arg12[%mul3A_50, %dma_start3A_62] : memref<10000x128xf32, #tpu.memory_space<vmem_shared>> -> memref<624x128xf32, #tpu.memory_space<vmem_shared>>
      tpu.enqueue_dma source(%dma_start3A_63 : memref<624x128xf32, #tpu.memory_space<vmem_shared>>) target(%dma_start3A_61 : memref<624x128xf32, #tpu.memory_space<hbm>>) target_semaphore(%run_scoped3A_58 : memref<!tpu.dma_semaphore, #tpu.memory_space<semaphore_mem>>)
      %dma_wait3A_64 = arith.constant 0 : i32
      %dma_wait3A_65 = tpu.memref_slice %arg7[%arg0, %mul3A_52, %dma_wait3A_64] : memref<2x10000x128xf32, #tpu.memory_space<hbm>> -> memref<1x624x128xf32, #tpu.memory_space<hbm>>
      %dma_wait3A_66 = tpu.memref_squeeze %dma_wait3A_65 : memref<1x624x128xf32, #tpu.memory_space<hbm>> -> memref<624x128xf32, #tpu.memory_space<hbm>>
      %dma_wait3A_67 = arith.constant 0 : i32
      %dma_wait3A_68 = tpu.memref_slice %arg12[%mul3A_50, %dma_wait3A_67] : memref<10000x128xf32, #tpu.memory_space<vmem_shared>> -> memref<624x128xf32, #tpu.memory_space<vmem_shared>>
      tpu.wait_dma2 semaphore(%run_scoped3A_58 : memref<!tpu.dma_semaphore, #tpu.memory_space<semaphore_mem>>) src(%dma_wait3A_68 : memref<624x128xf32, #tpu.memory_space<vmem_shared>>) dst(%dma_wait3A_66 : memref<624x128xf32, #tpu.memory_space<hbm>>)
      tpu.yield
    }) : () -> ()
    %eq3A_53 = arith.constant 15 : i32
    %eq3A_54 = arith.cmpi eq, %arg1, %eq3A_53 : i32
    %convert_element_type3A_55 = arith.extui %eq3A_54 : i1 to i32
    %cond3A_56 = arith.constant 0 : i32
    %cond3A_57 = arith.cmpi ne, %convert_element_type3A_55, %cond3A_56 : i32
    scf.if %cond3A_57 {
      "tpu.region"() ({
        %run_scoped3A_58 = tpu.sem_alloc : memref<!tpu.dma_semaphore, #tpu.memory_space<semaphore_mem>>
        %dma_start3A_59 = arith.constant 9984 : i32
        %dma_start3A_60 = arith.constant 0 : i32
        %dma_start3A_61 = tpu.memref_slice %arg7[%arg0, %dma_start3A_59, %dma_start3A_60] : memref<2x10000x128xf32, #tpu.memory_space<hbm>> -> memref<1x16x128xf32, #tpu.memory_space<hbm>>
        %dma_start3A_62 = tpu.memref_squeeze %dma_start3A_61 : memref<1x16x128xf32, #tpu.memory_space<hbm>> -> memref<16x128xf32, #tpu.memory_space<hbm>>
        %dma_start3A_63 = arith.constant 9984 : i32
        %dma_start3A_64 = arith.constant 0 : i32
        %dma_start3A_65 = tpu.memref_slice %arg12[%dma_start3A_63, %dma_start3A_64] : memref<10000x128xf32, #tpu.memory_space<vmem_shared>> -> memref<16x128xf32, #tpu.memory_space<vmem_shared>>
        tpu.enqueue_dma source(%dma_start3A_65 : memref<16x128xf32, #tpu.memory_space<vmem_shared>>) target(%dma_start3A_62 : memref<16x128xf32, #tpu.memory_space<hbm>>) target_semaphore(%run_scoped3A_58 : memref<!tpu.dma_semaphore, #tpu.memory_space<semaphore_mem>>)
        %dma_wait3A_66 = arith.constant 9984 : i32
        %dma_wait3A_67 = arith.constant 0 : i32
        %dma_wait3A_68 = tpu.memref_slice %arg7[%arg0, %dma_wait3A_66, %dma_wait3A_67] : memref<2x10000x128xf32, #tpu.memory_space<hbm>> -> memref<1x16x128xf32, #tpu.memory_space<hbm>>
        %dma_wait3A_69 = tpu.memref_squeeze %dma_wait3A_68 : memref<1x16x128xf32, #tpu.memory_space<hbm>> -> memref<16x128xf32, #tpu.memory_space<hbm>>
        %dma_wait3A_70 = arith.constant 9984 : i32
        %dma_wait3A_71 = arith.constant 0 : i32
        %dma_wait3A_72 = tpu.memref_slice %arg12[%dma_wait3A_70, %dma_wait3A_71] : memref<10000x128xf32, #tpu.memory_space<vmem_shared>> -> memref<16x128xf32, #tpu.memory_space<vmem_shared>>
        tpu.wait_dma2 semaphore(%run_scoped3A_58 : memref<!tpu.dma_semaphore, #tpu.memory_space<semaphore_mem>>) src(%dma_wait3A_72 : memref<16x128xf32, #tpu.memory_space<vmem_shared>>) dst(%dma_wait3A_69 : memref<16x128xf32, #tpu.memory_space<hbm>>)
        tpu.yield
      }) : () -> ()
    } else {
    }
    return
  }
}

#map = affine_map<(d0, d1) -> (0, 0)>
#map1 = affine_map<(d0, d1) -> (0, 0, 0)>
module attributes {stable_mosaic.version = 14 : i64} {
  func.func @_sc_aggregate(%arg0: i32, %arg1: i32, %arg2: memref<10000x128xf32, #tpu.memory_space<hbm>>, %arg3: memref<32x10240xi32, #tpu.memory_space<hbm>>, %arg4: memref<32x10240xi32, #tpu.memory_space<hbm>>, %arg5: memref<32x163840xf32, #tpu.memory_space<hbm>>, %arg6: memref<10000x128xf32, #tpu.memory_space<hbm>>, %arg7: memref<2x10000x128xf32, #tpu.memory_space<hbm>>, %arg8: memref<2x128xi32, #tpu.memory_space<vmem>>, %arg9: memref<2x128xi32, #tpu.memory_space<vmem>>, %arg10: memref<2x2048xf32, #tpu.memory_space<vmem>>, %arg11: memref<2x128x128xf32, #tpu.memory_space<vmem>>, %arg12: memref<10000x128xf32, #tpu.memory_space<vmem_shared>>, %arg13: memref<!tpu.dma_semaphore, #tpu.memory_space<semaphore_mem>>, %arg14: memref<!tpu.dma_semaphore, #tpu.memory_space<semaphore_mem>>, %arg15: memref<!tpu.dma_semaphore, #tpu.memory_space<semaphore_mem>>, %arg16: memref<!tpu.dma_semaphore, #tpu.memory_space<semaphore_mem>>, %arg17: memref<!tpu.dma_semaphore, #tpu.memory_space<semaphore_mem>>) attributes {dimension_semantics = [#tpu.dimension_semantics<core_parallel>, #tpu.dimension_semantics<subcore_parallel>], iteration_bounds = array<i64: 2, 16>, scalar_prefetch = 0 : i64, scratch_operands = 10 : i64, tpu.core_type = #tpu.core_type<sc_vector_subcore>, window_params = [{transform_indices = #map}, {transform_indices = #map}, {transform_indices = #map}, {transform_indices = #map}, {transform_indices = #map}, {transform_indices = #map1}]} {
    %mul3A = arith.constant 2 : i32
    %mul3A_0 = arith.muli %arg1, %mul3A : i32
    %add3A = arith.addi %mul3A_0, %arg0 : i32
    %mul3A_1 = arith.constant 624 : i32
    %mul3A_2 = arith.muli %arg1, %mul3A_1 : i32
    %mul3A_3 = arith.constant 624 : i32
    %mul3A_4 = arith.muli %arg1, %mul3A_3 : i32
    "tpu.region"() ({
      %run_scoped3A_58 = tpu.sem_alloc : memref<!tpu.dma_semaphore, #tpu.memory_space<semaphore_mem>>
      %dma_start3A_59 = arith.constant 0 : i32
      %dma_start3A_60 = tpu.memref_slice %arg12[%mul3A_4, %dma_start3A_59] : memref<10000x128xf32, #tpu.memory_space<vmem_shared>> -> memref<624x128xf32, #tpu.memory_space<vmem_shared>>
      %dma_start3A_61 = arith.constant 0 : i32
      %dma_start3A_62 = tpu.memref_slice %arg6[%mul3A_2, %dma_start3A_61] : memref<10000x128xf32, #tpu.memory_space<hbm>> -> memref<624x128xf32, #tpu.memory_space<hbm>>
      tpu.enqueue_dma source(%dma_start3A_62 : memref<624x128xf32, #tpu.memory_space<hbm>>) target(%dma_start3A_60 : memref<624x128xf32, #tpu.memory_space<vmem_shared>>) target_semaphore(%run_scoped3A_58 : memref<!tpu.dma_semaphore, #tpu.memory_space<semaphore_mem>>)
      %dma_wait3A_63 = arith.constant 0 : i32
      %dma_wait3A_64 = tpu.memref_slice %arg12[%mul3A_4, %dma_wait3A_63] : memref<10000x128xf32, #tpu.memory_space<vmem_shared>> -> memref<624x128xf32, #tpu.memory_space<vmem_shared>>
      %dma_wait3A_65 = arith.constant 0 : i32
      %dma_wait3A_66 = tpu.memref_slice %arg6[%mul3A_2, %dma_wait3A_65] : memref<10000x128xf32, #tpu.memory_space<hbm>> -> memref<624x128xf32, #tpu.memory_space<hbm>>
      tpu.wait_dma2 semaphore(%run_scoped3A_58 : memref<!tpu.dma_semaphore, #tpu.memory_space<semaphore_mem>>) src(%dma_wait3A_66 : memref<624x128xf32, #tpu.memory_space<hbm>>) dst(%dma_wait3A_64 : memref<624x128xf32, #tpu.memory_space<vmem_shared>>)
      tpu.yield
    }) : () -> ()
    %eq3A = arith.constant 15 : i32
    %eq3A_5 = arith.cmpi eq, %arg1, %eq3A : i32
    %convert_element_type3A = arith.extui %eq3A_5 : i1 to i32
    %cond3A = arith.constant 0 : i32
    %cond3A_6 = arith.cmpi ne, %convert_element_type3A, %cond3A : i32
    scf.if %cond3A_6 {
      "tpu.region"() ({
        %run_scoped3A_58 = tpu.sem_alloc : memref<!tpu.dma_semaphore, #tpu.memory_space<semaphore_mem>>
        %dma_start3A_59 = arith.constant 9984 : i32
        %dma_start3A_60 = arith.constant 0 : i32
        %dma_start3A_61 = tpu.memref_slice %arg12[%dma_start3A_59, %dma_start3A_60] : memref<10000x128xf32, #tpu.memory_space<vmem_shared>> -> memref<16x128xf32, #tpu.memory_space<vmem_shared>>
        %dma_start3A_62 = arith.constant 9984 : i32
        %dma_start3A_63 = arith.constant 0 : i32
        %dma_start3A_64 = tpu.memref_slice %arg6[%dma_start3A_62, %dma_start3A_63] : memref<10000x128xf32, #tpu.memory_space<hbm>> -> memref<16x128xf32, #tpu.memory_space<hbm>>
        tpu.enqueue_dma source(%dma_start3A_64 : memref<16x128xf32, #tpu.memory_space<hbm>>) target(%dma_start3A_61 : memref<16x128xf32, #tpu.memory_space<vmem_shared>>) target_semaphore(%run_scoped3A_58 : memref<!tpu.dma_semaphore, #tpu.memory_space<semaphore_mem>>)
        %dma_wait3A_65 = arith.constant 9984 : i32
        %dma_wait3A_66 = arith.constant 0 : i32
        %dma_wait3A_67 = tpu.memref_slice %arg12[%dma_wait3A_65, %dma_wait3A_66] : memref<10000x128xf32, #tpu.memory_space<vmem_shared>> -> memref<16x128xf32, #tpu.memory_space<vmem_shared>>
        %dma_wait3A_68 = arith.constant 9984 : i32
        %dma_wait3A_69 = arith.constant 0 : i32
        %dma_wait3A_70 = tpu.memref_slice %arg6[%dma_wait3A_68, %dma_wait3A_69] : memref<10000x128xf32, #tpu.memory_space<hbm>> -> memref<16x128xf32, #tpu.memory_space<hbm>>
        tpu.wait_dma2 semaphore(%run_scoped3A_58 : memref<!tpu.dma_semaphore, #tpu.memory_space<semaphore_mem>>) src(%dma_wait3A_70 : memref<16x128xf32, #tpu.memory_space<hbm>>) dst(%dma_wait3A_67 : memref<16x128xf32, #tpu.memory_space<vmem_shared>>)
        tpu.yield
      }) : () -> ()
    } else {
    }
    %barrier3A = arith.constant 0 : index
    tpu.barrier barrier_id(%barrier3A)
    %run_scoped3A = arith.constant 0 : i32
    "tpu.region"() ({
      %run_scoped3A_58 = tpu.sem_alloc : memref<!tpu.dma_semaphore, #tpu.memory_space<semaphore_mem>>
      %dma_start3A_59 = arith.constant 0 : i32
      %dma_start3A_60 = tpu.memref_slice %arg8[%run_scoped3A, %dma_start3A_59] : memref<2x128xi32, #tpu.memory_space<vmem>> -> memref<1x128xi32, #tpu.memory_space<vmem>>
      %dma_start3A_61 = tpu.memref_squeeze %dma_start3A_60 : memref<1x128xi32, #tpu.memory_space<vmem>> -> memref<128xi32, #tpu.memory_space<vmem>>
      %dma_start3A_62 = arith.constant 0 : i32
      %dma_start3A_63 = tpu.memref_slice %arg3[%add3A, %dma_start3A_62] : memref<32x10240xi32, #tpu.memory_space<hbm>> -> memref<1x128xi32, #tpu.memory_space<hbm>>
      %dma_start3A_64 = tpu.memref_squeeze %dma_start3A_63 : memref<1x128xi32, #tpu.memory_space<hbm>> -> memref<128xi32, #tpu.memory_space<hbm>>
      %dma_start3A_65 = arith.constant 0 : i32
      %dma_start3A_66 = tpu.memref_slice %arg8[%run_scoped3A, %dma_start3A_65] : memref<2x128xi32, #tpu.memory_space<vmem>> -> memref<1x128xi32, #tpu.memory_space<vmem>>
      %dma_start3A_67 = tpu.memref_squeeze %dma_start3A_66 : memref<1x128xi32, #tpu.memory_space<vmem>> -> memref<128xi32, #tpu.memory_space<vmem>>
      %dma_start3A_68 = arith.constant 0 : i32
      %dma_start3A_69 = tpu.memref_slice %arg3[%add3A, %dma_start3A_68] : memref<32x10240xi32, #tpu.memory_space<hbm>> -> memref<1x128xi32, #tpu.memory_space<hbm>>
      %dma_start3A_70 = tpu.memref_squeeze %dma_start3A_69 : memref<1x128xi32, #tpu.memory_space<hbm>> -> memref<128xi32, #tpu.memory_space<hbm>>
      tpu.enqueue_dma source(%dma_start3A_70 : memref<128xi32, #tpu.memory_space<hbm>>) target(%dma_start3A_67 : memref<128xi32, #tpu.memory_space<vmem>>) target_semaphore(%run_scoped3A_58 : memref<!tpu.dma_semaphore, #tpu.memory_space<semaphore_mem>>)
      %dma_wait3A_71 = arith.constant 0 : i32
      %dma_wait3A_72 = tpu.memref_slice %arg8[%run_scoped3A, %dma_wait3A_71] : memref<2x128xi32, #tpu.memory_space<vmem>> -> memref<1x128xi32, #tpu.memory_space<vmem>>
      %dma_wait3A_73 = tpu.memref_squeeze %dma_wait3A_72 : memref<1x128xi32, #tpu.memory_space<vmem>> -> memref<128xi32, #tpu.memory_space<vmem>>
      %dma_wait3A_74 = arith.constant 0 : i32
      %dma_wait3A_75 = tpu.memref_slice %arg3[%add3A, %dma_wait3A_74] : memref<32x10240xi32, #tpu.memory_space<hbm>> -> memref<1x128xi32, #tpu.memory_space<hbm>>
      %dma_wait3A_76 = tpu.memref_squeeze %dma_wait3A_75 : memref<1x128xi32, #tpu.memory_space<hbm>> -> memref<128xi32, #tpu.memory_space<hbm>>
      %dma_wait3A_77 = arith.constant 0 : i32
      %dma_wait3A_78 = tpu.memref_slice %arg8[%run_scoped3A, %dma_wait3A_77] : memref<2x128xi32, #tpu.memory_space<vmem>> -> memref<1x128xi32, #tpu.memory_space<vmem>>
      %dma_wait3A_79 = tpu.memref_squeeze %dma_wait3A_78 : memref<1x128xi32, #tpu.memory_space<vmem>> -> memref<128xi32, #tpu.memory_space<vmem>>
      %dma_wait3A_80 = arith.constant 0 : i32
      %dma_wait3A_81 = tpu.memref_slice %arg3[%add3A, %dma_wait3A_80] : memref<32x10240xi32, #tpu.memory_space<hbm>> -> memref<1x128xi32, #tpu.memory_space<hbm>>
      %dma_wait3A_82 = tpu.memref_squeeze %dma_wait3A_81 : memref<1x128xi32, #tpu.memory_space<hbm>> -> memref<128xi32, #tpu.memory_space<hbm>>
      tpu.wait_dma2 semaphore(%run_scoped3A_58 : memref<!tpu.dma_semaphore, #tpu.memory_space<semaphore_mem>>) src(%dma_wait3A_82 : memref<128xi32, #tpu.memory_space<hbm>>) dst(%dma_wait3A_79 : memref<128xi32, #tpu.memory_space<vmem>>)
      tpu.yield
    }) : () -> ()
    %run_scoped3A_7 = arith.constant 0 : i32
    "tpu.region"() ({
      %run_scoped3A_58 = tpu.sem_alloc : memref<!tpu.dma_semaphore, #tpu.memory_space<semaphore_mem>>
      %dma_start3A_59 = arith.constant 0 : i32
      %dma_start3A_60 = tpu.memref_slice %arg9[%run_scoped3A_7, %dma_start3A_59] : memref<2x128xi32, #tpu.memory_space<vmem>> -> memref<1x128xi32, #tpu.memory_space<vmem>>
      %dma_start3A_61 = tpu.memref_squeeze %dma_start3A_60 : memref<1x128xi32, #tpu.memory_space<vmem>> -> memref<128xi32, #tpu.memory_space<vmem>>
      %dma_start3A_62 = arith.constant 0 : i32
      %dma_start3A_63 = tpu.memref_slice %arg4[%add3A, %dma_start3A_62] : memref<32x10240xi32, #tpu.memory_space<hbm>> -> memref<1x128xi32, #tpu.memory_space<hbm>>
      %dma_start3A_64 = tpu.memref_squeeze %dma_start3A_63 : memref<1x128xi32, #tpu.memory_space<hbm>> -> memref<128xi32, #tpu.memory_space<hbm>>
      %dma_start3A_65 = arith.constant 0 : i32
      %dma_start3A_66 = tpu.memref_slice %arg9[%run_scoped3A_7, %dma_start3A_65] : memref<2x128xi32, #tpu.memory_space<vmem>> -> memref<1x128xi32, #tpu.memory_space<vmem>>
      %dma_start3A_67 = tpu.memref_squeeze %dma_start3A_66 : memref<1x128xi32, #tpu.memory_space<vmem>> -> memref<128xi32, #tpu.memory_space<vmem>>
      %dma_start3A_68 = arith.constant 0 : i32
      %dma_start3A_69 = tpu.memref_slice %arg4[%add3A, %dma_start3A_68] : memref<32x10240xi32, #tpu.memory_space<hbm>> -> memref<1x128xi32, #tpu.memory_space<hbm>>
      %dma_start3A_70 = tpu.memref_squeeze %dma_start3A_69 : memref<1x128xi32, #tpu.memory_space<hbm>> -> memref<128xi32, #tpu.memory_space<hbm>>
      tpu.enqueue_dma source(%dma_start3A_70 : memref<128xi32, #tpu.memory_space<hbm>>) target(%dma_start3A_67 : memref<128xi32, #tpu.memory_space<vmem>>) target_semaphore(%run_scoped3A_58 : memref<!tpu.dma_semaphore, #tpu.memory_space<semaphore_mem>>)
      %dma_wait3A_71 = arith.constant 0 : i32
      %dma_wait3A_72 = tpu.memref_slice %arg9[%run_scoped3A_7, %dma_wait3A_71] : memref<2x128xi32, #tpu.memory_space<vmem>> -> memref<1x128xi32, #tpu.memory_space<vmem>>
      %dma_wait3A_73 = tpu.memref_squeeze %dma_wait3A_72 : memref<1x128xi32, #tpu.memory_space<vmem>> -> memref<128xi32, #tpu.memory_space<vmem>>
      %dma_wait3A_74 = arith.constant 0 : i32
      %dma_wait3A_75 = tpu.memref_slice %arg4[%add3A, %dma_wait3A_74] : memref<32x10240xi32, #tpu.memory_space<hbm>> -> memref<1x128xi32, #tpu.memory_space<hbm>>
      %dma_wait3A_76 = tpu.memref_squeeze %dma_wait3A_75 : memref<1x128xi32, #tpu.memory_space<hbm>> -> memref<128xi32, #tpu.memory_space<hbm>>
      %dma_wait3A_77 = arith.constant 0 : i32
      %dma_wait3A_78 = tpu.memref_slice %arg9[%run_scoped3A_7, %dma_wait3A_77] : memref<2x128xi32, #tpu.memory_space<vmem>> -> memref<1x128xi32, #tpu.memory_space<vmem>>
      %dma_wait3A_79 = tpu.memref_squeeze %dma_wait3A_78 : memref<1x128xi32, #tpu.memory_space<vmem>> -> memref<128xi32, #tpu.memory_space<vmem>>
      %dma_wait3A_80 = arith.constant 0 : i32
      %dma_wait3A_81 = tpu.memref_slice %arg4[%add3A, %dma_wait3A_80] : memref<32x10240xi32, #tpu.memory_space<hbm>> -> memref<1x128xi32, #tpu.memory_space<hbm>>
      %dma_wait3A_82 = tpu.memref_squeeze %dma_wait3A_81 : memref<1x128xi32, #tpu.memory_space<hbm>> -> memref<128xi32, #tpu.memory_space<hbm>>
      tpu.wait_dma2 semaphore(%run_scoped3A_58 : memref<!tpu.dma_semaphore, #tpu.memory_space<semaphore_mem>>) src(%dma_wait3A_82 : memref<128xi32, #tpu.memory_space<hbm>>) dst(%dma_wait3A_79 : memref<128xi32, #tpu.memory_space<vmem>>)
      tpu.yield
    }) : () -> ()
    %dma_start3A = arith.constant 0 : i32
    %dma_start3A_8 = arith.constant 0 : i32
    %dma_start3A_9 = tpu.memref_slice %arg10[%dma_start3A, %dma_start3A_8] : memref<2x2048xf32, #tpu.memory_space<vmem>> -> memref<1x2048xf32, #tpu.memory_space<vmem>>
    %dma_start3A_10 = tpu.memref_squeeze %dma_start3A_9 : memref<1x2048xf32, #tpu.memory_space<vmem>> -> memref<2048xf32, #tpu.memory_space<vmem>>
    %dma_start3A_11 = arith.constant 0 : i32
    %dma_start3A_12 = tpu.memref_slice %arg5[%add3A, %dma_start3A_11] : memref<32x163840xf32, #tpu.memory_space<hbm>> -> memref<1x2048xf32, #tpu.memory_space<hbm>>
    %dma_start3A_13 = tpu.memref_squeeze %dma_start3A_12 : memref<1x2048xf32, #tpu.memory_space<hbm>> -> memref<2048xf32, #tpu.memory_space<hbm>>
    %dma_start3A_14 = arith.constant 0 : i32
    %dma_start3A_15 = tpu.memref_slice %arg10[%dma_start3A, %dma_start3A_14] : memref<2x2048xf32, #tpu.memory_space<vmem>> -> memref<1x2048xf32, #tpu.memory_space<vmem>>
    %dma_start3A_16 = tpu.memref_squeeze %dma_start3A_15 : memref<1x2048xf32, #tpu.memory_space<vmem>> -> memref<2048xf32, #tpu.memory_space<vmem>>
    %dma_start3A_17 = arith.constant 0 : i32
    %dma_start3A_18 = tpu.memref_slice %arg5[%add3A, %dma_start3A_17] : memref<32x163840xf32, #tpu.memory_space<hbm>> -> memref<1x2048xf32, #tpu.memory_space<hbm>>
    %dma_start3A_19 = tpu.memref_squeeze %dma_start3A_18 : memref<1x2048xf32, #tpu.memory_space<hbm>> -> memref<2048xf32, #tpu.memory_space<hbm>>
    tpu.enqueue_dma source(%dma_start3A_19 : memref<2048xf32, #tpu.memory_space<hbm>>) target(%dma_start3A_16 : memref<2048xf32, #tpu.memory_space<vmem>>) target_semaphore(%arg14 : memref<!tpu.dma_semaphore, #tpu.memory_space<semaphore_mem>>)
    %dma_start3A_20 = arith.constant 0 : i32
    %dma_start3A_21 = arith.constant 0 : i32
    %dma_start3A_22 = arith.constant 0 : i32
    %dma_start3A_23 = arith.constant 0 : i32
    %dma_start3A_24 = tpu.memref_slice %arg11[%dma_start3A_21, %dma_start3A_22, %dma_start3A_23] : memref<2x128x128xf32, #tpu.memory_space<vmem>> -> memref<1x128x128xf32, #tpu.memory_space<vmem>>
    %dma_start3A_25 = tpu.memref_squeeze %dma_start3A_24 : memref<1x128x128xf32, #tpu.memory_space<vmem>> -> memref<128x128xf32, #tpu.memory_space<vmem>>
    %dma_start3A_26 = arith.constant 0 : i32
    %dma_start3A_27 = tpu.memref_slice %arg8[%dma_start3A_20, %dma_start3A_26] : memref<2x128xi32, #tpu.memory_space<vmem>> -> memref<1x128xi32, #tpu.memory_space<vmem>>
    %dma_start3A_28 = tpu.memref_squeeze %dma_start3A_27 : memref<1x128xi32, #tpu.memory_space<vmem>> -> memref<128xi32, #tpu.memory_space<vmem>>
    %dma_start3A_29 = arith.constant 0 : i32
    %dma_start3A_30 = arith.constant 0 : i32
    %dma_start3A_31 = tpu.memref_slice %arg2[%dma_start3A_29, %dma_start3A_30] : memref<10000x128xf32, #tpu.memory_space<hbm>> -> memref<10000x128xf32, #tpu.memory_space<hbm>>
    tpu.enqueue_indirect_dma source(%dma_start3A_31 : memref<10000x128xf32, #tpu.memory_space<hbm>>) target(%dma_start3A_25 : memref<128x128xf32, #tpu.memory_space<vmem>>) offsets(%dma_start3A_28 : memref<128xi32, #tpu.memory_space<vmem>>) semaphore(%arg13 : memref<!tpu.dma_semaphore, #tpu.memory_space<semaphore_mem>>)
    %scan3A = arith.constant 0 : i32
    %scan3A_32 = arith.constant 0 : i32
    %scan3A_33 = arith.constant 80 : i32
    %scan3A_34 = arith.addi %scan3A_32, %scan3A_33 : i32
    %scan3A_35 = arith.constant 1 : i32
    scf.for %scan3A_58 = %scan3A_32 to %scan3A_34 step %scan3A_35  : i32 {
      %rem3A = arith.constant 2 : i32
      %rem3A_59 = arith.remsi %scan3A_58, %rem3A : i32
      %sub3A = arith.constant 1 : i32
      %sub3A_60 = arith.subi %sub3A, %rem3A_59 : i32
      %gt3A = arith.constant 0 : i32
      %gt3A_61 = arith.cmpi sgt, %scan3A_58, %gt3A : i32
      %convert_element_type3A_62 = arith.extui %gt3A_61 : i1 to i32
      %cond3A_63 = arith.constant 0 : i32
      %cond3A_64 = arith.cmpi ne, %convert_element_type3A_62, %cond3A_63 : i32
      scf.if %cond3A_64 {
        %dma_wait3A_108 = arith.constant 0 : i32
        %dma_wait3A_109 = arith.constant 0 : i32
        %dma_wait3A_110 = tpu.memref_slice %arg11[%sub3A_60, %dma_wait3A_108, %dma_wait3A_109] : memref<2x128x128xf32, #tpu.memory_space<vmem>> -> memref<1x128x128xf32, #tpu.memory_space<vmem>>
        %dma_wait3A_111 = tpu.memref_squeeze %dma_wait3A_110 : memref<1x128x128xf32, #tpu.memory_space<vmem>> -> memref<128x128xf32, #tpu.memory_space<vmem>>
        %dma_wait3A_112 = arith.constant 0 : i32
        %dma_wait3A_113 = tpu.memref_slice %arg9[%sub3A_60, %dma_wait3A_112] : memref<2x128xi32, #tpu.memory_space<vmem>> -> memref<1x128xi32, #tpu.memory_space<vmem>>
        %dma_wait3A_114 = tpu.memref_squeeze %dma_wait3A_113 : memref<1x128xi32, #tpu.memory_space<vmem>> -> memref<128xi32, #tpu.memory_space<vmem>>
        %dma_wait3A_115 = arith.constant 0 : i32
        %dma_wait3A_116 = arith.constant 0 : i32
        %dma_wait3A_117 = tpu.memref_slice %arg12[%dma_wait3A_115, %dma_wait3A_116] : memref<10000x128xf32, #tpu.memory_space<vmem_shared>> -> memref<10000x128xf32, #tpu.memory_space<vmem_shared>>
        tpu.wait_indirect_dma semaphore(%arg17 : memref<!tpu.dma_semaphore, #tpu.memory_space<semaphore_mem>>) src(%dma_wait3A_111 : memref<128x128xf32, #tpu.memory_space<vmem>>) dst(%dma_wait3A_117 : memref<10000x128xf32, #tpu.memory_space<vmem_shared>>)
      } else {
      }
      %dma_wait3A_65 = arith.constant 0 : i32
      %dma_wait3A_66 = tpu.memref_slice %arg10[%rem3A_59, %dma_wait3A_65] : memref<2x2048xf32, #tpu.memory_space<vmem>> -> memref<1x2048xf32, #tpu.memory_space<vmem>>
      %dma_wait3A_67 = tpu.memref_squeeze %dma_wait3A_66 : memref<1x2048xf32, #tpu.memory_space<vmem>> -> memref<2048xf32, #tpu.memory_space<vmem>>
      %dma_wait3A_68 = arith.constant 0 : i32
      %dma_wait3A_69 = tpu.memref_slice %arg5[%add3A, %dma_wait3A_68] : memref<32x163840xf32, #tpu.memory_space<hbm>> -> memref<1x2048xf32, #tpu.memory_space<hbm>>
      %dma_wait3A_70 = tpu.memref_squeeze %dma_wait3A_69 : memref<1x2048xf32, #tpu.memory_space<hbm>> -> memref<2048xf32, #tpu.memory_space<hbm>>
      %dma_wait3A_71 = arith.constant 0 : i32
      %dma_wait3A_72 = tpu.memref_slice %arg10[%rem3A_59, %dma_wait3A_71] : memref<2x2048xf32, #tpu.memory_space<vmem>> -> memref<1x2048xf32, #tpu.memory_space<vmem>>
      %dma_wait3A_73 = tpu.memref_squeeze %dma_wait3A_72 : memref<1x2048xf32, #tpu.memory_space<vmem>> -> memref<2048xf32, #tpu.memory_space<vmem>>
      %dma_wait3A_74 = arith.constant 0 : i32
      %dma_wait3A_75 = tpu.memref_slice %arg5[%add3A, %dma_wait3A_74] : memref<32x163840xf32, #tpu.memory_space<hbm>> -> memref<1x2048xf32, #tpu.memory_space<hbm>>
      %dma_wait3A_76 = tpu.memref_squeeze %dma_wait3A_75 : memref<1x2048xf32, #tpu.memory_space<hbm>> -> memref<2048xf32, #tpu.memory_space<hbm>>
      tpu.wait_dma2 semaphore(%arg14 : memref<!tpu.dma_semaphore, #tpu.memory_space<semaphore_mem>>) src(%dma_wait3A_76 : memref<2048xf32, #tpu.memory_space<hbm>>) dst(%dma_wait3A_73 : memref<2048xf32, #tpu.memory_space<vmem>>)
      %lt3A = arith.constant 79 : i32
      %lt3A_77 = arith.cmpi slt, %scan3A_58, %lt3A : i32
      %convert_element_type3A_78 = arith.extui %lt3A_77 : i1 to i32
      %cond3A_79 = arith.constant 0 : i32
      %cond3A_80 = arith.cmpi ne, %convert_element_type3A_78, %cond3A_79 : i32
      scf.if %cond3A_80 {
        %add3A_108 = arith.constant 1 : i32
        %add3A_109 = arith.addi %scan3A_58, %add3A_108 : i32
        %mul3A_110 = arith.constant 128 : i32
        %mul3A_111 = arith.muli %add3A_109, %mul3A_110 : i32
        %dma_start3A_112 = arith.constant 0 : i32
        %dma_start3A_113 = tpu.memref_slice %arg8[%sub3A_60, %dma_start3A_112] : memref<2x128xi32, #tpu.memory_space<vmem>> -> memref<1x128xi32, #tpu.memory_space<vmem>>
        %dma_start3A_114 = tpu.memref_squeeze %dma_start3A_113 : memref<1x128xi32, #tpu.memory_space<vmem>> -> memref<128xi32, #tpu.memory_space<vmem>>
        %dma_start3A_115 = tpu.memref_slice %arg3[%add3A, %mul3A_111] : memref<32x10240xi32, #tpu.memory_space<hbm>> -> memref<1x128xi32, #tpu.memory_space<hbm>>
        %dma_start3A_116 = tpu.memref_squeeze %dma_start3A_115 : memref<1x128xi32, #tpu.memory_space<hbm>> -> memref<128xi32, #tpu.memory_space<hbm>>
        %dma_start3A_117 = arith.constant 0 : i32
        %dma_start3A_118 = tpu.memref_slice %arg8[%sub3A_60, %dma_start3A_117] : memref<2x128xi32, #tpu.memory_space<vmem>> -> memref<1x128xi32, #tpu.memory_space<vmem>>
        %dma_start3A_119 = tpu.memref_squeeze %dma_start3A_118 : memref<1x128xi32, #tpu.memory_space<vmem>> -> memref<128xi32, #tpu.memory_space<vmem>>
        %dma_start3A_120 = tpu.memref_slice %arg3[%add3A, %mul3A_111] : memref<32x10240xi32, #tpu.memory_space<hbm>> -> memref<1x128xi32, #tpu.memory_space<hbm>>
        %dma_start3A_121 = tpu.memref_squeeze %dma_start3A_120 : memref<1x128xi32, #tpu.memory_space<hbm>> -> memref<128xi32, #tpu.memory_space<hbm>>
        tpu.enqueue_dma source(%dma_start3A_121 : memref<128xi32, #tpu.memory_space<hbm>>) target(%dma_start3A_119 : memref<128xi32, #tpu.memory_space<vmem>>) target_semaphore(%arg15 : memref<!tpu.dma_semaphore, #tpu.memory_space<semaphore_mem>>)
        %dma_start3A_122 = arith.constant 0 : i32
        %dma_start3A_123 = tpu.memref_slice %arg9[%sub3A_60, %dma_start3A_122] : memref<2x128xi32, #tpu.memory_space<vmem>> -> memref<1x128xi32, #tpu.memory_space<vmem>>
        %dma_start3A_124 = tpu.memref_squeeze %dma_start3A_123 : memref<1x128xi32, #tpu.memory_space<vmem>> -> memref<128xi32, #tpu.memory_space<vmem>>
        %dma_start3A_125 = tpu.memref_slice %arg4[%add3A, %mul3A_111] : memref<32x10240xi32, #tpu.memory_space<hbm>> -> memref<1x128xi32, #tpu.memory_space<hbm>>
        %dma_start3A_126 = tpu.memref_squeeze %dma_start3A_125 : memref<1x128xi32, #tpu.memory_space<hbm>> -> memref<128xi32, #tpu.memory_space<hbm>>
        %dma_start3A_127 = arith.constant 0 : i32
        %dma_start3A_128 = tpu.memref_slice %arg9[%sub3A_60, %dma_start3A_127] : memref<2x128xi32, #tpu.memory_space<vmem>> -> memref<1x128xi32, #tpu.memory_space<vmem>>
        %dma_start3A_129 = tpu.memref_squeeze %dma_start3A_128 : memref<1x128xi32, #tpu.memory_space<vmem>> -> memref<128xi32, #tpu.memory_space<vmem>>
        %dma_start3A_130 = tpu.memref_slice %arg4[%add3A, %mul3A_111] : memref<32x10240xi32, #tpu.memory_space<hbm>> -> memref<1x128xi32, #tpu.memory_space<hbm>>
        %dma_start3A_131 = tpu.memref_squeeze %dma_start3A_130 : memref<1x128xi32, #tpu.memory_space<hbm>> -> memref<128xi32, #tpu.memory_space<hbm>>
        tpu.enqueue_dma source(%dma_start3A_131 : memref<128xi32, #tpu.memory_space<hbm>>) target(%dma_start3A_129 : memref<128xi32, #tpu.memory_space<vmem>>) target_semaphore(%arg16 : memref<!tpu.dma_semaphore, #tpu.memory_space<semaphore_mem>>)
        %mul3A_132 = arith.constant 16 : i32
        %mul3A_133 = arith.muli %mul3A_111, %mul3A_132 : i32
        %dma_start3A_134 = arith.constant 0 : i32
        %dma_start3A_135 = tpu.memref_slice %arg10[%sub3A_60, %dma_start3A_134] : memref<2x2048xf32, #tpu.memory_space<vmem>> -> memref<1x2048xf32, #tpu.memory_space<vmem>>
        %dma_start3A_136 = tpu.memref_squeeze %dma_start3A_135 : memref<1x2048xf32, #tpu.memory_space<vmem>> -> memref<2048xf32, #tpu.memory_space<vmem>>
        %dma_start3A_137 = tpu.memref_slice %arg5[%add3A, %mul3A_133] : memref<32x163840xf32, #tpu.memory_space<hbm>> -> memref<1x2048xf32, #tpu.memory_space<hbm>>
        %dma_start3A_138 = tpu.memref_squeeze %dma_start3A_137 : memref<1x2048xf32, #tpu.memory_space<hbm>> -> memref<2048xf32, #tpu.memory_space<hbm>>
        %dma_start3A_139 = arith.constant 0 : i32
        %dma_start3A_140 = tpu.memref_slice %arg10[%sub3A_60, %dma_start3A_139] : memref<2x2048xf32, #tpu.memory_space<vmem>> -> memref<1x2048xf32, #tpu.memory_space<vmem>>
        %dma_start3A_141 = tpu.memref_squeeze %dma_start3A_140 : memref<1x2048xf32, #tpu.memory_space<vmem>> -> memref<2048xf32, #tpu.memory_space<vmem>>
        %dma_start3A_142 = tpu.memref_slice %arg5[%add3A, %mul3A_133] : memref<32x163840xf32, #tpu.memory_space<hbm>> -> memref<1x2048xf32, #tpu.memory_space<hbm>>
        %dma_start3A_143 = tpu.memref_squeeze %dma_start3A_142 : memref<1x2048xf32, #tpu.memory_space<hbm>> -> memref<2048xf32, #tpu.memory_space<hbm>>
        tpu.enqueue_dma source(%dma_start3A_143 : memref<2048xf32, #tpu.memory_space<hbm>>) target(%dma_start3A_141 : memref<2048xf32, #tpu.memory_space<vmem>>) target_semaphore(%arg14 : memref<!tpu.dma_semaphore, #tpu.memory_space<semaphore_mem>>)
      } else {
      }
      %dma_wait3A_81 = arith.constant 0 : i32
      %dma_wait3A_82 = arith.constant 0 : i32
      %dma_wait3A_83 = tpu.memref_slice %arg11[%rem3A_59, %dma_wait3A_81, %dma_wait3A_82] : memref<2x128x128xf32, #tpu.memory_space<vmem>> -> memref<1x128x128xf32, #tpu.memory_space<vmem>>
      %dma_wait3A_84 = tpu.memref_squeeze %dma_wait3A_83 : memref<1x128x128xf32, #tpu.memory_space<vmem>> -> memref<128x128xf32, #tpu.memory_space<vmem>>
      %dma_wait3A_85 = arith.constant 0 : i32
      %dma_wait3A_86 = tpu.memref_slice %arg8[%rem3A_59, %dma_wait3A_85] : memref<2x128xi32, #tpu.memory_space<vmem>> -> memref<1x128xi32, #tpu.memory_space<vmem>>
      %dma_wait3A_87 = tpu.memref_squeeze %dma_wait3A_86 : memref<1x128xi32, #tpu.memory_space<vmem>> -> memref<128xi32, #tpu.memory_space<vmem>>
      %dma_wait3A_88 = arith.constant 0 : i32
      %dma_wait3A_89 = arith.constant 0 : i32
      %dma_wait3A_90 = tpu.memref_slice %arg2[%dma_wait3A_88, %dma_wait3A_89] : memref<10000x128xf32, #tpu.memory_space<hbm>> -> memref<10000x128xf32, #tpu.memory_space<hbm>>
      tpu.wait_indirect_dma semaphore(%arg13 : memref<!tpu.dma_semaphore, #tpu.memory_space<semaphore_mem>>) src(%dma_wait3A_90 : memref<10000x128xf32, #tpu.memory_space<hbm>>) dst(%dma_wait3A_84 : memref<128x128xf32, #tpu.memory_space<vmem>>)
      %lt3A_91 = arith.constant 79 : i32
      %lt3A_92 = arith.cmpi slt, %scan3A_58, %lt3A_91 : i32
      %convert_element_type3A_93 = arith.extui %lt3A_92 : i1 to i32
      %cond3A_94 = arith.constant 0 : i32
      %cond3A_95 = arith.cmpi ne, %convert_element_type3A_93, %cond3A_94 : i32
      scf.if %cond3A_95 {
        %add3A_108 = arith.constant 1 : i32
        %add3A_109 = arith.addi %scan3A_58, %add3A_108 : i32
        %mul3A_110 = arith.constant 128 : i32
        %mul3A_111 = arith.muli %add3A_109, %mul3A_110 : i32
        %dma_wait3A_112 = arith.constant 0 : i32
        %dma_wait3A_113 = tpu.memref_slice %arg8[%sub3A_60, %dma_wait3A_112] : memref<2x128xi32, #tpu.memory_space<vmem>> -> memref<1x128xi32, #tpu.memory_space<vmem>>
        %dma_wait3A_114 = tpu.memref_squeeze %dma_wait3A_113 : memref<1x128xi32, #tpu.memory_space<vmem>> -> memref<128xi32, #tpu.memory_space<vmem>>
        %dma_wait3A_115 = tpu.memref_slice %arg3[%add3A, %mul3A_111] : memref<32x10240xi32, #tpu.memory_space<hbm>> -> memref<1x128xi32, #tpu.memory_space<hbm>>
        %dma_wait3A_116 = tpu.memref_squeeze %dma_wait3A_115 : memref<1x128xi32, #tpu.memory_space<hbm>> -> memref<128xi32, #tpu.memory_space<hbm>>
        %dma_wait3A_117 = arith.constant 0 : i32
        %dma_wait3A_118 = tpu.memref_slice %arg8[%sub3A_60, %dma_wait3A_117] : memref<2x128xi32, #tpu.memory_space<vmem>> -> memref<1x128xi32, #tpu.memory_space<vmem>>
        %dma_wait3A_119 = tpu.memref_squeeze %dma_wait3A_118 : memref<1x128xi32, #tpu.memory_space<vmem>> -> memref<128xi32, #tpu.memory_space<vmem>>
        %dma_wait3A_120 = tpu.memref_slice %arg3[%add3A, %mul3A_111] : memref<32x10240xi32, #tpu.memory_space<hbm>> -> memref<1x128xi32, #tpu.memory_space<hbm>>
        %dma_wait3A_121 = tpu.memref_squeeze %dma_wait3A_120 : memref<1x128xi32, #tpu.memory_space<hbm>> -> memref<128xi32, #tpu.memory_space<hbm>>
        tpu.wait_dma2 semaphore(%arg15 : memref<!tpu.dma_semaphore, #tpu.memory_space<semaphore_mem>>) src(%dma_wait3A_121 : memref<128xi32, #tpu.memory_space<hbm>>) dst(%dma_wait3A_119 : memref<128xi32, #tpu.memory_space<vmem>>)
        %dma_wait3A_122 = arith.constant 0 : i32
        %dma_wait3A_123 = tpu.memref_slice %arg9[%sub3A_60, %dma_wait3A_122] : memref<2x128xi32, #tpu.memory_space<vmem>> -> memref<1x128xi32, #tpu.memory_space<vmem>>
        %dma_wait3A_124 = tpu.memref_squeeze %dma_wait3A_123 : memref<1x128xi32, #tpu.memory_space<vmem>> -> memref<128xi32, #tpu.memory_space<vmem>>
        %dma_wait3A_125 = tpu.memref_slice %arg4[%add3A, %mul3A_111] : memref<32x10240xi32, #tpu.memory_space<hbm>> -> memref<1x128xi32, #tpu.memory_space<hbm>>
        %dma_wait3A_126 = tpu.memref_squeeze %dma_wait3A_125 : memref<1x128xi32, #tpu.memory_space<hbm>> -> memref<128xi32, #tpu.memory_space<hbm>>
        %dma_wait3A_127 = arith.constant 0 : i32
        %dma_wait3A_128 = tpu.memref_slice %arg9[%sub3A_60, %dma_wait3A_127] : memref<2x128xi32, #tpu.memory_space<vmem>> -> memref<1x128xi32, #tpu.memory_space<vmem>>
        %dma_wait3A_129 = tpu.memref_squeeze %dma_wait3A_128 : memref<1x128xi32, #tpu.memory_space<vmem>> -> memref<128xi32, #tpu.memory_space<vmem>>
        %dma_wait3A_130 = tpu.memref_slice %arg4[%add3A, %mul3A_111] : memref<32x10240xi32, #tpu.memory_space<hbm>> -> memref<1x128xi32, #tpu.memory_space<hbm>>
        %dma_wait3A_131 = tpu.memref_squeeze %dma_wait3A_130 : memref<1x128xi32, #tpu.memory_space<hbm>> -> memref<128xi32, #tpu.memory_space<hbm>>
        tpu.wait_dma2 semaphore(%arg16 : memref<!tpu.dma_semaphore, #tpu.memory_space<semaphore_mem>>) src(%dma_wait3A_131 : memref<128xi32, #tpu.memory_space<hbm>>) dst(%dma_wait3A_129 : memref<128xi32, #tpu.memory_space<vmem>>)
        %dma_start3A_132 = arith.constant 0 : i32
        %dma_start3A_133 = arith.constant 0 : i32
        %dma_start3A_134 = tpu.memref_slice %arg11[%sub3A_60, %dma_start3A_132, %dma_start3A_133] : memref<2x128x128xf32, #tpu.memory_space<vmem>> -> memref<1x128x128xf32, #tpu.memory_space<vmem>>
        %dma_start3A_135 = tpu.memref_squeeze %dma_start3A_134 : memref<1x128x128xf32, #tpu.memory_space<vmem>> -> memref<128x128xf32, #tpu.memory_space<vmem>>
        %dma_start3A_136 = arith.constant 0 : i32
        %dma_start3A_137 = tpu.memref_slice %arg8[%sub3A_60, %dma_start3A_136] : memref<2x128xi32, #tpu.memory_space<vmem>> -> memref<1x128xi32, #tpu.memory_space<vmem>>
        %dma_start3A_138 = tpu.memref_squeeze %dma_start3A_137 : memref<1x128xi32, #tpu.memory_space<vmem>> -> memref<128xi32, #tpu.memory_space<vmem>>
        %dma_start3A_139 = arith.constant 0 : i32
        %dma_start3A_140 = arith.constant 0 : i32
        %dma_start3A_141 = tpu.memref_slice %arg2[%dma_start3A_139, %dma_start3A_140] : memref<10000x128xf32, #tpu.memory_space<hbm>> -> memref<10000x128xf32, #tpu.memory_space<hbm>>
        tpu.enqueue_indirect_dma source(%dma_start3A_141 : memref<10000x128xf32, #tpu.memory_space<hbm>>) target(%dma_start3A_135 : memref<128x128xf32, #tpu.memory_space<vmem>>) offsets(%dma_start3A_138 : memref<128xi32, #tpu.memory_space<vmem>>) semaphore(%arg13 : memref<!tpu.dma_semaphore, #tpu.memory_space<semaphore_mem>>)
      } else {
      }
      %parallel_loop3A = arith.constant 0 : i32
      %parallel_loop3A_96 = arith.constant 128 : i32
      %parallel_loop3A_97 = arith.constant 1 : i32
      scf.for %parallel_loop3A_108 = %parallel_loop3A to %parallel_loop3A_96 step %parallel_loop3A_97  : i32 {
        %parallel_loop3A_109 = arith.constant 16 : i32
        %parallel_loop3A_110 = arith.muli %parallel_loop3A_108, %parallel_loop3A_109 : i32
        %parallel_loop3A_111 = arith.index_cast %rem3A_59 : i32 to index
        %parallel_loop3A_112 = arith.index_cast %parallel_loop3A_110 : i32 to index
        %parallel_loop3A_113 = tpu.vector_load %arg10[%parallel_loop3A_111, %parallel_loop3A_112] {strides = array<i32>} : memref<2x2048xf32, #tpu.memory_space<vmem>>, vector<1x16xf32>,
        %parallel_loop3A_114 = vector.shape_cast %parallel_loop3A_113 : vector<1x16xf32> to vector<16xf32>
        %parallel_loop3A_115 = arith.index_cast %rem3A_59 : i32 to index
        %parallel_loop3A_116 = arith.index_cast %parallel_loop3A_108 : i32 to index
        %parallel_loop3A_117 = arith.constant 0 : index
        %parallel_loop3A_118 = tpu.vector_load %arg11[%parallel_loop3A_115, %parallel_loop3A_116, %parallel_loop3A_117] {strides = array<i32>} : memref<2x128x128xf32, #tpu.memory_space<vmem>>, vector<1x1x16xf32>,
        %parallel_loop3A_119 = vector.shape_cast %parallel_loop3A_118 : vector<1x1x16xf32> to vector<16xf32>
        %parallel_loop3A_120 = arith.mulf %parallel_loop3A_119, %parallel_loop3A_114 : vector<16xf32>
        %parallel_loop3A_121 = arith.index_cast %rem3A_59 : i32 to index
        %parallel_loop3A_122 = arith.index_cast %parallel_loop3A_108 : i32 to index
        %parallel_loop3A_123 = arith.constant 0 : index
        %parallel_loop3A_124 = tpu.vector_load %arg11[%parallel_loop3A_121, %parallel_loop3A_122, %parallel_loop3A_123] {strides = array<i32>} : memref<2x128x128xf32, #tpu.memory_space<vmem>>, vector<1x1x16xf32>,
        %parallel_loop3A_125 = vector.shape_cast %parallel_loop3A_124 : vector<1x1x16xf32> to vector<16xf32>
        %parallel_loop3A_126 = vector.shape_cast %parallel_loop3A_120 : vector<16xf32> to vector<1x1x16xf32>
        tpu.vector_store %arg11[%parallel_loop3A_121, %parallel_loop3A_122, %parallel_loop3A_123], %parallel_loop3A_126 {strides = array<i32>} : memref<2x128x128xf32, #tpu.memory_space<vmem>>, vector<1x1x16xf32>,
        %parallel_loop3A_127 = arith.index_cast %rem3A_59 : i32 to index
        %parallel_loop3A_128 = arith.index_cast %parallel_loop3A_108 : i32 to index
        %parallel_loop3A_129 = arith.constant 16 : index
        %parallel_loop3A_130 = tpu.vector_load %arg11[%parallel_loop3A_127, %parallel_loop3A_128, %parallel_loop3A_129] {strides = array<i32>} : memref<2x128x128xf32, #tpu.memory_space<vmem>>, vector<1x1x16xf32>,
        %parallel_loop3A_131 = vector.shape_cast %parallel_loop3A_130 : vector<1x1x16xf32> to vector<16xf32>
        %parallel_loop3A_132 = arith.mulf %parallel_loop3A_131, %parallel_loop3A_114 : vector<16xf32>
        %parallel_loop3A_133 = arith.index_cast %rem3A_59 : i32 to index
        %parallel_loop3A_134 = arith.index_cast %parallel_loop3A_108 : i32 to index
        %parallel_loop3A_135 = arith.constant 16 : index
        %parallel_loop3A_136 = tpu.vector_load %arg11[%parallel_loop3A_133, %parallel_loop3A_134, %parallel_loop3A_135] {strides = array<i32>} : memref<2x128x128xf32, #tpu.memory_space<vmem>>, vector<1x1x16xf32>,
        %parallel_loop3A_137 = vector.shape_cast %parallel_loop3A_136 : vector<1x1x16xf32> to vector<16xf32>
        %parallel_loop3A_138 = vector.shape_cast %parallel_loop3A_132 : vector<16xf32> to vector<1x1x16xf32>
        tpu.vector_store %arg11[%parallel_loop3A_133, %parallel_loop3A_134, %parallel_loop3A_135], %parallel_loop3A_138 {strides = array<i32>} : memref<2x128x128xf32, #tpu.memory_space<vmem>>, vector<1x1x16xf32>,
        %parallel_loop3A_139 = arith.index_cast %rem3A_59 : i32 to index
        %parallel_loop3A_140 = arith.index_cast %parallel_loop3A_108 : i32 to index
        %parallel_loop3A_141 = arith.constant 32 : index
        %parallel_loop3A_142 = tpu.vector_load %arg11[%parallel_loop3A_139, %parallel_loop3A_140, %parallel_loop3A_141] {strides = array<i32>} : memref<2x128x128xf32, #tpu.memory_space<vmem>>, vector<1x1x16xf32>,
        %parallel_loop3A_143 = vector.shape_cast %parallel_loop3A_142 : vector<1x1x16xf32> to vector<16xf32>
        %parallel_loop3A_144 = arith.mulf %parallel_loop3A_143, %parallel_loop3A_114 : vector<16xf32>
        %parallel_loop3A_145 = arith.index_cast %rem3A_59 : i32 to index
        %parallel_loop3A_146 = arith.index_cast %parallel_loop3A_108 : i32 to index
        %parallel_loop3A_147 = arith.constant 32 : index
        %parallel_loop3A_148 = tpu.vector_load %arg11[%parallel_loop3A_145, %parallel_loop3A_146, %parallel_loop3A_147] {strides = array<i32>} : memref<2x128x128xf32, #tpu.memory_space<vmem>>, vector<1x1x16xf32>,
        %parallel_loop3A_149 = vector.shape_cast %parallel_loop3A_148 : vector<1x1x16xf32> to vector<16xf32>
        %parallel_loop3A_150 = vector.shape_cast %parallel_loop3A_144 : vector<16xf32> to vector<1x1x16xf32>
        tpu.vector_store %arg11[%parallel_loop3A_145, %parallel_loop3A_146, %parallel_loop3A_147], %parallel_loop3A_150 {strides = array<i32>} : memref<2x128x128xf32, #tpu.memory_space<vmem>>, vector<1x1x16xf32>,
        %parallel_loop3A_151 = arith.index_cast %rem3A_59 : i32 to index
        %parallel_loop3A_152 = arith.index_cast %parallel_loop3A_108 : i32 to index
        %parallel_loop3A_153 = arith.constant 48 : index
        %parallel_loop3A_154 = tpu.vector_load %arg11[%parallel_loop3A_151, %parallel_loop3A_152, %parallel_loop3A_153] {strides = array<i32>} : memref<2x128x128xf32, #tpu.memory_space<vmem>>, vector<1x1x16xf32>,
        %parallel_loop3A_155 = vector.shape_cast %parallel_loop3A_154 : vector<1x1x16xf32> to vector<16xf32>
        %parallel_loop3A_156 = arith.mulf %parallel_loop3A_155, %parallel_loop3A_114 : vector<16xf32>
        %parallel_loop3A_157 = arith.index_cast %rem3A_59 : i32 to index
        %parallel_loop3A_158 = arith.index_cast %parallel_loop3A_108 : i32 to index
        %parallel_loop3A_159 = arith.constant 48 : index
        %parallel_loop3A_160 = tpu.vector_load %arg11[%parallel_loop3A_157, %parallel_loop3A_158, %parallel_loop3A_159] {strides = array<i32>} : memref<2x128x128xf32, #tpu.memory_space<vmem>>, vector<1x1x16xf32>,
        %parallel_loop3A_161 = vector.shape_cast %parallel_loop3A_160 : vector<1x1x16xf32> to vector<16xf32>
        %parallel_loop3A_162 = vector.shape_cast %parallel_loop3A_156 : vector<16xf32> to vector<1x1x16xf32>
        tpu.vector_store %arg11[%parallel_loop3A_157, %parallel_loop3A_158, %parallel_loop3A_159], %parallel_loop3A_162 {strides = array<i32>} : memref<2x128x128xf32, #tpu.memory_space<vmem>>, vector<1x1x16xf32>,
        %parallel_loop3A_163 = arith.index_cast %rem3A_59 : i32 to index
        %parallel_loop3A_164 = arith.index_cast %parallel_loop3A_108 : i32 to index
        %parallel_loop3A_165 = arith.constant 64 : index
        %parallel_loop3A_166 = tpu.vector_load %arg11[%parallel_loop3A_163, %parallel_loop3A_164, %parallel_loop3A_165] {strides = array<i32>} : memref<2x128x128xf32, #tpu.memory_space<vmem>>, vector<1x1x16xf32>,
        %parallel_loop3A_167 = vector.shape_cast %parallel_loop3A_166 : vector<1x1x16xf32> to vector<16xf32>
        %parallel_loop3A_168 = arith.mulf %parallel_loop3A_167, %parallel_loop3A_114 : vector<16xf32>
        %parallel_loop3A_169 = arith.index_cast %rem3A_59 : i32 to index
        %parallel_loop3A_170 = arith.index_cast %parallel_loop3A_108 : i32 to index
        %parallel_loop3A_171 = arith.constant 64 : index
        %parallel_loop3A_172 = tpu.vector_load %arg11[%parallel_loop3A_169, %parallel_loop3A_170, %parallel_loop3A_171] {strides = array<i32>} : memref<2x128x128xf32, #tpu.memory_space<vmem>>, vector<1x1x16xf32>,
        %parallel_loop3A_173 = vector.shape_cast %parallel_loop3A_172 : vector<1x1x16xf32> to vector<16xf32>
        %parallel_loop3A_174 = vector.shape_cast %parallel_loop3A_168 : vector<16xf32> to vector<1x1x16xf32>
        tpu.vector_store %arg11[%parallel_loop3A_169, %parallel_loop3A_170, %parallel_loop3A_171], %parallel_loop3A_174 {strides = array<i32>} : memref<2x128x128xf32, #tpu.memory_space<vmem>>, vector<1x1x16xf32>,
        %parallel_loop3A_175 = arith.index_cast %rem3A_59 : i32 to index
        %parallel_loop3A_176 = arith.index_cast %parallel_loop3A_108 : i32 to index
        %parallel_loop3A_177 = arith.constant 80 : index
        %parallel_loop3A_178 = tpu.vector_load %arg11[%parallel_loop3A_175, %parallel_loop3A_176, %parallel_loop3A_177] {strides = array<i32>} : memref<2x128x128xf32, #tpu.memory_space<vmem>>, vector<1x1x16xf32>,
        %parallel_loop3A_179 = vector.shape_cast %parallel_loop3A_178 : vector<1x1x16xf32> to vector<16xf32>
        %parallel_loop3A_180 = arith.mulf %parallel_loop3A_179, %parallel_loop3A_114 : vector<16xf32>
        %parallel_loop3A_181 = arith.index_cast %rem3A_59 : i32 to index
        %parallel_loop3A_182 = arith.index_cast %parallel_loop3A_108 : i32 to index
        %parallel_loop3A_183 = arith.constant 80 : index
        %parallel_loop3A_184 = tpu.vector_load %arg11[%parallel_loop3A_181, %parallel_loop3A_182, %parallel_loop3A_183] {strides = array<i32>} : memref<2x128x128xf32, #tpu.memory_space<vmem>>, vector<1x1x16xf32>,
        %parallel_loop3A_185 = vector.shape_cast %parallel_loop3A_184 : vector<1x1x16xf32> to vector<16xf32>
        %parallel_loop3A_186 = vector.shape_cast %parallel_loop3A_180 : vector<16xf32> to vector<1x1x16xf32>
        tpu.vector_store %arg11[%parallel_loop3A_181, %parallel_loop3A_182, %parallel_loop3A_183], %parallel_loop3A_186 {strides = array<i32>} : memref<2x128x128xf32, #tpu.memory_space<vmem>>, vector<1x1x16xf32>,
        %parallel_loop3A_187 = arith.index_cast %rem3A_59 : i32 to index
        %parallel_loop3A_188 = arith.index_cast %parallel_loop3A_108 : i32 to index
        %parallel_loop3A_189 = arith.constant 96 : index
        %parallel_loop3A_190 = tpu.vector_load %arg11[%parallel_loop3A_187, %parallel_loop3A_188, %parallel_loop3A_189] {strides = array<i32>} : memref<2x128x128xf32, #tpu.memory_space<vmem>>, vector<1x1x16xf32>,
        %parallel_loop3A_191 = vector.shape_cast %parallel_loop3A_190 : vector<1x1x16xf32> to vector<16xf32>
        %parallel_loop3A_192 = arith.mulf %parallel_loop3A_191, %parallel_loop3A_114 : vector<16xf32>
        %parallel_loop3A_193 = arith.index_cast %rem3A_59 : i32 to index
        %parallel_loop3A_194 = arith.index_cast %parallel_loop3A_108 : i32 to index
        %parallel_loop3A_195 = arith.constant 96 : index
        %parallel_loop3A_196 = tpu.vector_load %arg11[%parallel_loop3A_193, %parallel_loop3A_194, %parallel_loop3A_195] {strides = array<i32>} : memref<2x128x128xf32, #tpu.memory_space<vmem>>, vector<1x1x16xf32>,
        %parallel_loop3A_197 = vector.shape_cast %parallel_loop3A_196 : vector<1x1x16xf32> to vector<16xf32>
        %parallel_loop3A_198 = vector.shape_cast %parallel_loop3A_192 : vector<16xf32> to vector<1x1x16xf32>
        tpu.vector_store %arg11[%parallel_loop3A_193, %parallel_loop3A_194, %parallel_loop3A_195], %parallel_loop3A_198 {strides = array<i32>} : memref<2x128x128xf32, #tpu.memory_space<vmem>>, vector<1x1x16xf32>,
        %parallel_loop3A_199 = arith.index_cast %rem3A_59 : i32 to index
        %parallel_loop3A_200 = arith.index_cast %parallel_loop3A_108 : i32 to index
        %parallel_loop3A_201 = arith.constant 112 : index
        %parallel_loop3A_202 = tpu.vector_load %arg11[%parallel_loop3A_199, %parallel_loop3A_200, %parallel_loop3A_201] {strides = array<i32>} : memref<2x128x128xf32, #tpu.memory_space<vmem>>, vector<1x1x16xf32>,
        %parallel_loop3A_203 = vector.shape_cast %parallel_loop3A_202 : vector<1x1x16xf32> to vector<16xf32>
        %parallel_loop3A_204 = arith.mulf %parallel_loop3A_203, %parallel_loop3A_114 : vector<16xf32>
        %parallel_loop3A_205 = arith.index_cast %rem3A_59 : i32 to index
        %parallel_loop3A_206 = arith.index_cast %parallel_loop3A_108 : i32 to index
        %parallel_loop3A_207 = arith.constant 112 : index
        %parallel_loop3A_208 = tpu.vector_load %arg11[%parallel_loop3A_205, %parallel_loop3A_206, %parallel_loop3A_207] {strides = array<i32>} : memref<2x128x128xf32, #tpu.memory_space<vmem>>, vector<1x1x16xf32>,
        %parallel_loop3A_209 = vector.shape_cast %parallel_loop3A_208 : vector<1x1x16xf32> to vector<16xf32>
        %parallel_loop3A_210 = vector.shape_cast %parallel_loop3A_204 : vector<16xf32> to vector<1x1x16xf32>
        tpu.vector_store %arg11[%parallel_loop3A_205, %parallel_loop3A_206, %parallel_loop3A_207], %parallel_loop3A_210 {strides = array<i32>} : memref<2x128x128xf32, #tpu.memory_space<vmem>>, vector<1x1x16xf32>,
      } {sc.loop_unroll_factor = 4 : i64, sc.parallel_access}
      %dma_start3A_98 = arith.constant 0 : i32
      %dma_start3A_99 = arith.constant 0 : i32
      %dma_start3A_100 = tpu.memref_slice %arg11[%rem3A_59, %dma_start3A_98, %dma_start3A_99] : memref<2x128x128xf32, #tpu.memory_space<vmem>> -> memref<1x128x128xf32, #tpu.memory_space<vmem>>
      %dma_start3A_101 = tpu.memref_squeeze %dma_start3A_100 : memref<1x128x128xf32, #tpu.memory_space<vmem>> -> memref<128x128xf32, #tpu.memory_space<vmem>>
      %dma_start3A_102 = arith.constant 0 : i32
      %dma_start3A_103 = tpu.memref_slice %arg9[%rem3A_59, %dma_start3A_102] : memref<2x128xi32, #tpu.memory_space<vmem>> -> memref<1x128xi32, #tpu.memory_space<vmem>>
      %dma_start3A_104 = tpu.memref_squeeze %dma_start3A_103 : memref<1x128xi32, #tpu.memory_space<vmem>> -> memref<128xi32, #tpu.memory_space<vmem>>
      %dma_start3A_105 = arith.constant 0 : i32
      %dma_start3A_106 = arith.constant 0 : i32
      %dma_start3A_107 = tpu.memref_slice %arg12[%dma_start3A_105, %dma_start3A_106] : memref<10000x128xf32, #tpu.memory_space<vmem_shared>> -> memref<10000x128xf32, #tpu.memory_space<vmem_shared>>
      tpu.enqueue_indirect_dma source(%dma_start3A_101 : memref<128x128xf32, #tpu.memory_space<vmem>>) target(%dma_start3A_107 : memref<10000x128xf32, #tpu.memory_space<vmem_shared>>) offsets(%dma_start3A_104 : memref<128xi32, #tpu.memory_space<vmem>>) semaphore(%arg17 : memref<!tpu.dma_semaphore, #tpu.memory_space<semaphore_mem>>) {add = true}
    }
    %scan3A_36 = arith.constant 80 : i32
    %dma_wait3A = arith.constant 1 : i32
    %dma_wait3A_37 = arith.constant 1 : i32
    %dma_wait3A_38 = arith.constant 0 : i32
    %dma_wait3A_39 = arith.constant 0 : i32
    %dma_wait3A_40 = tpu.memref_slice %arg11[%dma_wait3A, %dma_wait3A_38, %dma_wait3A_39] : memref<2x128x128xf32, #tpu.memory_space<vmem>> -> memref<1x128x128xf32, #tpu.memory_space<vmem>>
    %dma_wait3A_41 = tpu.memref_squeeze %dma_wait3A_40 : memref<1x128x128xf32, #tpu.memory_space<vmem>> -> memref<128x128xf32, #tpu.memory_space<vmem>>
    %dma_wait3A_42 = arith.constant 0 : i32
    %dma_wait3A_43 = tpu.memref_slice %arg9[%dma_wait3A_37, %dma_wait3A_42] : memref<2x128xi32, #tpu.memory_space<vmem>> -> memref<1x128xi32, #tpu.memory_space<vmem>>
    %dma_wait3A_44 = tpu.memref_squeeze %dma_wait3A_43 : memref<1x128xi32, #tpu.memory_space<vmem>> -> memref<128xi32, #tpu.memory_space<vmem>>
    %dma_wait3A_45 = arith.constant 0 : i32
    %dma_wait3A_46 = arith.constant 0 : i32
    %dma_wait3A_47 = tpu.memref_slice %arg12[%dma_wait3A_45, %dma_wait3A_46] : memref<10000x128xf32, #tpu.memory_space<vmem_shared>> -> memref<10000x128xf32, #tpu.memory_space<vmem_shared>>
    tpu.wait_indirect_dma semaphore(%arg17 : memref<!tpu.dma_semaphore, #tpu.memory_space<semaphore_mem>>) src(%dma_wait3A_41 : memref<128x128xf32, #tpu.memory_space<vmem>>) dst(%dma_wait3A_47 : memref<10000x128xf32, #tpu.memory_space<vmem_shared>>)
    %barrier3A_48 = arith.constant 0 : index
    tpu.barrier barrier_id(%barrier3A_48)
    %mul3A_49 = arith.constant 624 : i32
    %mul3A_50 = arith.muli %arg1, %mul3A_49 : i32
    %mul3A_51 = arith.constant 624 : i32
    %mul3A_52 = arith.muli %arg1, %mul3A_51 : i32
    "tpu.region"() ({
      %run_scoped3A_58 = tpu.sem_alloc : memref<!tpu.dma_semaphore, #tpu.memory_space<semaphore_mem>>
      %dma_start3A_59 = arith.constant 0 : i32
      %dma_start3A_60 = tpu.memref_slice %arg7[%arg0, %mul3A_52, %dma_start3A_59] : memref<2x10000x128xf32, #tpu.memory_space<hbm>> -> memref<1x624x128xf32, #tpu.memory_space<hbm>>
      %dma_start3A_61 = tpu.memref_squeeze %dma_start3A_60 : memref<1x624x128xf32, #tpu.memory_space<hbm>> -> memref<624x128xf32, #tpu.memory_space<hbm>>
      %dma_start3A_62 = arith.constant 0 : i32
      %dma_start3A_63 = tpu.memref_slice %arg12[%mul3A_50, %dma_start3A_62] : memref<10000x128xf32, #tpu.memory_space<vmem_shared>> -> memref<624x128xf32, #tpu.memory_space<vmem_shared>>
      tpu.enqueue_dma source(%dma_start3A_63 : memref<624x128xf32, #tpu.memory_space<vmem_shared>>) target(%dma_start3A_61 : memref<624x128xf32, #tpu.memory_space<hbm>>) target_semaphore(%run_scoped3A_58 : memref<!tpu.dma_semaphore, #tpu.memory_space<semaphore_mem>>)
      %dma_wait3A_64 = arith.constant 0 : i32
      %dma_wait3A_65 = tpu.memref_slice %arg7[%arg0, %mul3A_52, %dma_wait3A_64] : memref<2x10000x128xf32, #tpu.memory_space<hbm>> -> memref<1x624x128xf32, #tpu.memory_space<hbm>>
      %dma_wait3A_66 = tpu.memref_squeeze %dma_wait3A_65 : memref<1x624x128xf32, #tpu.memory_space<hbm>> -> memref<624x128xf32, #tpu.memory_space<hbm>>
      %dma_wait3A_67 = arith.constant 0 : i32
      %dma_wait3A_68 = tpu.memref_slice %arg12[%mul3A_50, %dma_wait3A_67] : memref<10000x128xf32, #tpu.memory_space<vmem_shared>> -> memref<624x128xf32, #tpu.memory_space<vmem_shared>>
      tpu.wait_dma2 semaphore(%run_scoped3A_58 : memref<!tpu.dma_semaphore, #tpu.memory_space<semaphore_mem>>) src(%dma_wait3A_68 : memref<624x128xf32, #tpu.memory_space<vmem_shared>>) dst(%dma_wait3A_66 : memref<624x128xf32, #tpu.memory_space<hbm>>)
      tpu.yield
    }) : () -> ()
    %eq3A_53 = arith.constant 15 : i32
    %eq3A_54 = arith.cmpi eq, %arg1, %eq3A_53 : i32
    %convert_element_type3A_55 = arith.extui %eq3A_54 : i1 to i32
    %cond3A_56 = arith.constant 0 : i32
    %cond3A_57 = arith.cmpi ne, %convert_element_type3A_55, %cond3A_56 : i32
    scf.if %cond3A_57 {
      "tpu.region"() ({
        %run_scoped3A_58 = tpu.sem_alloc : memref<!tpu.dma_semaphore, #tpu.memory_space<semaphore_mem>>
        %dma_start3A_59 = arith.constant 9984 : i32
        %dma_start3A_60 = arith.constant 0 : i32
        %dma_start3A_61 = tpu.memref_slice %arg7[%arg0, %dma_start3A_59, %dma_start3A_60] : memref<2x10000x128xf32, #tpu.memory_space<hbm>> -> memref<1x16x128xf32, #tpu.memory_space<hbm>>
        %dma_start3A_62 = tpu.memref_squeeze %dma_start3A_61 : memref<1x16x128xf32, #tpu.memory_space<hbm>> -> memref<16x128xf32, #tpu.memory_space<hbm>>
        %dma_start3A_63 = arith.constant 9984 : i32
        %dma_start3A_64 = arith.constant 0 : i32
        %dma_start3A_65 = tpu.memref_slice %arg12[%dma_start3A_63, %dma_start3A_64] : memref<10000x128xf32, #tpu.memory_space<vmem_shared>> -> memref<16x128xf32, #tpu.memory_space<vmem_shared>>
        tpu.enqueue_dma source(%dma_start3A_65 : memref<16x128xf32, #tpu.memory_space<vmem_shared>>) target(%dma_start3A_62 : memref<16x128xf32, #tpu.memory_space<hbm>>) target_semaphore(%run_scoped3A_58 : memref<!tpu.dma_semaphore, #tpu.memory_space<semaphore_mem>>)
        %dma_wait3A_66 = arith.constant 9984 : i32
        %dma_wait3A_67 = arith.constant 0 : i32
        %dma_wait3A_68 = tpu.memref_slice %arg7[%arg0, %dma_wait3A_66, %dma_wait3A_67] : memref<2x10000x128xf32, #tpu.memory_space<hbm>> -> memref<1x16x128xf32, #tpu.memory_space<hbm>>
        %dma_wait3A_69 = tpu.memref_squeeze %dma_wait3A_68 : memref<1x16x128xf32, #tpu.memory_space<hbm>> -> memref<16x128xf32, #tpu.memory_space<hbm>>
        %dma_wait3A_70 = arith.constant 9984 : i32
        %dma_wait3A_71 = arith.constant 0 : i32
        %dma_wait3A_72 = tpu.memref_slice %arg12[%dma_wait3A_70, %dma_wait3A_71] : memref<10000x128xf32, #tpu.memory_space<vmem_shared>> -> memref<16x128xf32, #tpu.memory_space<vmem_shared>>
        tpu.wait_dma2 semaphore(%run_scoped3A_58 : memref<!tpu.dma_semaphore, #tpu.memory_space<semaphore_mem>>) src(%dma_wait3A_72 : memref<16x128xf32, #tpu.memory_space<vmem_shared>>) dst(%dma_wait3A_69 : memref<16x128xf32, #tpu.memory_space<hbm>>)
        tpu.yield
      }) : () -> ()
    } else {
    }
    return
  }
}

#map = affine_map<(d0, d1) -> (0, 0)>
#map1 = affine_map<(d0, d1) -> (0, 0, 0)>
module attributes {stable_mosaic.version = 14 : i64} {
  func.func @_sc_aggregate(%arg0: i32, %arg1: i32, %arg2: memref<10000x128xf32, #tpu.memory_space<hbm>>, %arg3: memref<32x10240xi32, #tpu.memory_space<hbm>>, %arg4: memref<32x10240xi32, #tpu.memory_space<hbm>>, %arg5: memref<32x163840xf32, #tpu.memory_space<hbm>>, %arg6: memref<10000x128xf32, #tpu.memory_space<hbm>>, %arg7: memref<2x10000x128xf32, #tpu.memory_space<hbm>>, %arg8: memref<2x128xi32, #tpu.memory_space<vmem>>, %arg9: memref<2x128xi32, #tpu.memory_space<vmem>>, %arg10: memref<2x2048xf32, #tpu.memory_space<vmem>>, %arg11: memref<2x128x128xf32, #tpu.memory_space<vmem>>, %arg12: memref<10000x128xf32, #tpu.memory_space<vmem_shared>>, %arg13: memref<!tpu.dma_semaphore, #tpu.memory_space<semaphore_mem>>, %arg14: memref<!tpu.dma_semaphore, #tpu.memory_space<semaphore_mem>>, %arg15: memref<!tpu.dma_semaphore, #tpu.memory_space<semaphore_mem>>, %arg16: memref<!tpu.dma_semaphore, #tpu.memory_space<semaphore_mem>>, %arg17: memref<!tpu.dma_semaphore, #tpu.memory_space<semaphore_mem>>) attributes {dimension_semantics = [#tpu.dimension_semantics<core_parallel>, #tpu.dimension_semantics<subcore_parallel>], iteration_bounds = array<i64: 2, 16>, scalar_prefetch = 0 : i64, scratch_operands = 10 : i64, tpu.core_type = #tpu.core_type<sc_vector_subcore>, window_params = [{transform_indices = #map}, {transform_indices = #map}, {transform_indices = #map}, {transform_indices = #map}, {transform_indices = #map}, {transform_indices = #map1}]} {
    %mul3A = arith.constant 2 : i32
    %mul3A_0 = arith.muli %arg1, %mul3A : i32
    %add3A = arith.addi %mul3A_0, %arg0 : i32
    %mul3A_1 = arith.constant 624 : i32
    %mul3A_2 = arith.muli %arg1, %mul3A_1 : i32
    %mul3A_3 = arith.constant 624 : i32
    %mul3A_4 = arith.muli %arg1, %mul3A_3 : i32
    "tpu.region"() ({
      %run_scoped3A_58 = tpu.sem_alloc : memref<!tpu.dma_semaphore, #tpu.memory_space<semaphore_mem>>
      %dma_start3A_59 = arith.constant 0 : i32
      %dma_start3A_60 = tpu.memref_slice %arg12[%mul3A_4, %dma_start3A_59] : memref<10000x128xf32, #tpu.memory_space<vmem_shared>> -> memref<624x128xf32, #tpu.memory_space<vmem_shared>>
      %dma_start3A_61 = arith.constant 0 : i32
      %dma_start3A_62 = tpu.memref_slice %arg6[%mul3A_2, %dma_start3A_61] : memref<10000x128xf32, #tpu.memory_space<hbm>> -> memref<624x128xf32, #tpu.memory_space<hbm>>
      tpu.enqueue_dma source(%dma_start3A_62 : memref<624x128xf32, #tpu.memory_space<hbm>>) target(%dma_start3A_60 : memref<624x128xf32, #tpu.memory_space<vmem_shared>>) target_semaphore(%run_scoped3A_58 : memref<!tpu.dma_semaphore, #tpu.memory_space<semaphore_mem>>)
      %dma_wait3A_63 = arith.constant 0 : i32
      %dma_wait3A_64 = tpu.memref_slice %arg12[%mul3A_4, %dma_wait3A_63] : memref<10000x128xf32, #tpu.memory_space<vmem_shared>> -> memref<624x128xf32, #tpu.memory_space<vmem_shared>>
      %dma_wait3A_65 = arith.constant 0 : i32
      %dma_wait3A_66 = tpu.memref_slice %arg6[%mul3A_2, %dma_wait3A_65] : memref<10000x128xf32, #tpu.memory_space<hbm>> -> memref<624x128xf32, #tpu.memory_space<hbm>>
      tpu.wait_dma2 semaphore(%run_scoped3A_58 : memref<!tpu.dma_semaphore, #tpu.memory_space<semaphore_mem>>) src(%dma_wait3A_66 : memref<624x128xf32, #tpu.memory_space<hbm>>) dst(%dma_wait3A_64 : memref<624x128xf32, #tpu.memory_space<vmem_shared>>)
      tpu.yield
    }) : () -> ()
    %eq3A = arith.constant 15 : i32
    %eq3A_5 = arith.cmpi eq, %arg1, %eq3A : i32
    %convert_element_type3A = arith.extui %eq3A_5 : i1 to i32
    %cond3A = arith.constant 0 : i32
    %cond3A_6 = arith.cmpi ne, %convert_element_type3A, %cond3A : i32
    scf.if %cond3A_6 {
      "tpu.region"() ({
        %run_scoped3A_58 = tpu.sem_alloc : memref<!tpu.dma_semaphore, #tpu.memory_space<semaphore_mem>>
        %dma_start3A_59 = arith.constant 9984 : i32
        %dma_start3A_60 = arith.constant 0 : i32
        %dma_start3A_61 = tpu.memref_slice %arg12[%dma_start3A_59, %dma_start3A_60] : memref<10000x128xf32, #tpu.memory_space<vmem_shared>> -> memref<16x128xf32, #tpu.memory_space<vmem_shared>>
        %dma_start3A_62 = arith.constant 9984 : i32
        %dma_start3A_63 = arith.constant 0 : i32
        %dma_start3A_64 = tpu.memref_slice %arg6[%dma_start3A_62, %dma_start3A_63] : memref<10000x128xf32, #tpu.memory_space<hbm>> -> memref<16x128xf32, #tpu.memory_space<hbm>>
        tpu.enqueue_dma source(%dma_start3A_64 : memref<16x128xf32, #tpu.memory_space<hbm>>) target(%dma_start3A_61 : memref<16x128xf32, #tpu.memory_space<vmem_shared>>) target_semaphore(%run_scoped3A_58 : memref<!tpu.dma_semaphore, #tpu.memory_space<semaphore_mem>>)
        %dma_wait3A_65 = arith.constant 9984 : i32
        %dma_wait3A_66 = arith.constant 0 : i32
        %dma_wait3A_67 = tpu.memref_slice %arg12[%dma_wait3A_65, %dma_wait3A_66] : memref<10000x128xf32, #tpu.memory_space<vmem_shared>> -> memref<16x128xf32, #tpu.memory_space<vmem_shared>>
        %dma_wait3A_68 = arith.constant 9984 : i32
        %dma_wait3A_69 = arith.constant 0 : i32
        %dma_wait3A_70 = tpu.memref_slice %arg6[%dma_wait3A_68, %dma_wait3A_69] : memref<10000x128xf32, #tpu.memory_space<hbm>> -> memref<16x128xf32, #tpu.memory_space<hbm>>
        tpu.wait_dma2 semaphore(%run_scoped3A_58 : memref<!tpu.dma_semaphore, #tpu.memory_space<semaphore_mem>>) src(%dma_wait3A_70 : memref<16x128xf32, #tpu.memory_space<hbm>>) dst(%dma_wait3A_67 : memref<16x128xf32, #tpu.memory_space<vmem_shared>>)
        tpu.yield
      }) : () -> ()
    } else {
    }
    %barrier3A = arith.constant 0 : index
    tpu.barrier barrier_id(%barrier3A)
    %run_scoped3A = arith.constant 0 : i32
    "tpu.region"() ({
      %run_scoped3A_58 = tpu.sem_alloc : memref<!tpu.dma_semaphore, #tpu.memory_space<semaphore_mem>>
      %dma_start3A_59 = arith.constant 0 : i32
      %dma_start3A_60 = tpu.memref_slice %arg8[%run_scoped3A, %dma_start3A_59] : memref<2x128xi32, #tpu.memory_space<vmem>> -> memref<1x128xi32, #tpu.memory_space<vmem>>
      %dma_start3A_61 = tpu.memref_squeeze %dma_start3A_60 : memref<1x128xi32, #tpu.memory_space<vmem>> -> memref<128xi32, #tpu.memory_space<vmem>>
      %dma_start3A_62 = arith.constant 0 : i32
      %dma_start3A_63 = tpu.memref_slice %arg3[%add3A, %dma_start3A_62] : memref<32x10240xi32, #tpu.memory_space<hbm>> -> memref<1x128xi32, #tpu.memory_space<hbm>>
      %dma_start3A_64 = tpu.memref_squeeze %dma_start3A_63 : memref<1x128xi32, #tpu.memory_space<hbm>> -> memref<128xi32, #tpu.memory_space<hbm>>
      %dma_start3A_65 = arith.constant 0 : i32
      %dma_start3A_66 = tpu.memref_slice %arg8[%run_scoped3A, %dma_start3A_65] : memref<2x128xi32, #tpu.memory_space<vmem>> -> memref<1x128xi32, #tpu.memory_space<vmem>>
      %dma_start3A_67 = tpu.memref_squeeze %dma_start3A_66 : memref<1x128xi32, #tpu.memory_space<vmem>> -> memref<128xi32, #tpu.memory_space<vmem>>
      %dma_start3A_68 = arith.constant 0 : i32
      %dma_start3A_69 = tpu.memref_slice %arg3[%add3A, %dma_start3A_68] : memref<32x10240xi32, #tpu.memory_space<hbm>> -> memref<1x128xi32, #tpu.memory_space<hbm>>
      %dma_start3A_70 = tpu.memref_squeeze %dma_start3A_69 : memref<1x128xi32, #tpu.memory_space<hbm>> -> memref<128xi32, #tpu.memory_space<hbm>>
      tpu.enqueue_dma source(%dma_start3A_70 : memref<128xi32, #tpu.memory_space<hbm>>) target(%dma_start3A_67 : memref<128xi32, #tpu.memory_space<vmem>>) target_semaphore(%run_scoped3A_58 : memref<!tpu.dma_semaphore, #tpu.memory_space<semaphore_mem>>)
      %dma_wait3A_71 = arith.constant 0 : i32
      %dma_wait3A_72 = tpu.memref_slice %arg8[%run_scoped3A, %dma_wait3A_71] : memref<2x128xi32, #tpu.memory_space<vmem>> -> memref<1x128xi32, #tpu.memory_space<vmem>>
      %dma_wait3A_73 = tpu.memref_squeeze %dma_wait3A_72 : memref<1x128xi32, #tpu.memory_space<vmem>> -> memref<128xi32, #tpu.memory_space<vmem>>
      %dma_wait3A_74 = arith.constant 0 : i32
      %dma_wait3A_75 = tpu.memref_slice %arg3[%add3A, %dma_wait3A_74] : memref<32x10240xi32, #tpu.memory_space<hbm>> -> memref<1x128xi32, #tpu.memory_space<hbm>>
      %dma_wait3A_76 = tpu.memref_squeeze %dma_wait3A_75 : memref<1x128xi32, #tpu.memory_space<hbm>> -> memref<128xi32, #tpu.memory_space<hbm>>
      %dma_wait3A_77 = arith.constant 0 : i32
      %dma_wait3A_78 = tpu.memref_slice %arg8[%run_scoped3A, %dma_wait3A_77] : memref<2x128xi32, #tpu.memory_space<vmem>> -> memref<1x128xi32, #tpu.memory_space<vmem>>
      %dma_wait3A_79 = tpu.memref_squeeze %dma_wait3A_78 : memref<1x128xi32, #tpu.memory_space<vmem>> -> memref<128xi32, #tpu.memory_space<vmem>>
      %dma_wait3A_80 = arith.constant 0 : i32
      %dma_wait3A_81 = tpu.memref_slice %arg3[%add3A, %dma_wait3A_80] : memref<32x10240xi32, #tpu.memory_space<hbm>> -> memref<1x128xi32, #tpu.memory_space<hbm>>
      %dma_wait3A_82 = tpu.memref_squeeze %dma_wait3A_81 : memref<1x128xi32, #tpu.memory_space<hbm>> -> memref<128xi32, #tpu.memory_space<hbm>>
      tpu.wait_dma2 semaphore(%run_scoped3A_58 : memref<!tpu.dma_semaphore, #tpu.memory_space<semaphore_mem>>) src(%dma_wait3A_82 : memref<128xi32, #tpu.memory_space<hbm>>) dst(%dma_wait3A_79 : memref<128xi32, #tpu.memory_space<vmem>>)
      tpu.yield
    }) : () -> ()
    %run_scoped3A_7 = arith.constant 0 : i32
    "tpu.region"() ({
      %run_scoped3A_58 = tpu.sem_alloc : memref<!tpu.dma_semaphore, #tpu.memory_space<semaphore_mem>>
      %dma_start3A_59 = arith.constant 0 : i32
      %dma_start3A_60 = tpu.memref_slice %arg9[%run_scoped3A_7, %dma_start3A_59] : memref<2x128xi32, #tpu.memory_space<vmem>> -> memref<1x128xi32, #tpu.memory_space<vmem>>
      %dma_start3A_61 = tpu.memref_squeeze %dma_start3A_60 : memref<1x128xi32, #tpu.memory_space<vmem>> -> memref<128xi32, #tpu.memory_space<vmem>>
      %dma_start3A_62 = arith.constant 0 : i32
      %dma_start3A_63 = tpu.memref_slice %arg4[%add3A, %dma_start3A_62] : memref<32x10240xi32, #tpu.memory_space<hbm>> -> memref<1x128xi32, #tpu.memory_space<hbm>>
      %dma_start3A_64 = tpu.memref_squeeze %dma_start3A_63 : memref<1x128xi32, #tpu.memory_space<hbm>> -> memref<128xi32, #tpu.memory_space<hbm>>
      %dma_start3A_65 = arith.constant 0 : i32
      %dma_start3A_66 = tpu.memref_slice %arg9[%run_scoped3A_7, %dma_start3A_65] : memref<2x128xi32, #tpu.memory_space<vmem>> -> memref<1x128xi32, #tpu.memory_space<vmem>>
      %dma_start3A_67 = tpu.memref_squeeze %dma_start3A_66 : memref<1x128xi32, #tpu.memory_space<vmem>> -> memref<128xi32, #tpu.memory_space<vmem>>
      %dma_start3A_68 = arith.constant 0 : i32
      %dma_start3A_69 = tpu.memref_slice %arg4[%add3A, %dma_start3A_68] : memref<32x10240xi32, #tpu.memory_space<hbm>> -> memref<1x128xi32, #tpu.memory_space<hbm>>
      %dma_start3A_70 = tpu.memref_squeeze %dma_start3A_69 : memref<1x128xi32, #tpu.memory_space<hbm>> -> memref<128xi32, #tpu.memory_space<hbm>>
      tpu.enqueue_dma source(%dma_start3A_70 : memref<128xi32, #tpu.memory_space<hbm>>) target(%dma_start3A_67 : memref<128xi32, #tpu.memory_space<vmem>>) target_semaphore(%run_scoped3A_58 : memref<!tpu.dma_semaphore, #tpu.memory_space<semaphore_mem>>)
      %dma_wait3A_71 = arith.constant 0 : i32
      %dma_wait3A_72 = tpu.memref_slice %arg9[%run_scoped3A_7, %dma_wait3A_71] : memref<2x128xi32, #tpu.memory_space<vmem>> -> memref<1x128xi32, #tpu.memory_space<vmem>>
      %dma_wait3A_73 = tpu.memref_squeeze %dma_wait3A_72 : memref<1x128xi32, #tpu.memory_space<vmem>> -> memref<128xi32, #tpu.memory_space<vmem>>
      %dma_wait3A_74 = arith.constant 0 : i32
      %dma_wait3A_75 = tpu.memref_slice %arg4[%add3A, %dma_wait3A_74] : memref<32x10240xi32, #tpu.memory_space<hbm>> -> memref<1x128xi32, #tpu.memory_space<hbm>>
      %dma_wait3A_76 = tpu.memref_squeeze %dma_wait3A_75 : memref<1x128xi32, #tpu.memory_space<hbm>> -> memref<128xi32, #tpu.memory_space<hbm>>
      %dma_wait3A_77 = arith.constant 0 : i32
      %dma_wait3A_78 = tpu.memref_slice %arg9[%run_scoped3A_7, %dma_wait3A_77] : memref<2x128xi32, #tpu.memory_space<vmem>> -> memref<1x128xi32, #tpu.memory_space<vmem>>
      %dma_wait3A_79 = tpu.memref_squeeze %dma_wait3A_78 : memref<1x128xi32, #tpu.memory_space<vmem>> -> memref<128xi32, #tpu.memory_space<vmem>>
      %dma_wait3A_80 = arith.constant 0 : i32
      %dma_wait3A_81 = tpu.memref_slice %arg4[%add3A, %dma_wait3A_80] : memref<32x10240xi32, #tpu.memory_space<hbm>> -> memref<1x128xi32, #tpu.memory_space<hbm>>
      %dma_wait3A_82 = tpu.memref_squeeze %dma_wait3A_81 : memref<1x128xi32, #tpu.memory_space<hbm>> -> memref<128xi32, #tpu.memory_space<hbm>>
      tpu.wait_dma2 semaphore(%run_scoped3A_58 : memref<!tpu.dma_semaphore, #tpu.memory_space<semaphore_mem>>) src(%dma_wait3A_82 : memref<128xi32, #tpu.memory_space<hbm>>) dst(%dma_wait3A_79 : memref<128xi32, #tpu.memory_space<vmem>>)
      tpu.yield
    }) : () -> ()
    %dma_start3A = arith.constant 0 : i32
    %dma_start3A_8 = arith.constant 0 : i32
    %dma_start3A_9 = tpu.memref_slice %arg10[%dma_start3A, %dma_start3A_8] : memref<2x2048xf32, #tpu.memory_space<vmem>> -> memref<1x2048xf32, #tpu.memory_space<vmem>>
    %dma_start3A_10 = tpu.memref_squeeze %dma_start3A_9 : memref<1x2048xf32, #tpu.memory_space<vmem>> -> memref<2048xf32, #tpu.memory_space<vmem>>
    %dma_start3A_11 = arith.constant 0 : i32
    %dma_start3A_12 = tpu.memref_slice %arg5[%add3A, %dma_start3A_11] : memref<32x163840xf32, #tpu.memory_space<hbm>> -> memref<1x2048xf32, #tpu.memory_space<hbm>>
    %dma_start3A_13 = tpu.memref_squeeze %dma_start3A_12 : memref<1x2048xf32, #tpu.memory_space<hbm>> -> memref<2048xf32, #tpu.memory_space<hbm>>
    %dma_start3A_14 = arith.constant 0 : i32
    %dma_start3A_15 = tpu.memref_slice %arg10[%dma_start3A, %dma_start3A_14] : memref<2x2048xf32, #tpu.memory_space<vmem>> -> memref<1x2048xf32, #tpu.memory_space<vmem>>
    %dma_start3A_16 = tpu.memref_squeeze %dma_start3A_15 : memref<1x2048xf32, #tpu.memory_space<vmem>> -> memref<2048xf32, #tpu.memory_space<vmem>>
    %dma_start3A_17 = arith.constant 0 : i32
    %dma_start3A_18 = tpu.memref_slice %arg5[%add3A, %dma_start3A_17] : memref<32x163840xf32, #tpu.memory_space<hbm>> -> memref<1x2048xf32, #tpu.memory_space<hbm>>
    %dma_start3A_19 = tpu.memref_squeeze %dma_start3A_18 : memref<1x2048xf32, #tpu.memory_space<hbm>> -> memref<2048xf32, #tpu.memory_space<hbm>>
    tpu.enqueue_dma source(%dma_start3A_19 : memref<2048xf32, #tpu.memory_space<hbm>>) target(%dma_start3A_16 : memref<2048xf32, #tpu.memory_space<vmem>>) target_semaphore(%arg14 : memref<!tpu.dma_semaphore, #tpu.memory_space<semaphore_mem>>)
    %dma_start3A_20 = arith.constant 0 : i32
    %dma_start3A_21 = arith.constant 0 : i32
    %dma_start3A_22 = arith.constant 0 : i32
    %dma_start3A_23 = arith.constant 0 : i32
    %dma_start3A_24 = tpu.memref_slice %arg11[%dma_start3A_21, %dma_start3A_22, %dma_start3A_23] : memref<2x128x128xf32, #tpu.memory_space<vmem>> -> memref<1x128x128xf32, #tpu.memory_space<vmem>>
    %dma_start3A_25 = tpu.memref_squeeze %dma_start3A_24 : memref<1x128x128xf32, #tpu.memory_space<vmem>> -> memref<128x128xf32, #tpu.memory_space<vmem>>
    %dma_start3A_26 = arith.constant 0 : i32
    %dma_start3A_27 = tpu.memref_slice %arg8[%dma_start3A_20, %dma_start3A_26] : memref<2x128xi32, #tpu.memory_space<vmem>> -> memref<1x128xi32, #tpu.memory_space<vmem>>
    %dma_start3A_28 = tpu.memref_squeeze %dma_start3A_27 : memref<1x128xi32, #tpu.memory_space<vmem>> -> memref<128xi32, #tpu.memory_space<vmem>>
    %dma_start3A_29 = arith.constant 0 : i32
    %dma_start3A_30 = arith.constant 0 : i32
    %dma_start3A_31 = tpu.memref_slice %arg2[%dma_start3A_29, %dma_start3A_30] : memref<10000x128xf32, #tpu.memory_space<hbm>> -> memref<10000x128xf32, #tpu.memory_space<hbm>>
    tpu.enqueue_indirect_dma source(%dma_start3A_31 : memref<10000x128xf32, #tpu.memory_space<hbm>>) target(%dma_start3A_25 : memref<128x128xf32, #tpu.memory_space<vmem>>) offsets(%dma_start3A_28 : memref<128xi32, #tpu.memory_space<vmem>>) semaphore(%arg13 : memref<!tpu.dma_semaphore, #tpu.memory_space<semaphore_mem>>)
    %scan3A = arith.constant 0 : i32
    %scan3A_32 = arith.constant 0 : i32
    %scan3A_33 = arith.constant 80 : i32
    %scan3A_34 = arith.addi %scan3A_32, %scan3A_33 : i32
    %scan3A_35 = arith.constant 1 : i32
    scf.for %scan3A_58 = %scan3A_32 to %scan3A_34 step %scan3A_35  : i32 {
      %rem3A = arith.constant 2 : i32
      %rem3A_59 = arith.remsi %scan3A_58, %rem3A : i32
      %sub3A = arith.constant 1 : i32
      %sub3A_60 = arith.subi %sub3A, %rem3A_59 : i32
      %gt3A = arith.constant 0 : i32
      %gt3A_61 = arith.cmpi sgt, %scan3A_58, %gt3A : i32
      %convert_element_type3A_62 = arith.extui %gt3A_61 : i1 to i32
      %cond3A_63 = arith.constant 0 : i32
      %cond3A_64 = arith.cmpi ne, %convert_element_type3A_62, %cond3A_63 : i32
      scf.if %cond3A_64 {
        %dma_wait3A_108 = arith.constant 0 : i32
        %dma_wait3A_109 = arith.constant 0 : i32
        %dma_wait3A_110 = tpu.memref_slice %arg11[%sub3A_60, %dma_wait3A_108, %dma_wait3A_109] : memref<2x128x128xf32, #tpu.memory_space<vmem>> -> memref<1x128x128xf32, #tpu.memory_space<vmem>>
        %dma_wait3A_111 = tpu.memref_squeeze %dma_wait3A_110 : memref<1x128x128xf32, #tpu.memory_space<vmem>> -> memref<128x128xf32, #tpu.memory_space<vmem>>
        %dma_wait3A_112 = arith.constant 0 : i32
        %dma_wait3A_113 = tpu.memref_slice %arg9[%sub3A_60, %dma_wait3A_112] : memref<2x128xi32, #tpu.memory_space<vmem>> -> memref<1x128xi32, #tpu.memory_space<vmem>>
        %dma_wait3A_114 = tpu.memref_squeeze %dma_wait3A_113 : memref<1x128xi32, #tpu.memory_space<vmem>> -> memref<128xi32, #tpu.memory_space<vmem>>
        %dma_wait3A_115 = arith.constant 0 : i32
        %dma_wait3A_116 = arith.constant 0 : i32
        %dma_wait3A_117 = tpu.memref_slice %arg12[%dma_wait3A_115, %dma_wait3A_116] : memref<10000x128xf32, #tpu.memory_space<vmem_shared>> -> memref<10000x128xf32, #tpu.memory_space<vmem_shared>>
        tpu.wait_indirect_dma semaphore(%arg17 : memref<!tpu.dma_semaphore, #tpu.memory_space<semaphore_mem>>) src(%dma_wait3A_111 : memref<128x128xf32, #tpu.memory_space<vmem>>) dst(%dma_wait3A_117 : memref<10000x128xf32, #tpu.memory_space<vmem_shared>>)
      } else {
      }
      %dma_wait3A_65 = arith.constant 0 : i32
      %dma_wait3A_66 = tpu.memref_slice %arg10[%rem3A_59, %dma_wait3A_65] : memref<2x2048xf32, #tpu.memory_space<vmem>> -> memref<1x2048xf32, #tpu.memory_space<vmem>>
      %dma_wait3A_67 = tpu.memref_squeeze %dma_wait3A_66 : memref<1x2048xf32, #tpu.memory_space<vmem>> -> memref<2048xf32, #tpu.memory_space<vmem>>
      %dma_wait3A_68 = arith.constant 0 : i32
      %dma_wait3A_69 = tpu.memref_slice %arg5[%add3A, %dma_wait3A_68] : memref<32x163840xf32, #tpu.memory_space<hbm>> -> memref<1x2048xf32, #tpu.memory_space<hbm>>
      %dma_wait3A_70 = tpu.memref_squeeze %dma_wait3A_69 : memref<1x2048xf32, #tpu.memory_space<hbm>> -> memref<2048xf32, #tpu.memory_space<hbm>>
      %dma_wait3A_71 = arith.constant 0 : i32
      %dma_wait3A_72 = tpu.memref_slice %arg10[%rem3A_59, %dma_wait3A_71] : memref<2x2048xf32, #tpu.memory_space<vmem>> -> memref<1x2048xf32, #tpu.memory_space<vmem>>
      %dma_wait3A_73 = tpu.memref_squeeze %dma_wait3A_72 : memref<1x2048xf32, #tpu.memory_space<vmem>> -> memref<2048xf32, #tpu.memory_space<vmem>>
      %dma_wait3A_74 = arith.constant 0 : i32
      %dma_wait3A_75 = tpu.memref_slice %arg5[%add3A, %dma_wait3A_74] : memref<32x163840xf32, #tpu.memory_space<hbm>> -> memref<1x2048xf32, #tpu.memory_space<hbm>>
      %dma_wait3A_76 = tpu.memref_squeeze %dma_wait3A_75 : memref<1x2048xf32, #tpu.memory_space<hbm>> -> memref<2048xf32, #tpu.memory_space<hbm>>
      tpu.wait_dma2 semaphore(%arg14 : memref<!tpu.dma_semaphore, #tpu.memory_space<semaphore_mem>>) src(%dma_wait3A_76 : memref<2048xf32, #tpu.memory_space<hbm>>) dst(%dma_wait3A_73 : memref<2048xf32, #tpu.memory_space<vmem>>)
      %lt3A = arith.constant 79 : i32
      %lt3A_77 = arith.cmpi slt, %scan3A_58, %lt3A : i32
      %convert_element_type3A_78 = arith.extui %lt3A_77 : i1 to i32
      %cond3A_79 = arith.constant 0 : i32
      %cond3A_80 = arith.cmpi ne, %convert_element_type3A_78, %cond3A_79 : i32
      scf.if %cond3A_80 {
        %add3A_108 = arith.constant 1 : i32
        %add3A_109 = arith.addi %scan3A_58, %add3A_108 : i32
        %mul3A_110 = arith.constant 128 : i32
        %mul3A_111 = arith.muli %add3A_109, %mul3A_110 : i32
        %dma_start3A_112 = arith.constant 0 : i32
        %dma_start3A_113 = tpu.memref_slice %arg8[%sub3A_60, %dma_start3A_112] : memref<2x128xi32, #tpu.memory_space<vmem>> -> memref<1x128xi32, #tpu.memory_space<vmem>>
        %dma_start3A_114 = tpu.memref_squeeze %dma_start3A_113 : memref<1x128xi32, #tpu.memory_space<vmem>> -> memref<128xi32, #tpu.memory_space<vmem>>
        %dma_start3A_115 = tpu.memref_slice %arg3[%add3A, %mul3A_111] : memref<32x10240xi32, #tpu.memory_space<hbm>> -> memref<1x128xi32, #tpu.memory_space<hbm>>
        %dma_start3A_116 = tpu.memref_squeeze %dma_start3A_115 : memref<1x128xi32, #tpu.memory_space<hbm>> -> memref<128xi32, #tpu.memory_space<hbm>>
        %dma_start3A_117 = arith.constant 0 : i32
        %dma_start3A_118 = tpu.memref_slice %arg8[%sub3A_60, %dma_start3A_117] : memref<2x128xi32, #tpu.memory_space<vmem>> -> memref<1x128xi32, #tpu.memory_space<vmem>>
        %dma_start3A_119 = tpu.memref_squeeze %dma_start3A_118 : memref<1x128xi32, #tpu.memory_space<vmem>> -> memref<128xi32, #tpu.memory_space<vmem>>
        %dma_start3A_120 = tpu.memref_slice %arg3[%add3A, %mul3A_111] : memref<32x10240xi32, #tpu.memory_space<hbm>> -> memref<1x128xi32, #tpu.memory_space<hbm>>
        %dma_start3A_121 = tpu.memref_squeeze %dma_start3A_120 : memref<1x128xi32, #tpu.memory_space<hbm>> -> memref<128xi32, #tpu.memory_space<hbm>>
        tpu.enqueue_dma source(%dma_start3A_121 : memref<128xi32, #tpu.memory_space<hbm>>) target(%dma_start3A_119 : memref<128xi32, #tpu.memory_space<vmem>>) target_semaphore(%arg15 : memref<!tpu.dma_semaphore, #tpu.memory_space<semaphore_mem>>)
        %dma_start3A_122 = arith.constant 0 : i32
        %dma_start3A_123 = tpu.memref_slice %arg9[%sub3A_60, %dma_start3A_122] : memref<2x128xi32, #tpu.memory_space<vmem>> -> memref<1x128xi32, #tpu.memory_space<vmem>>
        %dma_start3A_124 = tpu.memref_squeeze %dma_start3A_123 : memref<1x128xi32, #tpu.memory_space<vmem>> -> memref<128xi32, #tpu.memory_space<vmem>>
        %dma_start3A_125 = tpu.memref_slice %arg4[%add3A, %mul3A_111] : memref<32x10240xi32, #tpu.memory_space<hbm>> -> memref<1x128xi32, #tpu.memory_space<hbm>>
        %dma_start3A_126 = tpu.memref_squeeze %dma_start3A_125 : memref<1x128xi32, #tpu.memory_space<hbm>> -> memref<128xi32, #tpu.memory_space<hbm>>
        %dma_start3A_127 = arith.constant 0 : i32
        %dma_start3A_128 = tpu.memref_slice %arg9[%sub3A_60, %dma_start3A_127] : memref<2x128xi32, #tpu.memory_space<vmem>> -> memref<1x128xi32, #tpu.memory_space<vmem>>
        %dma_start3A_129 = tpu.memref_squeeze %dma_start3A_128 : memref<1x128xi32, #tpu.memory_space<vmem>> -> memref<128xi32, #tpu.memory_space<vmem>>
        %dma_start3A_130 = tpu.memref_slice %arg4[%add3A, %mul3A_111] : memref<32x10240xi32, #tpu.memory_space<hbm>> -> memref<1x128xi32, #tpu.memory_space<hbm>>
        %dma_start3A_131 = tpu.memref_squeeze %dma_start3A_130 : memref<1x128xi32, #tpu.memory_space<hbm>> -> memref<128xi32, #tpu.memory_space<hbm>>
        tpu.enqueue_dma source(%dma_start3A_131 : memref<128xi32, #tpu.memory_space<hbm>>) target(%dma_start3A_129 : memref<128xi32, #tpu.memory_space<vmem>>) target_semaphore(%arg16 : memref<!tpu.dma_semaphore, #tpu.memory_space<semaphore_mem>>)
        %mul3A_132 = arith.constant 16 : i32
        %mul3A_133 = arith.muli %mul3A_111, %mul3A_132 : i32
        %dma_start3A_134 = arith.constant 0 : i32
        %dma_start3A_135 = tpu.memref_slice %arg10[%sub3A_60, %dma_start3A_134] : memref<2x2048xf32, #tpu.memory_space<vmem>> -> memref<1x2048xf32, #tpu.memory_space<vmem>>
        %dma_start3A_136 = tpu.memref_squeeze %dma_start3A_135 : memref<1x2048xf32, #tpu.memory_space<vmem>> -> memref<2048xf32, #tpu.memory_space<vmem>>
        %dma_start3A_137 = tpu.memref_slice %arg5[%add3A, %mul3A_133] : memref<32x163840xf32, #tpu.memory_space<hbm>> -> memref<1x2048xf32, #tpu.memory_space<hbm>>
        %dma_start3A_138 = tpu.memref_squeeze %dma_start3A_137 : memref<1x2048xf32, #tpu.memory_space<hbm>> -> memref<2048xf32, #tpu.memory_space<hbm>>
        %dma_start3A_139 = arith.constant 0 : i32
        %dma_start3A_140 = tpu.memref_slice %arg10[%sub3A_60, %dma_start3A_139] : memref<2x2048xf32, #tpu.memory_space<vmem>> -> memref<1x2048xf32, #tpu.memory_space<vmem>>
        %dma_start3A_141 = tpu.memref_squeeze %dma_start3A_140 : memref<1x2048xf32, #tpu.memory_space<vmem>> -> memref<2048xf32, #tpu.memory_space<vmem>>
        %dma_start3A_142 = tpu.memref_slice %arg5[%add3A, %mul3A_133] : memref<32x163840xf32, #tpu.memory_space<hbm>> -> memref<1x2048xf32, #tpu.memory_space<hbm>>
        %dma_start3A_143 = tpu.memref_squeeze %dma_start3A_142 : memref<1x2048xf32, #tpu.memory_space<hbm>> -> memref<2048xf32, #tpu.memory_space<hbm>>
        tpu.enqueue_dma source(%dma_start3A_143 : memref<2048xf32, #tpu.memory_space<hbm>>) target(%dma_start3A_141 : memref<2048xf32, #tpu.memory_space<vmem>>) target_semaphore(%arg14 : memref<!tpu.dma_semaphore, #tpu.memory_space<semaphore_mem>>)
      } else {
      }
      %dma_wait3A_81 = arith.constant 0 : i32
      %dma_wait3A_82 = arith.constant 0 : i32
      %dma_wait3A_83 = tpu.memref_slice %arg11[%rem3A_59, %dma_wait3A_81, %dma_wait3A_82] : memref<2x128x128xf32, #tpu.memory_space<vmem>> -> memref<1x128x128xf32, #tpu.memory_space<vmem>>
      %dma_wait3A_84 = tpu.memref_squeeze %dma_wait3A_83 : memref<1x128x128xf32, #tpu.memory_space<vmem>> -> memref<128x128xf32, #tpu.memory_space<vmem>>
      %dma_wait3A_85 = arith.constant 0 : i32
      %dma_wait3A_86 = tpu.memref_slice %arg8[%rem3A_59, %dma_wait3A_85] : memref<2x128xi32, #tpu.memory_space<vmem>> -> memref<1x128xi32, #tpu.memory_space<vmem>>
      %dma_wait3A_87 = tpu.memref_squeeze %dma_wait3A_86 : memref<1x128xi32, #tpu.memory_space<vmem>> -> memref<128xi32, #tpu.memory_space<vmem>>
      %dma_wait3A_88 = arith.constant 0 : i32
      %dma_wait3A_89 = arith.constant 0 : i32
      %dma_wait3A_90 = tpu.memref_slice %arg2[%dma_wait3A_88, %dma_wait3A_89] : memref<10000x128xf32, #tpu.memory_space<hbm>> -> memref<10000x128xf32, #tpu.memory_space<hbm>>
      tpu.wait_indirect_dma semaphore(%arg13 : memref<!tpu.dma_semaphore, #tpu.memory_space<semaphore_mem>>) src(%dma_wait3A_90 : memref<10000x128xf32, #tpu.memory_space<hbm>>) dst(%dma_wait3A_84 : memref<128x128xf32, #tpu.memory_space<vmem>>)
      %lt3A_91 = arith.constant 79 : i32
      %lt3A_92 = arith.cmpi slt, %scan3A_58, %lt3A_91 : i32
      %convert_element_type3A_93 = arith.extui %lt3A_92 : i1 to i32
      %cond3A_94 = arith.constant 0 : i32
      %cond3A_95 = arith.cmpi ne, %convert_element_type3A_93, %cond3A_94 : i32
      scf.if %cond3A_95 {
        %add3A_108 = arith.constant 1 : i32
        %add3A_109 = arith.addi %scan3A_58, %add3A_108 : i32
        %mul3A_110 = arith.constant 128 : i32
        %mul3A_111 = arith.muli %add3A_109, %mul3A_110 : i32
        %dma_wait3A_112 = arith.constant 0 : i32
        %dma_wait3A_113 = tpu.memref_slice %arg8[%sub3A_60, %dma_wait3A_112] : memref<2x128xi32, #tpu.memory_space<vmem>> -> memref<1x128xi32, #tpu.memory_space<vmem>>
        %dma_wait3A_114 = tpu.memref_squeeze %dma_wait3A_113 : memref<1x128xi32, #tpu.memory_space<vmem>> -> memref<128xi32, #tpu.memory_space<vmem>>
        %dma_wait3A_115 = tpu.memref_slice %arg3[%add3A, %mul3A_111] : memref<32x10240xi32, #tpu.memory_space<hbm>> -> memref<1x128xi32, #tpu.memory_space<hbm>>
        %dma_wait3A_116 = tpu.memref_squeeze %dma_wait3A_115 : memref<1x128xi32, #tpu.memory_space<hbm>> -> memref<128xi32, #tpu.memory_space<hbm>>
        %dma_wait3A_117 = arith.constant 0 : i32
        %dma_wait3A_118 = tpu.memref_slice %arg8[%sub3A_60, %dma_wait3A_117] : memref<2x128xi32, #tpu.memory_space<vmem>> -> memref<1x128xi32, #tpu.memory_space<vmem>>
        %dma_wait3A_119 = tpu.memref_squeeze %dma_wait3A_118 : memref<1x128xi32, #tpu.memory_space<vmem>> -> memref<128xi32, #tpu.memory_space<vmem>>
        %dma_wait3A_120 = tpu.memref_slice %arg3[%add3A, %mul3A_111] : memref<32x10240xi32, #tpu.memory_space<hbm>> -> memref<1x128xi32, #tpu.memory_space<hbm>>
        %dma_wait3A_121 = tpu.memref_squeeze %dma_wait3A_120 : memref<1x128xi32, #tpu.memory_space<hbm>> -> memref<128xi32, #tpu.memory_space<hbm>>
        tpu.wait_dma2 semaphore(%arg15 : memref<!tpu.dma_semaphore, #tpu.memory_space<semaphore_mem>>) src(%dma_wait3A_121 : memref<128xi32, #tpu.memory_space<hbm>>) dst(%dma_wait3A_119 : memref<128xi32, #tpu.memory_space<vmem>>)
        %dma_wait3A_122 = arith.constant 0 : i32
        %dma_wait3A_123 = tpu.memref_slice %arg9[%sub3A_60, %dma_wait3A_122] : memref<2x128xi32, #tpu.memory_space<vmem>> -> memref<1x128xi32, #tpu.memory_space<vmem>>
        %dma_wait3A_124 = tpu.memref_squeeze %dma_wait3A_123 : memref<1x128xi32, #tpu.memory_space<vmem>> -> memref<128xi32, #tpu.memory_space<vmem>>
        %dma_wait3A_125 = tpu.memref_slice %arg4[%add3A, %mul3A_111] : memref<32x10240xi32, #tpu.memory_space<hbm>> -> memref<1x128xi32, #tpu.memory_space<hbm>>
        %dma_wait3A_126 = tpu.memref_squeeze %dma_wait3A_125 : memref<1x128xi32, #tpu.memory_space<hbm>> -> memref<128xi32, #tpu.memory_space<hbm>>
        %dma_wait3A_127 = arith.constant 0 : i32
        %dma_wait3A_128 = tpu.memref_slice %arg9[%sub3A_60, %dma_wait3A_127] : memref<2x128xi32, #tpu.memory_space<vmem>> -> memref<1x128xi32, #tpu.memory_space<vmem>>
        %dma_wait3A_129 = tpu.memref_squeeze %dma_wait3A_128 : memref<1x128xi32, #tpu.memory_space<vmem>> -> memref<128xi32, #tpu.memory_space<vmem>>
        %dma_wait3A_130 = tpu.memref_slice %arg4[%add3A, %mul3A_111] : memref<32x10240xi32, #tpu.memory_space<hbm>> -> memref<1x128xi32, #tpu.memory_space<hbm>>
        %dma_wait3A_131 = tpu.memref_squeeze %dma_wait3A_130 : memref<1x128xi32, #tpu.memory_space<hbm>> -> memref<128xi32, #tpu.memory_space<hbm>>
        tpu.wait_dma2 semaphore(%arg16 : memref<!tpu.dma_semaphore, #tpu.memory_space<semaphore_mem>>) src(%dma_wait3A_131 : memref<128xi32, #tpu.memory_space<hbm>>) dst(%dma_wait3A_129 : memref<128xi32, #tpu.memory_space<vmem>>)
        %dma_start3A_132 = arith.constant 0 : i32
        %dma_start3A_133 = arith.constant 0 : i32
        %dma_start3A_134 = tpu.memref_slice %arg11[%sub3A_60, %dma_start3A_132, %dma_start3A_133] : memref<2x128x128xf32, #tpu.memory_space<vmem>> -> memref<1x128x128xf32, #tpu.memory_space<vmem>>
        %dma_start3A_135 = tpu.memref_squeeze %dma_start3A_134 : memref<1x128x128xf32, #tpu.memory_space<vmem>> -> memref<128x128xf32, #tpu.memory_space<vmem>>
        %dma_start3A_136 = arith.constant 0 : i32
        %dma_start3A_137 = tpu.memref_slice %arg8[%sub3A_60, %dma_start3A_136] : memref<2x128xi32, #tpu.memory_space<vmem>> -> memref<1x128xi32, #tpu.memory_space<vmem>>
        %dma_start3A_138 = tpu.memref_squeeze %dma_start3A_137 : memref<1x128xi32, #tpu.memory_space<vmem>> -> memref<128xi32, #tpu.memory_space<vmem>>
        %dma_start3A_139 = arith.constant 0 : i32
        %dma_start3A_140 = arith.constant 0 : i32
        %dma_start3A_141 = tpu.memref_slice %arg2[%dma_start3A_139, %dma_start3A_140] : memref<10000x128xf32, #tpu.memory_space<hbm>> -> memref<10000x128xf32, #tpu.memory_space<hbm>>
        tpu.enqueue_indirect_dma source(%dma_start3A_141 : memref<10000x128xf32, #tpu.memory_space<hbm>>) target(%dma_start3A_135 : memref<128x128xf32, #tpu.memory_space<vmem>>) offsets(%dma_start3A_138 : memref<128xi32, #tpu.memory_space<vmem>>) semaphore(%arg13 : memref<!tpu.dma_semaphore, #tpu.memory_space<semaphore_mem>>)
      } else {
      }
      %parallel_loop3A = arith.constant 0 : i32
      %parallel_loop3A_96 = arith.constant 128 : i32
      %parallel_loop3A_97 = arith.constant 1 : i32
      scf.for %parallel_loop3A_108 = %parallel_loop3A to %parallel_loop3A_96 step %parallel_loop3A_97  : i32 {
        %parallel_loop3A_109 = arith.constant 16 : i32
        %parallel_loop3A_110 = arith.muli %parallel_loop3A_108, %parallel_loop3A_109 : i32
        %parallel_loop3A_111 = arith.index_cast %rem3A_59 : i32 to index
        %parallel_loop3A_112 = arith.index_cast %parallel_loop3A_110 : i32 to index
        %parallel_loop3A_113 = tpu.vector_load %arg10[%parallel_loop3A_111, %parallel_loop3A_112] {strides = array<i32>} : memref<2x2048xf32, #tpu.memory_space<vmem>>, vector<1x16xf32>,
        %parallel_loop3A_114 = vector.shape_cast %parallel_loop3A_113 : vector<1x16xf32> to vector<16xf32>
        %parallel_loop3A_115 = arith.index_cast %rem3A_59 : i32 to index
        %parallel_loop3A_116 = arith.index_cast %parallel_loop3A_108 : i32 to index
        %parallel_loop3A_117 = arith.constant 0 : index
        %parallel_loop3A_118 = tpu.vector_load %arg11[%parallel_loop3A_115, %parallel_loop3A_116, %parallel_loop3A_117] {strides = array<i32>} : memref<2x128x128xf32, #tpu.memory_space<vmem>>, vector<1x1x16xf32>,
        %parallel_loop3A_119 = vector.shape_cast %parallel_loop3A_118 : vector<1x1x16xf32> to vector<16xf32>
        %parallel_loop3A_120 = arith.mulf %parallel_loop3A_119, %parallel_loop3A_114 : vector<16xf32>
        %parallel_loop3A_121 = arith.index_cast %rem3A_59 : i32 to index
        %parallel_loop3A_122 = arith.index_cast %parallel_loop3A_108 : i32 to index
        %parallel_loop3A_123 = arith.constant 0 : index
        %parallel_loop3A_124 = tpu.vector_load %arg11[%parallel_loop3A_121, %parallel_loop3A_122, %parallel_loop3A_123] {strides = array<i32>} : memref<2x128x128xf32, #tpu.memory_space<vmem>>, vector<1x1x16xf32>,
        %parallel_loop3A_125 = vector.shape_cast %parallel_loop3A_124 : vector<1x1x16xf32> to vector<16xf32>
        %parallel_loop3A_126 = vector.shape_cast %parallel_loop3A_120 : vector<16xf32> to vector<1x1x16xf32>
        tpu.vector_store %arg11[%parallel_loop3A_121, %parallel_loop3A_122, %parallel_loop3A_123], %parallel_loop3A_126 {strides = array<i32>} : memref<2x128x128xf32, #tpu.memory_space<vmem>>, vector<1x1x16xf32>,
        %parallel_loop3A_127 = arith.index_cast %rem3A_59 : i32 to index
        %parallel_loop3A_128 = arith.index_cast %parallel_loop3A_108 : i32 to index
        %parallel_loop3A_129 = arith.constant 16 : index
        %parallel_loop3A_130 = tpu.vector_load %arg11[%parallel_loop3A_127, %parallel_loop3A_128, %parallel_loop3A_129] {strides = array<i32>} : memref<2x128x128xf32, #tpu.memory_space<vmem>>, vector<1x1x16xf32>,
        %parallel_loop3A_131 = vector.shape_cast %parallel_loop3A_130 : vector<1x1x16xf32> to vector<16xf32>
        %parallel_loop3A_132 = arith.mulf %parallel_loop3A_131, %parallel_loop3A_114 : vector<16xf32>
        %parallel_loop3A_133 = arith.index_cast %rem3A_59 : i32 to index
        %parallel_loop3A_134 = arith.index_cast %parallel_loop3A_108 : i32 to index
        %parallel_loop3A_135 = arith.constant 16 : index
        %parallel_loop3A_136 = tpu.vector_load %arg11[%parallel_loop3A_133, %parallel_loop3A_134, %parallel_loop3A_135] {strides = array<i32>} : memref<2x128x128xf32, #tpu.memory_space<vmem>>, vector<1x1x16xf32>,
        %parallel_loop3A_137 = vector.shape_cast %parallel_loop3A_136 : vector<1x1x16xf32> to vector<16xf32>
        %parallel_loop3A_138 = vector.shape_cast %parallel_loop3A_132 : vector<16xf32> to vector<1x1x16xf32>
        tpu.vector_store %arg11[%parallel_loop3A_133, %parallel_loop3A_134, %parallel_loop3A_135], %parallel_loop3A_138 {strides = array<i32>} : memref<2x128x128xf32, #tpu.memory_space<vmem>>, vector<1x1x16xf32>,
        %parallel_loop3A_139 = arith.index_cast %rem3A_59 : i32 to index
        %parallel_loop3A_140 = arith.index_cast %parallel_loop3A_108 : i32 to index
        %parallel_loop3A_141 = arith.constant 32 : index
        %parallel_loop3A_142 = tpu.vector_load %arg11[%parallel_loop3A_139, %parallel_loop3A_140, %parallel_loop3A_141] {strides = array<i32>} : memref<2x128x128xf32, #tpu.memory_space<vmem>>, vector<1x1x16xf32>,
        %parallel_loop3A_143 = vector.shape_cast %parallel_loop3A_142 : vector<1x1x16xf32> to vector<16xf32>
        %parallel_loop3A_144 = arith.mulf %parallel_loop3A_143, %parallel_loop3A_114 : vector<16xf32>
        %parallel_loop3A_145 = arith.index_cast %rem3A_59 : i32 to index
        %parallel_loop3A_146 = arith.index_cast %parallel_loop3A_108 : i32 to index
        %parallel_loop3A_147 = arith.constant 32 : index
        %parallel_loop3A_148 = tpu.vector_load %arg11[%parallel_loop3A_145, %parallel_loop3A_146, %parallel_loop3A_147] {strides = array<i32>} : memref<2x128x128xf32, #tpu.memory_space<vmem>>, vector<1x1x16xf32>,
        %parallel_loop3A_149 = vector.shape_cast %parallel_loop3A_148 : vector<1x1x16xf32> to vector<16xf32>
        %parallel_loop3A_150 = vector.shape_cast %parallel_loop3A_144 : vector<16xf32> to vector<1x1x16xf32>
        tpu.vector_store %arg11[%parallel_loop3A_145, %parallel_loop3A_146, %parallel_loop3A_147], %parallel_loop3A_150 {strides = array<i32>} : memref<2x128x128xf32, #tpu.memory_space<vmem>>, vector<1x1x16xf32>,
        %parallel_loop3A_151 = arith.index_cast %rem3A_59 : i32 to index
        %parallel_loop3A_152 = arith.index_cast %parallel_loop3A_108 : i32 to index
        %parallel_loop3A_153 = arith.constant 48 : index
        %parallel_loop3A_154 = tpu.vector_load %arg11[%parallel_loop3A_151, %parallel_loop3A_152, %parallel_loop3A_153] {strides = array<i32>} : memref<2x128x128xf32, #tpu.memory_space<vmem>>, vector<1x1x16xf32>,
        %parallel_loop3A_155 = vector.shape_cast %parallel_loop3A_154 : vector<1x1x16xf32> to vector<16xf32>
        %parallel_loop3A_156 = arith.mulf %parallel_loop3A_155, %parallel_loop3A_114 : vector<16xf32>
        %parallel_loop3A_157 = arith.index_cast %rem3A_59 : i32 to index
        %parallel_loop3A_158 = arith.index_cast %parallel_loop3A_108 : i32 to index
        %parallel_loop3A_159 = arith.constant 48 : index
        %parallel_loop3A_160 = tpu.vector_load %arg11[%parallel_loop3A_157, %parallel_loop3A_158, %parallel_loop3A_159] {strides = array<i32>} : memref<2x128x128xf32, #tpu.memory_space<vmem>>, vector<1x1x16xf32>,
        %parallel_loop3A_161 = vector.shape_cast %parallel_loop3A_160 : vector<1x1x16xf32> to vector<16xf32>
        %parallel_loop3A_162 = vector.shape_cast %parallel_loop3A_156 : vector<16xf32> to vector<1x1x16xf32>
        tpu.vector_store %arg11[%parallel_loop3A_157, %parallel_loop3A_158, %parallel_loop3A_159], %parallel_loop3A_162 {strides = array<i32>} : memref<2x128x128xf32, #tpu.memory_space<vmem>>, vector<1x1x16xf32>,
        %parallel_loop3A_163 = arith.index_cast %rem3A_59 : i32 to index
        %parallel_loop3A_164 = arith.index_cast %parallel_loop3A_108 : i32 to index
        %parallel_loop3A_165 = arith.constant 64 : index
        %parallel_loop3A_166 = tpu.vector_load %arg11[%parallel_loop3A_163, %parallel_loop3A_164, %parallel_loop3A_165] {strides = array<i32>} : memref<2x128x128xf32, #tpu.memory_space<vmem>>, vector<1x1x16xf32>,
        %parallel_loop3A_167 = vector.shape_cast %parallel_loop3A_166 : vector<1x1x16xf32> to vector<16xf32>
        %parallel_loop3A_168 = arith.mulf %parallel_loop3A_167, %parallel_loop3A_114 : vector<16xf32>
        %parallel_loop3A_169 = arith.index_cast %rem3A_59 : i32 to index
        %parallel_loop3A_170 = arith.index_cast %parallel_loop3A_108 : i32 to index
        %parallel_loop3A_171 = arith.constant 64 : index
        %parallel_loop3A_172 = tpu.vector_load %arg11[%parallel_loop3A_169, %parallel_loop3A_170, %parallel_loop3A_171] {strides = array<i32>} : memref<2x128x128xf32, #tpu.memory_space<vmem>>, vector<1x1x16xf32>,
        %parallel_loop3A_173 = vector.shape_cast %parallel_loop3A_172 : vector<1x1x16xf32> to vector<16xf32>
        %parallel_loop3A_174 = vector.shape_cast %parallel_loop3A_168 : vector<16xf32> to vector<1x1x16xf32>
        tpu.vector_store %arg11[%parallel_loop3A_169, %parallel_loop3A_170, %parallel_loop3A_171], %parallel_loop3A_174 {strides = array<i32>} : memref<2x128x128xf32, #tpu.memory_space<vmem>>, vector<1x1x16xf32>,
        %parallel_loop3A_175 = arith.index_cast %rem3A_59 : i32 to index
        %parallel_loop3A_176 = arith.index_cast %parallel_loop3A_108 : i32 to index
        %parallel_loop3A_177 = arith.constant 80 : index
        %parallel_loop3A_178 = tpu.vector_load %arg11[%parallel_loop3A_175, %parallel_loop3A_176, %parallel_loop3A_177] {strides = array<i32>} : memref<2x128x128xf32, #tpu.memory_space<vmem>>, vector<1x1x16xf32>,
        %parallel_loop3A_179 = vector.shape_cast %parallel_loop3A_178 : vector<1x1x16xf32> to vector<16xf32>
        %parallel_loop3A_180 = arith.mulf %parallel_loop3A_179, %parallel_loop3A_114 : vector<16xf32>
        %parallel_loop3A_181 = arith.index_cast %rem3A_59 : i32 to index
        %parallel_loop3A_182 = arith.index_cast %parallel_loop3A_108 : i32 to index
        %parallel_loop3A_183 = arith.constant 80 : index
        %parallel_loop3A_184 = tpu.vector_load %arg11[%parallel_loop3A_181, %parallel_loop3A_182, %parallel_loop3A_183] {strides = array<i32>} : memref<2x128x128xf32, #tpu.memory_space<vmem>>, vector<1x1x16xf32>,
        %parallel_loop3A_185 = vector.shape_cast %parallel_loop3A_184 : vector<1x1x16xf32> to vector<16xf32>
        %parallel_loop3A_186 = vector.shape_cast %parallel_loop3A_180 : vector<16xf32> to vector<1x1x16xf32>
        tpu.vector_store %arg11[%parallel_loop3A_181, %parallel_loop3A_182, %parallel_loop3A_183], %parallel_loop3A_186 {strides = array<i32>} : memref<2x128x128xf32, #tpu.memory_space<vmem>>, vector<1x1x16xf32>,
        %parallel_loop3A_187 = arith.index_cast %rem3A_59 : i32 to index
        %parallel_loop3A_188 = arith.index_cast %parallel_loop3A_108 : i32 to index
        %parallel_loop3A_189 = arith.constant 96 : index
        %parallel_loop3A_190 = tpu.vector_load %arg11[%parallel_loop3A_187, %parallel_loop3A_188, %parallel_loop3A_189] {strides = array<i32>} : memref<2x128x128xf32, #tpu.memory_space<vmem>>, vector<1x1x16xf32>,
        %parallel_loop3A_191 = vector.shape_cast %parallel_loop3A_190 : vector<1x1x16xf32> to vector<16xf32>
        %parallel_loop3A_192 = arith.mulf %parallel_loop3A_191, %parallel_loop3A_114 : vector<16xf32>
        %parallel_loop3A_193 = arith.index_cast %rem3A_59 : i32 to index
        %parallel_loop3A_194 = arith.index_cast %parallel_loop3A_108 : i32 to index
        %parallel_loop3A_195 = arith.constant 96 : index
        %parallel_loop3A_196 = tpu.vector_load %arg11[%parallel_loop3A_193, %parallel_loop3A_194, %parallel_loop3A_195] {strides = array<i32>} : memref<2x128x128xf32, #tpu.memory_space<vmem>>, vector<1x1x16xf32>,
        %parallel_loop3A_197 = vector.shape_cast %parallel_loop3A_196 : vector<1x1x16xf32> to vector<16xf32>
        %parallel_loop3A_198 = vector.shape_cast %parallel_loop3A_192 : vector<16xf32> to vector<1x1x16xf32>
        tpu.vector_store %arg11[%parallel_loop3A_193, %parallel_loop3A_194, %parallel_loop3A_195], %parallel_loop3A_198 {strides = array<i32>} : memref<2x128x128xf32, #tpu.memory_space<vmem>>, vector<1x1x16xf32>,
        %parallel_loop3A_199 = arith.index_cast %rem3A_59 : i32 to index
        %parallel_loop3A_200 = arith.index_cast %parallel_loop3A_108 : i32 to index
        %parallel_loop3A_201 = arith.constant 112 : index
        %parallel_loop3A_202 = tpu.vector_load %arg11[%parallel_loop3A_199, %parallel_loop3A_200, %parallel_loop3A_201] {strides = array<i32>} : memref<2x128x128xf32, #tpu.memory_space<vmem>>, vector<1x1x16xf32>,
        %parallel_loop3A_203 = vector.shape_cast %parallel_loop3A_202 : vector<1x1x16xf32> to vector<16xf32>
        %parallel_loop3A_204 = arith.mulf %parallel_loop3A_203, %parallel_loop3A_114 : vector<16xf32>
        %parallel_loop3A_205 = arith.index_cast %rem3A_59 : i32 to index
        %parallel_loop3A_206 = arith.index_cast %parallel_loop3A_108 : i32 to index
        %parallel_loop3A_207 = arith.constant 112 : index
        %parallel_loop3A_208 = tpu.vector_load %arg11[%parallel_loop3A_205, %parallel_loop3A_206, %parallel_loop3A_207] {strides = array<i32>} : memref<2x128x128xf32, #tpu.memory_space<vmem>>, vector<1x1x16xf32>,
        %parallel_loop3A_209 = vector.shape_cast %parallel_loop3A_208 : vector<1x1x16xf32> to vector<16xf32>
        %parallel_loop3A_210 = vector.shape_cast %parallel_loop3A_204 : vector<16xf32> to vector<1x1x16xf32>
        tpu.vector_store %arg11[%parallel_loop3A_205, %parallel_loop3A_206, %parallel_loop3A_207], %parallel_loop3A_210 {strides = array<i32>} : memref<2x128x128xf32, #tpu.memory_space<vmem>>, vector<1x1x16xf32>,
      } {sc.loop_unroll_factor = 4 : i64, sc.parallel_access}
      %dma_start3A_98 = arith.constant 0 : i32
      %dma_start3A_99 = arith.constant 0 : i32
      %dma_start3A_100 = tpu.memref_slice %arg11[%rem3A_59, %dma_start3A_98, %dma_start3A_99] : memref<2x128x128xf32, #tpu.memory_space<vmem>> -> memref<1x128x128xf32, #tpu.memory_space<vmem>>
      %dma_start3A_101 = tpu.memref_squeeze %dma_start3A_100 : memref<1x128x128xf32, #tpu.memory_space<vmem>> -> memref<128x128xf32, #tpu.memory_space<vmem>>
      %dma_start3A_102 = arith.constant 0 : i32
      %dma_start3A_103 = tpu.memref_slice %arg9[%rem3A_59, %dma_start3A_102] : memref<2x128xi32, #tpu.memory_space<vmem>> -> memref<1x128xi32, #tpu.memory_space<vmem>>
      %dma_start3A_104 = tpu.memref_squeeze %dma_start3A_103 : memref<1x128xi32, #tpu.memory_space<vmem>> -> memref<128xi32, #tpu.memory_space<vmem>>
      %dma_start3A_105 = arith.constant 0 : i32
      %dma_start3A_106 = arith.constant 0 : i32
      %dma_start3A_107 = tpu.memref_slice %arg12[%dma_start3A_105, %dma_start3A_106] : memref<10000x128xf32, #tpu.memory_space<vmem_shared>> -> memref<10000x128xf32, #tpu.memory_space<vmem_shared>>
      tpu.enqueue_indirect_dma source(%dma_start3A_101 : memref<128x128xf32, #tpu.memory_space<vmem>>) target(%dma_start3A_107 : memref<10000x128xf32, #tpu.memory_space<vmem_shared>>) offsets(%dma_start3A_104 : memref<128xi32, #tpu.memory_space<vmem>>) semaphore(%arg17 : memref<!tpu.dma_semaphore, #tpu.memory_space<semaphore_mem>>) {add = true}
    }
    %scan3A_36 = arith.constant 80 : i32
    %dma_wait3A = arith.constant 1 : i32
    %dma_wait3A_37 = arith.constant 1 : i32
    %dma_wait3A_38 = arith.constant 0 : i32
    %dma_wait3A_39 = arith.constant 0 : i32
    %dma_wait3A_40 = tpu.memref_slice %arg11[%dma_wait3A, %dma_wait3A_38, %dma_wait3A_39] : memref<2x128x128xf32, #tpu.memory_space<vmem>> -> memref<1x128x128xf32, #tpu.memory_space<vmem>>
    %dma_wait3A_41 = tpu.memref_squeeze %dma_wait3A_40 : memref<1x128x128xf32, #tpu.memory_space<vmem>> -> memref<128x128xf32, #tpu.memory_space<vmem>>
    %dma_wait3A_42 = arith.constant 0 : i32
    %dma_wait3A_43 = tpu.memref_slice %arg9[%dma_wait3A_37, %dma_wait3A_42] : memref<2x128xi32, #tpu.memory_space<vmem>> -> memref<1x128xi32, #tpu.memory_space<vmem>>
    %dma_wait3A_44 = tpu.memref_squeeze %dma_wait3A_43 : memref<1x128xi32, #tpu.memory_space<vmem>> -> memref<128xi32, #tpu.memory_space<vmem>>
    %dma_wait3A_45 = arith.constant 0 : i32
    %dma_wait3A_46 = arith.constant 0 : i32
    %dma_wait3A_47 = tpu.memref_slice %arg12[%dma_wait3A_45, %dma_wait3A_46] : memref<10000x128xf32, #tpu.memory_space<vmem_shared>> -> memref<10000x128xf32, #tpu.memory_space<vmem_shared>>
    tpu.wait_indirect_dma semaphore(%arg17 : memref<!tpu.dma_semaphore, #tpu.memory_space<semaphore_mem>>) src(%dma_wait3A_41 : memref<128x128xf32, #tpu.memory_space<vmem>>) dst(%dma_wait3A_47 : memref<10000x128xf32, #tpu.memory_space<vmem_shared>>)
    %barrier3A_48 = arith.constant 0 : index
    tpu.barrier barrier_id(%barrier3A_48)
    %mul3A_49 = arith.constant 624 : i32
    %mul3A_50 = arith.muli %arg1, %mul3A_49 : i32
    %mul3A_51 = arith.constant 624 : i32
    %mul3A_52 = arith.muli %arg1, %mul3A_51 : i32
    "tpu.region"() ({
      %run_scoped3A_58 = tpu.sem_alloc : memref<!tpu.dma_semaphore, #tpu.memory_space<semaphore_mem>>
      %dma_start3A_59 = arith.constant 0 : i32
      %dma_start3A_60 = tpu.memref_slice %arg7[%arg0, %mul3A_52, %dma_start3A_59] : memref<2x10000x128xf32, #tpu.memory_space<hbm>> -> memref<1x624x128xf32, #tpu.memory_space<hbm>>
      %dma_start3A_61 = tpu.memref_squeeze %dma_start3A_60 : memref<1x624x128xf32, #tpu.memory_space<hbm>> -> memref<624x128xf32, #tpu.memory_space<hbm>>
      %dma_start3A_62 = arith.constant 0 : i32
      %dma_start3A_63 = tpu.memref_slice %arg12[%mul3A_50, %dma_start3A_62] : memref<10000x128xf32, #tpu.memory_space<vmem_shared>> -> memref<624x128xf32, #tpu.memory_space<vmem_shared>>
      tpu.enqueue_dma source(%dma_start3A_63 : memref<624x128xf32, #tpu.memory_space<vmem_shared>>) target(%dma_start3A_61 : memref<624x128xf32, #tpu.memory_space<hbm>>) target_semaphore(%run_scoped3A_58 : memref<!tpu.dma_semaphore, #tpu.memory_space<semaphore_mem>>)
      %dma_wait3A_64 = arith.constant 0 : i32
      %dma_wait3A_65 = tpu.memref_slice %arg7[%arg0, %mul3A_52, %dma_wait3A_64] : memref<2x10000x128xf32, #tpu.memory_space<hbm>> -> memref<1x624x128xf32, #tpu.memory_space<hbm>>
      %dma_wait3A_66 = tpu.memref_squeeze %dma_wait3A_65 : memref<1x624x128xf32, #tpu.memory_space<hbm>> -> memref<624x128xf32, #tpu.memory_space<hbm>>
      %dma_wait3A_67 = arith.constant 0 : i32
      %dma_wait3A_68 = tpu.memref_slice %arg12[%mul3A_50, %dma_wait3A_67] : memref<10000x128xf32, #tpu.memory_space<vmem_shared>> -> memref<624x128xf32, #tpu.memory_space<vmem_shared>>
      tpu.wait_dma2 semaphore(%run_scoped3A_58 : memref<!tpu.dma_semaphore, #tpu.memory_space<semaphore_mem>>) src(%dma_wait3A_68 : memref<624x128xf32, #tpu.memory_space<vmem_shared>>) dst(%dma_wait3A_66 : memref<624x128xf32, #tpu.memory_space<hbm>>)
      tpu.yield
    }) : () -> ()
    %eq3A_53 = arith.constant 15 : i32
    %eq3A_54 = arith.cmpi eq, %arg1, %eq3A_53 : i32
    %convert_element_type3A_55 = arith.extui %eq3A_54 : i1 to i32
    %cond3A_56 = arith.constant 0 : i32
    %cond3A_57 = arith.cmpi ne, %convert_element_type3A_55, %cond3A_56 : i32
    scf.if %cond3A_57 {
      "tpu.region"() ({
        %run_scoped3A_58 = tpu.sem_alloc : memref<!tpu.dma_semaphore, #tpu.memory_space<semaphore_mem>>
        %dma_start3A_59 = arith.constant 9984 : i32
        %dma_start3A_60 = arith.constant 0 : i32
        %dma_start3A_61 = tpu.memref_slice %arg7[%arg0, %dma_start3A_59, %dma_start3A_60] : memref<2x10000x128xf32, #tpu.memory_space<hbm>> -> memref<1x16x128xf32, #tpu.memory_space<hbm>>
        %dma_start3A_62 = tpu.memref_squeeze %dma_start3A_61 : memref<1x16x128xf32, #tpu.memory_space<hbm>> -> memref<16x128xf32, #tpu.memory_space<hbm>>
        %dma_start3A_63 = arith.constant 9984 : i32
        %dma_start3A_64 = arith.constant 0 : i32
        %dma_start3A_65 = tpu.memref_slice %arg12[%dma_start3A_63, %dma_start3A_64] : memref<10000x128xf32, #tpu.memory_space<vmem_shared>> -> memref<16x128xf32, #tpu.memory_space<vmem_shared>>
        tpu.enqueue_dma source(%dma_start3A_65 : memref<16x128xf32, #tpu.memory_space<vmem_shared>>) target(%dma_start3A_62 : memref<16x128xf32, #tpu.memory_space<hbm>>) target_semaphore(%run_scoped3A_58 : memref<!tpu.dma_semaphore, #tpu.memory_space<semaphore_mem>>)
        %dma_wait3A_66 = arith.constant 9984 : i32
        %dma_wait3A_67 = arith.constant 0 : i32
        %dma_wait3A_68 = tpu.memref_slice %arg7[%arg0, %dma_wait3A_66, %dma_wait3A_67] : memref<2x10000x128xf32, #tpu.memory_space<hbm>> -> memref<1x16x128xf32, #tpu.memory_space<hbm>>
        %dma_wait3A_69 = tpu.memref_squeeze %dma_wait3A_68 : memref<1x16x128xf32, #tpu.memory_space<hbm>> -> memref<16x128xf32, #tpu.memory_space<hbm>>
        %dma_wait3A_70 = arith.constant 9984 : i32
        %dma_wait3A_71 = arith.constant 0 : i32
        %dma_wait3A_72 = tpu.memref_slice %arg12[%dma_wait3A_70, %dma_wait3A_71] : memref<10000x128xf32, #tpu.memory_space<vmem_shared>> -> memref<16x128xf32, #tpu.memory_space<vmem_shared>>
        tpu.wait_dma2 semaphore(%run_scoped3A_58 : memref<!tpu.dma_semaphore, #tpu.memory_space<semaphore_mem>>) src(%dma_wait3A_72 : memref<16x128xf32, #tpu.memory_space<vmem_shared>>) dst(%dma_wait3A_69 : memref<16x128xf32, #tpu.memory_space<hbm>>)
        tpu.yield
      }) : () -> ()
    } else {
    }
    return
  }
}

module attributes {stable_mosaic.version = 14 : i64} {
  func.func @_tc_linear_body(%arg0: i32, %arg1: memref<2x1000x128xf32, #tpu.memory_space<vmem>>, %arg2: memref<1000x128xf32, #tpu.memory_space<vmem>>, %arg3: memref<128x128xf32, #tpu.memory_space<vmem>>, %arg4: memref<128x128xf32, #tpu.memory_space<vmem>>, %arg5: memref<1x128xf32, #tpu.memory_space<vmem>>, %arg6: memref<1000x128xf32, #tpu.memory_space<vmem>>) attributes {dimension_semantics = [#tpu.dimension_semantics<arbitrary>], iteration_bounds = array<i64: 10>, scalar_prefetch = 0 : i64, scratch_operands = 0 : i64, tpu.core_type = #tpu.core_type<tc>, window_params = [{transform_indices = @transform_0, window_bounds = array<i64: 2, 1000, 128>}, {transform_indices = @transform_1, window_bounds = array<i64: 1000, 128>}, {pipeline_mode = #tpu.pipeline_mode<synchronous>, transform_indices = @transform_2, window_bounds = array<i64: 128, 128>}, {pipeline_mode = #tpu.pipeline_mode<synchronous>, transform_indices = @transform_3, window_bounds = array<i64: 128, 128>}, {pipeline_mode = #tpu.pipeline_mode<synchronous>, transform_indices = @transform_4, window_bounds = array<i64: 1, 128>}, {transform_indices = @transform_5, window_bounds = array<i64: 1000, 128>}]} {
    %get3A = arith.constant 0 : index
    %get3A_0 = arith.constant 0 : index
    %get3A_1 = arith.constant 0 : index
    %get3A_2 = vector.load %arg1[%get3A, %get3A_0, %get3A_1] : memref<2x1000x128xf32, #tpu.memory_space<vmem>>, vector<1x1000x128xf32>
    %get3A_3 = vector.shape_cast %get3A_2 : vector<1x1000x128xf32> to vector<1000x128xf32>
    %get3A_4 = arith.constant 1 : index
    %get3A_5 = arith.constant 0 : index
    %get3A_6 = arith.constant 0 : index
    %get3A_7 = vector.load %arg1[%get3A_4, %get3A_5, %get3A_6] : memref<2x1000x128xf32, #tpu.memory_space<vmem>>, vector<1x1000x128xf32>
    %get3A_8 = vector.shape_cast %get3A_7 : vector<1x1000x128xf32> to vector<1000x128xf32>
    %add3A = arith.addf %get3A_3, %get3A_8 : vector<1000x128xf32>
    %get3A_9 = arith.constant 0 : index
    %get3A_10 = arith.constant 0 : index
    %get3A_11 = vector.load %arg3[%get3A_9, %get3A_10] : memref<128x128xf32, #tpu.memory_space<vmem>>, vector<128x128xf32>
    %dot_general3A = arith.constant dense<0.000000e+00> : vector<1000x128xf32>
    %dot_general3A_12 = tpu.matmul %add3A, %get3A_11, %dot_general3A {dimension_numbers = #tpu.dot_dimension_numbers<[1], [0], [0], [1], [0, 0, 1, 1], [], []>, transpose_lhs_hint = false} : vector<1000x128xf32>, vector<128x128xf32>, vector<1000x128xf32> -> vector<1000x128xf32>
    %get3A_13 = arith.constant 0 : index
    %get3A_14 = arith.constant 0 : index
    %get3A_15 = vector.load %arg2[%get3A_13, %get3A_14] : memref<1000x128xf32, #tpu.memory_space<vmem>>, vector<1000x128xf32>
    %get3A_16 = arith.constant 0 : index
    %get3A_17 = arith.constant 0 : index
    %get3A_18 = vector.load %arg4[%get3A_16, %get3A_17] : memref<128x128xf32, #tpu.memory_space<vmem>>, vector<128x128xf32>
    %dot_general3A_19 = arith.constant dense<0.000000e+00> : vector<1000x128xf32>
    %dot_general3A_20 = tpu.matmul %get3A_15, %get3A_18, %dot_general3A_19 {dimension_numbers = #tpu.dot_dimension_numbers<[1], [0], [0], [1], [0, 0, 1, 1], [], []>, transpose_lhs_hint = false} : vector<1000x128xf32>, vector<128x128xf32>, vector<1000x128xf32> -> vector<1000x128xf32>
    %add3A_21 = arith.addf %dot_general3A_12, %dot_general3A_20 : vector<1000x128xf32>
    %get3A_22 = arith.constant 0 : index
    %get3A_23 = arith.constant 0 : index
    %get3A_24 = vector.load %arg5[%get3A_22, %get3A_23] : memref<1x128xf32, #tpu.memory_space<vmem>>, vector<1x128xf32>
    %add3A_25 = vector.broadcast %get3A_24 : vector<1x128xf32> to vector<1000x128xf32>
    %add3A_26 = arith.addf %add3A_21, %add3A_25 : vector<1000x128xf32>
    %swap3A = arith.constant 0 : index
    %swap3A_27 = arith.constant 0 : index
    %swap3A_28 = vector.load %arg6[%swap3A, %swap3A_27] : memref<1000x128xf32, #tpu.memory_space<vmem>>, vector<1000x128xf32>
    tpu.vector_store %arg6[%swap3A, %swap3A_27], %add3A_26 {strides = array<i32>} : memref<1000x128xf32, #tpu.memory_space<vmem>>, vector<1000x128xf32>,
    return
  }
  func.func @transform_0(%arg0: i32) -> (i32, i32, i32) {
    %c0_i32 = arith.constant 0 : i32
    %c0_i32_0 = arith.constant 0 : i32
    %c0_i32_1 = arith.constant 0 : i32
    return %c0_i32, %arg0, %c0_i32_0 : i32, i32, i32
  }
  func.func @transform_1(%arg0: i32) -> (i32, i32) {
    %c0_i32 = arith.constant 0 : i32
    %c0_i32_0 = arith.constant 0 : i32
    return %arg0, %c0_i32 : i32, i32
  }
  func.func @transform_2(%arg0: i32) -> (i32, i32) {
    %c0_i32 = arith.constant 0 : i32
    %c0_i32_0 = arith.constant 0 : i32
    %c0_i32_1 = arith.constant 0 : i32
    return %c0_i32, %c0_i32_0 : i32, i32
  }
  func.func @transform_3(%arg0: i32) -> (i32, i32) {
    %c0_i32 = arith.constant 0 : i32
    %c0_i32_0 = arith.constant 0 : i32
    %c0_i32_1 = arith.constant 0 : i32
    return %c0_i32, %c0_i32_0 : i32, i32
  }
  func.func @transform_4(%arg0: i32) -> (i32, i32) {
    %c0_i32 = arith.constant 0 : i32
    %c0_i32_0 = arith.constant 0 : i32
    %c0_i32_1 = arith.constant 0 : i32
    return %c0_i32, %c0_i32_0 : i32, i32
  }
  func.func @transform_5(%arg0: i32) -> (i32, i32) {
    %c0_i32 = arith.constant 0 : i32
    %c0_i32_0 = arith.constant 0 : i32
    return %arg0, %c0_i32 : i32, i32
  }
}

module attributes {stable_mosaic.version = 14 : i64} {
  func.func @_tc_linear_body(%arg0: i32, %arg1: memref<2x1000x128xf32, #tpu.memory_space<vmem>>, %arg2: memref<1000x128xf32, #tpu.memory_space<vmem>>, %arg3: memref<128x128xf32, #tpu.memory_space<vmem>>, %arg4: memref<128x128xf32, #tpu.memory_space<vmem>>, %arg5: memref<1x128xf32, #tpu.memory_space<vmem>>, %arg6: memref<1000x128xf32, #tpu.memory_space<vmem>>) attributes {dimension_semantics = [#tpu.dimension_semantics<arbitrary>], iteration_bounds = array<i64: 10>, scalar_prefetch = 0 : i64, scratch_operands = 0 : i64, tpu.core_type = #tpu.core_type<tc>, window_params = [{transform_indices = @transform_0, window_bounds = array<i64: 2, 1000, 128>}, {transform_indices = @transform_1, window_bounds = array<i64: 1000, 128>}, {pipeline_mode = #tpu.pipeline_mode<synchronous>, transform_indices = @transform_2, window_bounds = array<i64: 128, 128>}, {pipeline_mode = #tpu.pipeline_mode<synchronous>, transform_indices = @transform_3, window_bounds = array<i64: 128, 128>}, {pipeline_mode = #tpu.pipeline_mode<synchronous>, transform_indices = @transform_4, window_bounds = array<i64: 1, 128>}, {transform_indices = @transform_5, window_bounds = array<i64: 1000, 128>}]} {
    %get3A = arith.constant 0 : index
    %get3A_0 = arith.constant 0 : index
    %get3A_1 = arith.constant 0 : index
    %get3A_2 = vector.load %arg1[%get3A, %get3A_0, %get3A_1] : memref<2x1000x128xf32, #tpu.memory_space<vmem>>, vector<1x1000x128xf32>
    %get3A_3 = vector.shape_cast %get3A_2 : vector<1x1000x128xf32> to vector<1000x128xf32>
    %get3A_4 = arith.constant 1 : index
    %get3A_5 = arith.constant 0 : index
    %get3A_6 = arith.constant 0 : index
    %get3A_7 = vector.load %arg1[%get3A_4, %get3A_5, %get3A_6] : memref<2x1000x128xf32, #tpu.memory_space<vmem>>, vector<1x1000x128xf32>
    %get3A_8 = vector.shape_cast %get3A_7 : vector<1x1000x128xf32> to vector<1000x128xf32>
    %add3A = arith.addf %get3A_3, %get3A_8 : vector<1000x128xf32>
    %get3A_9 = arith.constant 0 : index
    %get3A_10 = arith.constant 0 : index
    %get3A_11 = vector.load %arg3[%get3A_9, %get3A_10] : memref<128x128xf32, #tpu.memory_space<vmem>>, vector<128x128xf32>
    %dot_general3A = arith.constant dense<0.000000e+00> : vector<1000x128xf32>
    %dot_general3A_12 = tpu.matmul %add3A, %get3A_11, %dot_general3A {dimension_numbers = #tpu.dot_dimension_numbers<[1], [0], [0], [1], [0, 0, 1, 1], [], []>, transpose_lhs_hint = false} : vector<1000x128xf32>, vector<128x128xf32>, vector<1000x128xf32> -> vector<1000x128xf32>
    %get3A_13 = arith.constant 0 : index
    %get3A_14 = arith.constant 0 : index
    %get3A_15 = vector.load %arg2[%get3A_13, %get3A_14] : memref<1000x128xf32, #tpu.memory_space<vmem>>, vector<1000x128xf32>
    %get3A_16 = arith.constant 0 : index
    %get3A_17 = arith.constant 0 : index
    %get3A_18 = vector.load %arg4[%get3A_16, %get3A_17] : memref<128x128xf32, #tpu.memory_space<vmem>>, vector<128x128xf32>
    %dot_general3A_19 = arith.constant dense<0.000000e+00> : vector<1000x128xf32>
    %dot_general3A_20 = tpu.matmul %get3A_15, %get3A_18, %dot_general3A_19 {dimension_numbers = #tpu.dot_dimension_numbers<[1], [0], [0], [1], [0, 0, 1, 1], [], []>, transpose_lhs_hint = false} : vector<1000x128xf32>, vector<128x128xf32>, vector<1000x128xf32> -> vector<1000x128xf32>
    %add3A_21 = arith.addf %dot_general3A_12, %dot_general3A_20 : vector<1000x128xf32>
    %get3A_22 = arith.constant 0 : index
    %get3A_23 = arith.constant 0 : index
    %get3A_24 = vector.load %arg5[%get3A_22, %get3A_23] : memref<1x128xf32, #tpu.memory_space<vmem>>, vector<1x128xf32>
    %add3A_25 = vector.broadcast %get3A_24 : vector<1x128xf32> to vector<1000x128xf32>
    %add3A_26 = arith.addf %add3A_21, %add3A_25 : vector<1000x128xf32>
    %swap3A = arith.constant 0 : index
    %swap3A_27 = arith.constant 0 : index
    %swap3A_28 = vector.load %arg6[%swap3A, %swap3A_27] : memref<1000x128xf32, #tpu.memory_space<vmem>>, vector<1000x128xf32>
    tpu.vector_store %arg6[%swap3A, %swap3A_27], %add3A_26 {strides = array<i32>} : memref<1000x128xf32, #tpu.memory_space<vmem>>, vector<1000x128xf32>,
    return
  }
  func.func @transform_0(%arg0: i32) -> (i32, i32, i32) {
    %c0_i32 = arith.constant 0 : i32
    %c0_i32_0 = arith.constant 0 : i32
    %c0_i32_1 = arith.constant 0 : i32
    return %c0_i32, %arg0, %c0_i32_0 : i32, i32, i32
  }
  func.func @transform_1(%arg0: i32) -> (i32, i32) {
    %c0_i32 = arith.constant 0 : i32
    %c0_i32_0 = arith.constant 0 : i32
    return %arg0, %c0_i32 : i32, i32
  }
  func.func @transform_2(%arg0: i32) -> (i32, i32) {
    %c0_i32 = arith.constant 0 : i32
    %c0_i32_0 = arith.constant 0 : i32
    %c0_i32_1 = arith.constant 0 : i32
    return %c0_i32, %c0_i32_0 : i32, i32
  }
  func.func @transform_3(%arg0: i32) -> (i32, i32) {
    %c0_i32 = arith.constant 0 : i32
    %c0_i32_0 = arith.constant 0 : i32
    %c0_i32_1 = arith.constant 0 : i32
    return %c0_i32, %c0_i32_0 : i32, i32
  }
  func.func @transform_4(%arg0: i32) -> (i32, i32) {
    %c0_i32 = arith.constant 0 : i32
    %c0_i32_0 = arith.constant 0 : i32
    %c0_i32_1 = arith.constant 0 : i32
    return %c0_i32, %c0_i32_0 : i32, i32
  }
  func.func @transform_5(%arg0: i32) -> (i32, i32) {
    %c0_i32 = arith.constant 0 : i32
    %c0_i32_0 = arith.constant 0 : i32
    return %arg0, %c0_i32 : i32, i32
  }
}

</mosaic_0001>

<sc_bundles>
// kernel: kernel.11.cloned.1.call-start
scs
__scs_entry_jumppad:
0x0: {  	(pc) =	sbr.rel $0x88, $3  }
0x1: {  	(tag) =	ssettag $0x0;
	lr =	simm.s32 $0x1  }
0x2: {  	[smem:$0x3F93] =	sst lr;
	_ =	strace $0xD0000000  }
0x3: {  	_ = 	snop  }
0x4: {  	_ = 	snop  }
0x5: {  	_ = 	snop  }
0x6: {  	_ = 	snop  }
0x7: {  	_ = 	snop  }
__scs_overlays_trampoline_lowered:
0x8: {  	[smem:$0x3FA2] =	sst s0  }
0x9: {  	[smem:$0x3FA3] =	sst s1  }
0xa: {  	[smem:$0x3FA4] =	sst s2  }
0xb: {  	[smem:$0x3FA5] =	sst s3  }
0xc: {  	[smem:$0x3FA6] =	sst s4  }
0xd: {  	[smem:$0x3FA7] =	sst s5  }
0xe: {  	[smem:$0x3FA8] =	sst s6  }
0xf: {  	[smem:$0x3FA9] =	sst s7  }
0x10: {  	[smem:$0x3FAA] =	sst s8  }
0x11: {  	[smem:$0x3FAB] =	sst s9;
	s0 =	simm.s32 @!p0 $0x0  }
0x12: {  	s1 =	sld [smem:$0x3F91];
	s0 =	simm.s32 @p0 $0x1  }
0x13: {  	[smem:$0x3FAC] =	sst s0;
	s0 =	simm.s32 @!p1 $0x0  }
0x14: {  	s2 =	sld [smem:$0x3F90];
	s0 =	simm.s32 @p1 $0x1  }
0x15: {  	[smem:$0x3FAD] =	sst s0;
	s0 =	simm.s32 @!p2 $0x0  }
0x16: {  	s3 =	sld [smem:$0x3FDB];
	s0 =	simm.s32 @p2 $0x1  }
0x17: {  	s4 =	simm.s32 $0x1BF5;
	[smem:$0x3FAF] =	sst s0  }
0x18: {  	s0 =	sld [smem:$0x3F92];
	_ =	swait.ge [sflag:s4], $0x0  }
0x19: {  	s7 =	sld [smem:$0x3F93]  }
0x1a: {  	s8 =	sadd.s32 $0xFFFFE003, lr  }
0x1b: {  	s9 =	sadd.s32 $0xFFFFFEF7, lr;
	s5 =	simm.s32 $0xFFFFFFFF;
	p2 =	slt.u32 s8, $0xFFFFF086  }
0x1c: {  	p1 =	slt.u32 s9, $0xF7A;
	s5 =	simm.s32 @!p2 $0x0  }
0x1d: {  	s5 =	simm.s32 @p1 $0x1;
	p0 =	seq.s32 s7, s2  }
0x1e: {  	s7 =	smul.u32 @!p0 $0xF7A, s2;
	p2 =	seq.s32 @!p0 s5, $0x0  }
0x1f: {  	s9 =	smul.u32 $0xF7A, s1;
	s8 =	simm.s32 @!p0 $0x1BF5;
	p2 =	por !p2, p0  }
0x20: {  	[sflag:s8] =	ssyncset.s32 @!p0 $0xFFFFF086;
	s6 =	sadd.s32 @!p0 s3, s7;
	s7 =	simm.s32 @!p0 $0x108  }
0x21: {  	s3 =	sadd.s32 s3, s9;
	s6 =	sadd.s32 @!p0 $0x88, s6;
	s7 =	simm.s32 @p2 $0x1082  }
0x22: {  	[simem:s7], [sflag:s8] =	dma.local @!p0 [hbm:s6], $0xF7A  }
0x23: {  	s9 =	sor.u32 $0xD0000000, s2;
	s6 =	simm.s32 $0x108;
	_ =	swait.ge @!p0 [sflag:s8], $0x0  }
0x24: {  	s3 =	sadd.s32 $0x88, s3;
	s6 =	simm.s32 @!p1 $0x1082;
	[sflag:s4] =	ssyncset.s32 $0xFFFFF086  }
0x25: {  	[simem:s6], [sflag:s4] =	dma.local [hbm:s3], $0xF7A  }
0x26: {  	[smem:$0x3F93] =	sst s1;
	(tag) =	ssettag s2;
	_ =	strace s9  }
0x27: {  	s1 =	sld [smem:$0x3FA3]  }
0x28: {  	s2 =	sld [smem:$0x3FA4]  }
0x29: {  	s4 =	sld [smem:$0x3FA6]  }
0x2a: {  	p0 =	seq.s32 s5, $0x0;
	s5 =	sld [smem:$0x3FA7]  }
0x2b: {  	s6 =	sld [smem:$0x3FA8]  }
0x2c: {  	s7 =	sld [smem:$0x3FA9]  }
0x2d: {  	s3 =	simm.s32 $0x108;
	s8 =	sld [smem:$0x3FAA]  }
0x2e: {  	s3 =	simm.s32 @!p0 $0x1082;
	s9 =	sld [smem:$0x3FAB]  }
0x2f: {  	lr =	sadd.s32 s0, s3;
	s0 =	sld [smem:$0x3FA2]  }
0x30: {  	s3 =	sld [smem:$0x3FA5]  }
0x31: {  	[smem:$0x3FAE] =	sst s10  }
0x32: {  	s10 =	sld [smem:$0x3FAC];
	_ =	sdelay $0x3  }
0x33: {  	p0 =	seq.s32 s10, $0x1;
	s10 =	sld [smem:$0x3FAE];
	_ =	sdelay $0x3  }
0x34: {  	[smem:$0x3FAE] =	sst s10  }
0x35: {  	s10 =	sld [smem:$0x3FAD];
	_ =	sdelay $0x3  }
0x36: {  	p1 =	seq.s32 s10, $0x1;
	s10 =	sld [smem:$0x3FAE];
	_ =	sdelay $0x3  }
0x37: {  	[smem:$0x3FAE] =	sst s10  }
0x38: {  	s10 =	sld [smem:$0x3FAF]  }
0x39: {  	_ = 	snop;
	(pc) =	sbr.ind lr, $3  }
0x3a: {  	_ = 	snop  }
0x3b: {  	_ = 	snop  }
0x3c: {  	p2 =	seq.s32 s10, $0x1;
	s10 =	sld [smem:$0x3FAE]  }
0x3d: {  	_ =	shalt  }
0x3e: {  	_ =	shalt  }
0x3f: {  	_ =	shalt  }
0x40: {  	_ =	shalt  }
0x41: {  	_ =	shalt  }
0x42: {  	_ =	shalt  }
0x43: {  	_ =	shalt  }
0x44: {  	_ =	shalt  }
0x45: {  	_ =	shalt  }
0x46: {  	_ =	shalt  }
0x47: {  	_ =	shalt  }
0x48: {  	_ =	shalt  }
0x49: {  	_ =	shalt  }
0x4a: {  	_ =	shalt  }
0x4b: {  	_ =	shalt  }
0x4c: {  	_ =	shalt  }
0x4d: {  	_ =	shalt  }
0x4e: {  	_ =	shalt  }
0x4f: {  	_ =	shalt  }
0x50: {  	_ =	shalt  }
0x51: {  	_ =	shalt  }
0x52: {  	_ =	shalt  }
0x53: {  	_ =	shalt  }
0x54: {  	_ =	shalt  }
0x55: {  	_ =	shalt  }
0x56: {  	_ =	shalt  }
0x57: {  	_ =	shalt  }
0x58: {  	_ =	shalt  }
0x59: {  	_ =	shalt  }
0x5a: {  	_ =	shalt  }
0x5b: {  	_ =	shalt  }
0x5c: {  	_ =	shalt  }
0x5d: {  	_ =	shalt  }
0x5e: {  	_ =	shalt  }
0x5f: {  	_ =	shalt  }
0x60: {  	_ =	shalt  }
0x61: {  	_ =	shalt  }
0x62: {  	_ =	shalt  }
0x63: {  	_ =	shalt  }
0x64: {  	_ =	shalt  }
0x65: {  	_ =	shalt  }
0x66: {  	_ =	shalt  }
0x67: {  	_ =	shalt  }
0x68: {  	_ =	shalt  }
0x69: {  	_ =	shalt  }
0x6a: {  	_ =	shalt  }
0x6b: {  	_ =	shalt  }
0x6c: {  	_ =	shalt  }
0x6d: {  	_ =	shalt  }
0x6e: {  	_ =	shalt  }
0x6f: {  	_ =	shalt  }
0x70: {  	_ =	shalt  }
0x71: {  	_ =	shalt  }
0x72: {  	_ =	shalt  }
0x73: {  	_ =	shalt  }
0x74: {  	_ =	shalt  }
0x75: {  	_ =	shalt  }
0x76: {  	_ =	shalt  }
0x77: {  	_ =	shalt  }
0x78: {  	_ =	shalt  }
0x79: {  	_ =	shalt  }
0x7a: {  	_ =	shalt  }
0x7b: {  	_ =	shalt  }
0x7c: {  	_ =	shalt  }
0x7d: {  	_ =	shalt  }
0x7e: {  	_ =	shalt  }
0x7f: {  	_ =	shalt  }
0x80: {  	_ =	shalt  }
0x81: {  	_ =	shalt  }
0x82: {  	_ =	shalt  }
0x83: {  	_ =	shalt  }
0x84: {  	_ =	shalt  }
0x85: {  	_ =	shalt  }
0x86: {  	_ =	shalt  }
0x87: {  	_ =	shalt  }
.Lfunc_end0:
.L_simem_size_0:
called_computation.1_lowered:
.L_overlay_start_0:
0x88: {  	s2 =	sld [smem:$0x3FD9]  }
0x89: {  	s3 =	sld [smem:$0x3FFE];
	_ =	sdelay $0x1  }
0x8a: {  	s1 =	srdreg.scid  }
0x8b: {  	s0 =	sand.u32 $0x1, s1  }
0x8c: {  	s17 =	sshll.u32 s0, $0xA;
	s2 =	sadd.s32 s3, s2  }
0x8d: {  	s2 =	sadd.s32 s2, s17  }
0x8e: {  	[smem:$0x3FBA] =	sst s2  }
0x8f: {  	_ = 	snop  }
0x90: {  	s2 =	sld [smem:$0x3FD0];
	(tm) =	ssettm $0x1  }
0x91: {  	s18 =	sld [smem:$0x3FFB];
	_ =	sdelay $0x3  }
0x92: {  	_ =	strace s18  }
0x93: {  	s3 =	sld [smem:$0x3FFC];
	_ =	sdelay $0x3  }
0x94: {  	_ =	strace s3  }
0x95: {  	s3 =	sld [smem:$0x3FFD];
	_ =	sdelay $0x3  }
0x96: {  	_ =	strace s3  }
0x97: {  	_ =	strace $0x8FFFFFFF  }
0x98: {  	s19 =	sld [smem:$0x3FDB];
	_ =	sdelay $0x1  }
0x99: {  	s4 =	simm.s32 $_scs_section_size  }
0x9a: {  	s5 =	simm.s32 $_size__tile_overlayer_lowered;
	s6 =	simm.s32 $_tile_overlayer_lowered  }
0x9b: {  	s22 =	simm.s32 $0x1BFF;
	s21 =	sshll.u32 s6, $0x1;
	s3 =	sadd.s32 s4, s19  }
0x9c: {  	s7 =	simm.s32 $0x0;
	s20 =	sshll.u32 s5, $0x1;
	s5 =	sadd.s32 s21, s3  }
0x9d: {  	[timem:s7], [sflag:s22] =	dma.local [hbm:s5], s20  }
0x9e: {  	_ =	swait.ge [sflag:s22], s20  }
0x9f: {  	s4 =	ssub.s32 $0x0, s20;
	[sflag:s22] =	ssyncset.done $0x0  }
0xa0: {  	[sflag:s22] =	ssyncadd.s32 s4;
	_ =	sdelay $0x1  }
0xa1: {  	s23 =	simm.s32 $0x1B8B  }
0xa2: {  	_ =	swait.ge [sflag:s23], $0x1  }
0xa3: {  	[sflag:s23] =	ssyncset.done $0x0  }
0xa4: {  	s25 =	simm.s32 $0x1B8E;
	s24 =	sld [smem:$0x3FFE];
	[sflag:s23] =	ssyncadd.s32 $0xFFFFFFFF  }
0xa5: {  	s26 =	simm.s32 $execute0_lowered;
	[smem:$0x3FD2] =	sst s25  }
0xa6: {  	s5 =	sshll.u32 s26, $0x1;
	_ =	strace $0x80000049;
	[dreg:$0x1] =	wrdreg $0xFFFFFFFF  }
0xa7: {  	s28 =	simm.s32 $_size_execute0_lowered;
	s3 =	sadd.s32 s3, s5;
	[dreg:$0x0] =	wrdreg $0x0  }
0xa8: {  	s5 =	sshll.u32 s28, $0x1;
	[dreg:$0x2] =	wrdreg s3  }
0xa9: {  	[dreg:$0x3] =	wrdreg s5  }
0xaa: {  	[dreg:$0x4] =	wrdreg $0xC0  }
0xab: {  	_ =	task [dreg:s7], $0x5FFFF  }
0xac: {  	[dreg:$0x1] =	wrdreg $0xFFFFFFFF  }
0xad: {  	[dreg:$0x0] =	wrdreg $0x60  }
0xae: {  	[dreg:$0x2] =	wrdreg s24  }
0xaf: {  	[dreg:$0x3] =	wrdreg s2  }
0xb0: {  	[dreg:$0x4] =	wrdreg $0x92000  }
0xb1: {  	[dreg:$0x5] =	wrdreg $0x9  }
0xb2: {  	_ =	task.clear_ibuf [dreg:s7], $0x6FFFF;
	_ =	strace $0x90000049  }
0xb3: {  	s29 =	simm.s32 $0x9;
	_ =	strace $0x8000004B  }
0xb4: {  	_ =	swait.ge [sflag:s29], $0x1  }
0xb5: {  	[sflag:s29] =	ssyncadd.s32 $0xFFFFFFFF  }
0xb6: {  	_ =	strace $0x9000004B  }
0xb7: {  	_ =	sfence  }
0xb8: {  	s30 =	sld [smem:$0x0];
	_ =	sdelay $0x2  }
0xb9: {  	s31 =	sshll.u32 s1, $0xD;
	s1 =	sshrl.u32 s1, $0x2  }
0xba: {  	s3 =	sand.u32 $0x4000, s31;
	s1 =	sadd.s32 s1, s30  }
0xbb: {  	s0 =	sor.u32 s3, s0;
	s1 =	sshll.u32 s1, $0x11  }
0xbc: {  	s0 =	sor.u32 s1, s0  }
0xbd: {  	s0 =	sadd.s32 $0x8F2B, s0  }
0xbe: {  	[sflag:s0] =	ssyncadd.remote.s32 $0x1  }
0xbf: {  	_ =	sfence.sel $0xFFFF  }
0xc0: {  	[dreg:$0x0] =	wrdreg $0xFFFFFFFF;
	(pc) =	sbr.abs _section_cstart, $3  }
0xc1: {  	[dreg:$0x1] =	wrdreg $0xFFFFFFFF  }
0xc2: {  	_ =	task.clear_ibuf [dreg:s7], $0x2FFFF;
	_ =	strace $0x9FFFFFFF  }
0xc3: {  	(tm) =	ssettm $0x7FFFFFFF  }
tec
execute0_lowered:
.L_overlay_start_1:
0x0: {  	(tag) =	ssettag $0x1  }
0x1: {  	s0 =	rddreg [dreg:$0x0]  }
0x2: {  	s3 =	rddreg [dreg:$0x1]  }
0x3: {  	s1 =	rddreg [dreg:$0x2];
	s2 =	simm.s32 $0x0  }
0x4: {  	s6 =	srdreg.scid;
	s18 =	stileid.u32;
	s29 =	simm.s32 $0x80  }
0x5: {  	s31 =	simm.s32 $0x1;
	[smem:$0x7FF] =	sst s2;
	s4 =	sadd.s32 $0x17200, s0  }
0x6: {  	s5 =	sadd.s32 $0x3200, s0;
	s8 =	sand.u32 $0x1, s6;
	s10 =	smul.u32 $0x4E000, s18  }
0x7: {  	s6 =	sadd.s32 $0xD200, s0;
	s7 =	sadd.s32 $0x297200, s0;
	s12 =	smul.u32 $0x13800, s18  }
0x8: {  	s0 =	sadd.s32 $0x3E400, s0;
	s13 =	sshrl.u32 s18, $0x2;
	s14 =	sshll.u32 s18, $0x8  }
0x9: {  	s23 =	sshll.u32 s18, $0x6;
	s24 =	sadd.s32 $0x138000, s1;
	p0 =	sne.s32 s18, $0xF  }
0xa: {  	_ =	strace $0x8000004A;
	s9 =	ssub.s32 $0x2, s8;
	s15 =	smul.u32 $0x14000, s13  }
0xb: {  	s16 =	sshll.u32 s8, $0x7;
	s14 =	sand.u32 $0x300, s14;
	s13 =	smul.u32 $0x140000, s13  }
0xc: {  	s8 =	smul.u32 $0x138800, s8;
	[dreg:$0x6] =	wrdreg s24;
	s11 =	sshrl.u32 s9, $0x1  }
0xd: {  	s10 =	sshrl.u32 s10, $0x2;
	s21 =	sshrl.u32 s12, $0x3;
	s16 =	sor.u32 s16, s14  }
0xe: {  	s9 =	ssub.s32 s9, s11;
	s10 =	sadd.s32 s10, s1;
	s22 =	sadd.s32 s3, s21  }
0xf: {  	s11 =	sor.u32 $0x1C06, s23;
	s3 =	sadd.s32 $0x27000, s3;
	[dreg:$0x4] =	wrdreg s10  }
0x10: {  	s28 =	sadd.s32 s12, s8;
	s8 =	sshrl.u32 s8, $0x3;
	[dreg:$0x5] =	wrdreg s22  }
0x11: {  	s21 =	simm.s32 $0x6;
	s10 =	sor.u32 s15, s16;
	[dreg:$0x7] =	wrdreg s3  }
0x12: {  	s16 =	sor.u32 s13, s16;
	s3 =	sshrl.u32 s28, $0x3;
	s20 =	smax.u32 s9, $0x1  }
0x13: {  	s22 =	simm.s32 $0x0;
	s15 =	sshrl.u32 s10, $0x3;
	s3 =	sadd.s32 s0, s3  }
0x14: {  	s30 =	sshrl.u32 s16, $0x3;
	s25 =	sadd.s32 s5, s15;
	[dreg:$0xa] =	wrdreg s3  }
0x15: {  	s0 =	sadd.s32 s0, s8;
	s26 =	sadd.s32 s6, s15;
	[dreg:$0x8] =	wrdreg s25  }
0x16: {  	s17 =	sadd.s32 s7, s30;
	s0 =	sadd.s32 $0x27000, s0;
	[dreg:$0x9] =	wrdreg s26  }
0x17: {  	s3 =	simm.s32 $0x5;
	[dreg:$0xb] =	wrdreg s0;
	s0 =	simm.s32 $0x2  }
.LBB2_1:
0x18: {  	s8 =	rddreg [dreg:$0x4]  }
0x19: {  	s26 =	rddreg [dreg:$0x5];
	s23 =	sshrl.u32 s8, $0x3  }
0x1a: {  	[spmem:s23], [sflag:s11] =	dma.local [hbm:s26], $0x2700  }
0x1b: {  	_ =	swait.ge [sflag:s21], $0x2700  }
0x1c: {  	[sflag:s21] =	ssyncset.done $0x0;
	s8 =	rddreg [dreg:$0x6]  }
0x1d: {  	[sflag:s21] =	ssyncadd.s32 $0xFFFFD900;
	s24 =	sshrl.u32 @!p0 s8, $0x3;
	s8 =	rddreg [dreg:$0x7]  }
0x1e: {  	[spmem:s24], [sflag:s11] =	dma.local @!p0 [hbm:s8], $0x100  }
0x1f: {  	s8 =	simm.s32 @!p0 $0x6  }
0x20: {  	_ =	swait.ge @!p0 [sflag:s8], $0x100  }
0x21: {  	[sflag:s8] =	ssyncset.done @!p0 $0x0  }
0x22: {  	[sflag:s8] =	ssyncadd.s32 @!p0 $0xFFFFFF00  }
0x23: {  	[bflag:$0x0] =	sbarrier.arrive $0xFFFF  }
0x24: {  	s28 =	rddreg [dreg:$0x8]  }
0x25: {  	[tilespmem:s2], [sflag:$0x6] =	stream.linear.gather [hbm4b:s28+s2], $0x80, $0x38;
	[tilespmem:$0x1CA80] =	vst v63  }
0x26: {  	_ =	swait.ge [sflag:s21], $0x80  }
0x27: {  	[sflag:s21] =	ssyncset.done $0x0  }
0x28: {  	s9 =	simm.s32 $0x100;
	s30 =	rddreg [dreg:$0x9];
	[sflag:s21] =	ssyncadd.s32 $0xFFFFFF80  }
0x29: {  	[tilespmem:s9], [sflag:$0x6] =	stream.linear.gather [hbm4b:s30+s2], $0x80, $0x38;
	[tilespmem:$0x1CA80] =	vst v63  }
0x2a: {  	_ =	swait.ge [sflag:s21], $0x80  }
0x2b: {  	[sflag:s21] =	ssyncset.done $0x0  }
0x2c: {  	s9 =	simm.s32 $0x200;
	[sflag:s21] =	ssyncadd.s32 $0xFFFFFF80  }
0x2d: {  	[tilespmem:s9], [sflag:$0x2] =	stream.linear.gather [hbm4b:s17+s2], $0x80, $0x38;
	[tilespmem:$0x1CA80] =	vst v63  }
0x2e: {  	s12 =	sadd.s32 $0x80, s17;
	s13 =	simm.s32 $0x300  }
0x2f: {  	[tilespmem:s13], [sflag:$0x2] =	stream.linear.gather [hbm4b:s12+s2], $0x80, $0x38;
	[tilespmem:$0x1CA80] =	vst v63  }
0x30: {  	s14 =	sadd.s32 $0x100, s17;
	s15 =	simm.s32 $0x400  }
0x31: {  	[tilespmem:s15], [sflag:$0x2] =	stream.linear.gather [hbm4b:s14+s2], $0x80, $0x38;
	[tilespmem:$0x1CA80] =	vst v63  }
0x32: {  	s18 =	sadd.s32 $0x180, s17;
	s19 =	simm.s32 $0x500  }
0x33: {  	[tilespmem:s19], [sflag:$0x2] =	stream.linear.gather [hbm4b:s18+s2], $0x80, $0x38;
	[tilespmem:$0x1CA80] =	vst v63  }
0x34: {  	s25 =	sadd.s32 $0x200, s17;
	s26 =	simm.s32 $0x600  }
0x35: {  	[tilespmem:s26], [sflag:$0x2] =	stream.linear.gather [hbm4b:s25+s2], $0x80, $0x38;
	[tilespmem:$0x1CA80] =	vst v63  }
0x36: {  	s28 =	sadd.s32 $0x280, s17;
	s30 =	simm.s32 $0x700  }
0x37: {  	[tilespmem:s30], [sflag:$0x2] =	stream.linear.gather [hbm4b:s28+s2], $0x80, $0x38;
	[tilespmem:$0x1CA80] =	vst v63  }
0x38: {  	s12 =	sadd.s32 $0x300, s17;
	s13 =	simm.s32 $0x800  }
0x39: {  	[tilespmem:s13], [sflag:$0x2] =	stream.linear.gather [hbm4b:s12+s2], $0x80, $0x38;
	[tilespmem:$0x1CA80] =	vst v63  }
0x3a: {  	s14 =	sadd.s32 $0x380, s17;
	s15 =	simm.s32 $0x900  }
0x3b: {  	[tilespmem:s15], [sflag:$0x2] =	stream.linear.gather [hbm4b:s14+s2], $0x80, $0x38;
	[tilespmem:$0x1CA80] =	vst v63  }
0x3c: {  	s18 =	sadd.s32 $0x400, s17;
	s19 =	simm.s32 $0xA00  }
0x3d: {  	[tilespmem:s19], [sflag:$0x2] =	stream.linear.gather [hbm4b:s18+s2], $0x80, $0x38;
	[tilespmem:$0x1CA80] =	vst v63  }
0x3e: {  	s25 =	sadd.s32 $0x480, s17;
	s26 =	simm.s32 $0xB00  }
0x3f: {  	[tilespmem:s26], [sflag:$0x2] =	stream.linear.gather [hbm4b:s25+s2], $0x80, $0x38;
	[tilespmem:$0x1CA80] =	vst v63  }
0x40: {  	s28 =	sadd.s32 $0x500, s17;
	s30 =	simm.s32 $0xC00  }
0x41: {  	[tilespmem:s30], [sflag:$0x2] =	stream.linear.gather [hbm4b:s28+s2], $0x80, $0x38;
	[tilespmem:$0x1CA80] =	vst v63  }
0x42: {  	s9 =	sadd.s32 $0x580, s17;
	s12 =	simm.s32 $0xD00  }
0x43: {  	[tilespmem:s12], [sflag:$0x2] =	stream.linear.gather [hbm4b:s9+s2], $0x80, $0x38;
	[tilespmem:$0x1CA80] =	vst v63  }
0x44: {  	s13 =	sadd.s32 $0x600, s17;
	s14 =	simm.s32 $0xE00  }
0x45: {  	[tilespmem:s14], [sflag:$0x2] =	stream.linear.gather [hbm4b:s13+s2], $0x80, $0x38;
	[tilespmem:$0x1CA80] =	vst v63  }
0x46: {  	s15 =	sadd.s32 $0x680, s17;
	s18 =	simm.s32 $0xF00  }
0x47: {  	[tilespmem:s18], [sflag:$0x2] =	stream.linear.gather [hbm4b:s15+s2], $0x80, $0x38;
	[tilespmem:$0x1CA80] =	vst v63  }
0x48: {  	s19 =	sadd.s32 $0x700, s17;
	s25 =	simm.s32 $0x1000  }
0x49: {  	[tilespmem:s25], [sflag:$0x2] =	stream.linear.gather [hbm4b:s19+s2], $0x80, $0x38;
	[tilespmem:$0x1CA80] =	vst v63  }
0x4a: {  	s26 =	sadd.s32 $0x780, s17;
	s28 =	simm.s32 $0x1100  }
0x4b: {  	[tilespmem:s28], [sflag:$0x2] =	stream.linear.gather [hbm4b:s26+s2], $0x80, $0x38;
	[tilespmem:$0x1CA80] =	vst v63  }
0x4c: {  	p1 =	por $0x0, $0x0;
	s30 =	simm.s32 $0x1200;
	s25 =	simm.s32 $0x0  }
0x4d: {  	[tilespmem:s30], [sflag:$0x1] =	stream.indirect.gather [hbm4b:s4+s29], $0x80, s2, s29, $0xb8;
	[tilespmem:$0x1CA80] =	vst v63  }
.LBB2_2:
0x4e: {  	p3 =	seq.s32 s25, $0x0  }
0x4f: {  	s8 =	simm.s32 @!p3 $0x5  }
0x50: {  	p2 =	seq.s32 s25, $0x4F;
	s26 =	sand.u32 $0x1, s25;
	_ =	swait.ge @!p3 [sflag:s8], $0x4000  }
0x51: {  	s12 =	sadd.s32 @!p2 $0x1, s25;
	s9 =	sxor.u32 $0x1, s26;
	[sflag:s8] =	ssyncset.done @!p3 $0x0  }
0x52: {  	s30 =	simm.s32 @!p2 $0x0;
	[sflag:s8] =	ssyncadd.s32 @!p3 $0xFFFFC000;
	s8 =	sshll.u32 @!p2 s12, $0xA  }
0x53: {  	s12 =	sshll.u32 @!p2 s12, $0xE;
	_ =	swait.ge [sflag:s0], $0x800;
	s8 =	sadd.s32 @!p2 s10, s8  }
0x54: {  	s12 =	sadd.s32 @!p2 s16, s12;
	[sflag:s0] =	ssyncset.done $0x0;
	s13 =	sshrl.u32 @!p2 s8, $0x3  }
0x55: {  	s8 =	sshll.u32 @!p2 s9, $0x7;
	[sflag:s0] =	ssyncadd.s32 $0xFFFFF800;
	s28 =	sadd.s32 @!p2 s5, s13  }
0x56: {  	[tilespmem:s8], [sflag:$0x3] =	stream.linear.gather @!p2 [hbm4b:s28+s30], $0x80, $0x38;
	[tilespmem:$0x1CA80] =	vst v63  }
0x57: {  	s12 =	sshrl.u32 @!p2 s12, $0x3;
	s13 =	sadd.s32 @!p2 s6, s13;
	s28 =	sor.u32 @!p2 $0x100, s8  }
0x58: {  	[tilespmem:s28], [sflag:$0x4] =	stream.linear.gather @!p2 [hbm4b:s13+s30], $0x80, $0x38;
	[tilespmem:$0x1CA80] =	vst v63  }
0x59: {  	s12 =	sadd.s32 @!p2 s7, s12;
	s13 =	sor.u32 @!p2 $0x200, s8  }
0x5a: {  	[tilespmem:s13], [sflag:$0x2] =	stream.linear.gather @!p2 [hbm4b:s12+s30], $0x80, $0x38;
	[tilespmem:$0x1CA80] =	vst v63  }
0x5b: {  	s28 =	sor.u32 @!p2 $0x300, s8;
	s13 =	sadd.s32 @!p2 $0x80, s12  }
0x5c: {  	[tilespmem:s28], [sflag:$0x2] =	stream.linear.gather @!p2 [hbm4b:s13+s30], $0x80, $0x38;
	[tilespmem:$0x1CA80] =	vst v63  }
0x5d: {  	s13 =	sadd.s32 @!p2 $0x100, s12;
	s28 =	sor.u32 @!p2 $0x400, s8  }
0x5e: {  	[tilespmem:s28], [sflag:$0x2] =	stream.linear.gather @!p2 [hbm4b:s13+s30], $0x80, $0x38;
	[tilespmem:$0x1CA80] =	vst v63  }
0x5f: {  	s13 =	sadd.s32 @!p2 $0x180, s12;
	s28 =	sor.u32 @!p2 $0x500, s8  }
0x60: {  	[tilespmem:s28], [sflag:$0x2] =	stream.linear.gather @!p2 [hbm4b:s13+s30], $0x80, $0x38;
	[tilespmem:$0x1CA80] =	vst v63  }
0x61: {  	s13 =	sadd.s32 @!p2 $0x200, s12;
	s28 =	sor.u32 @!p2 $0x600, s8  }
0x62: {  	[tilespmem:s28], [sflag:$0x2] =	stream.linear.gather @!p2 [hbm4b:s13+s30], $0x80, $0x38;
	[tilespmem:$0x1CA80] =	vst v63  }
0x63: {  	s13 =	sadd.s32 @!p2 $0x280, s12;
	s28 =	sor.u32 @!p2 $0x700, s8  }
0x64: {  	[tilespmem:s28], [sflag:$0x2] =	stream.linear.gather @!p2 [hbm4b:s13+s30], $0x80, $0x38;
	[tilespmem:$0x1CA80] =	vst v63  }
0x65: {  	s13 =	sadd.s32 @!p2 $0x300, s12;
	s28 =	sor.u32 @!p2 $0x800, s8  }
0x66: {  	[tilespmem:s28], [sflag:$0x2] =	stream.linear.gather @!p2 [hbm4b:s13+s30], $0x80, $0x38;
	[tilespmem:$0x1CA80] =	vst v63  }
0x67: {  	s13 =	sadd.s32 @!p2 $0x380, s12;
	s28 =	sor.u32 @!p2 $0x900, s8  }
0x68: {  	[tilespmem:s28], [sflag:$0x2] =	stream.linear.gather @!p2 [hbm4b:s13+s30], $0x80, $0x38;
	[tilespmem:$0x1CA80] =	vst v63  }
0x69: {  	s13 =	sadd.s32 @!p2 $0x400, s12;
	s28 =	sor.u32 @!p2 $0xA00, s8  }
0x6a: {  	[tilespmem:s28], [sflag:$0x2] =	stream.linear.gather @!p2 [hbm4b:s13+s30], $0x80, $0x38;
	[tilespmem:$0x1CA80] =	vst v63  }
0x6b: {  	s13 =	sadd.s32 @!p2 $0x480, s12;
	s28 =	sor.u32 @!p2 $0xB00, s8  }
0x6c: {  	[tilespmem:s28], [sflag:$0x2] =	stream.linear.gather @!p2 [hbm4b:s13+s30], $0x80, $0x38;
	[tilespmem:$0x1CA80] =	vst v63  }
0x6d: {  	s13 =	sadd.s32 @!p2 $0x500, s12;
	s28 =	sor.u32 @!p2 $0xC00, s8  }
0x6e: {  	[tilespmem:s28], [sflag:$0x2] =	stream.linear.gather @!p2 [hbm4b:s13+s30], $0x80, $0x38;
	[tilespmem:$0x1CA80] =	vst v63  }
0x6f: {  	s13 =	sadd.s32 @!p2 $0x580, s12;
	s28 =	sor.u32 @!p2 $0xD00, s8  }
0x70: {  	[tilespmem:s28], [sflag:$0x2] =	stream.linear.gather @!p2 [hbm4b:s13+s30], $0x80, $0x38;
	[tilespmem:$0x1CA80] =	vst v63  }
0x71: {  	s13 =	sadd.s32 @!p2 $0x600, s12;
	s28 =	sor.u32 @!p2 $0xE00, s8  }
0x72: {  	[tilespmem:s28], [sflag:$0x2] =	stream.linear.gather @!p2 [hbm4b:s13+s30], $0x80, $0x38;
	[tilespmem:$0x1CA80] =	vst v63  }
0x73: {  	s13 =	sadd.s32 @!p2 $0x680, s12;
	s28 =	sor.u32 @!p2 $0xF00, s8  }
0x74: {  	[tilespmem:s28], [sflag:$0x2] =	stream.linear.gather @!p2 [hbm4b:s13+s30], $0x80, $0x38;
	[tilespmem:$0x1CA80] =	vst v63  }
0x75: {  	s13 =	sadd.s32 @!p2 $0x700, s12;
	s28 =	sor.u32 @!p2 $0x1000, s8  }
0x76: {  	[tilespmem:s28], [sflag:$0x2] =	stream.linear.gather @!p2 [hbm4b:s13+s30], $0x80, $0x38;
	[tilespmem:$0x1CA80] =	vst v63  }
0x77: {  	s12 =	sadd.s32 @!p2 $0x780, s12;
	s13 =	sor.u32 @!p2 $0x1100, s8  }
0x78: {  	[tilespmem:s13], [sflag:$0x2] =	stream.linear.gather @!p2 [hbm4b:s12+s30], $0x80, $0x38;
	[tilespmem:$0x1CA80] =	vst v63  }
0x79: {  	_ =	swait.ge [sflag:s31], $0x4000  }
0x7a: {  	[sflag:s31] =	ssyncset.done $0x0  }
0x7b: {  	s12 =	simm.s32 @!p2 $0x3;
	[sflag:s31] =	ssyncadd.s32 $0xFFFFC000  }
0x7c: {  	_ =	swait.ge @!p2 [sflag:s12], $0x80  }
0x7d: {  	[sflag:s12] =	ssyncset.done @!p2 $0x0  }
0x7e: {  	[sflag:s12] =	ssyncadd.s32 @!p2 $0xFFFFFF80;
	s12 =	simm.s32 @!p2 $0x4  }
0x7f: {  	_ =	swait.ge @!p2 [sflag:s12], $0x80  }
0x80: {  	s9 =	sshll.u32 @!p2 s9, $0xE;
	[sflag:s12] =	ssyncset.done @!p2 $0x0  }
0x81: {  	s9 =	sor.u32 @!p2 $0x1200, s9;
	s13 =	simm.s32 @!p2 $0x80;
	[sflag:s12] =	ssyncadd.s32 @!p2 $0xFFFFFF80  }
0x82: {  	[tilespmem:s9], [sflag:$0x1] =	stream.indirect.gather @!p2 [hbm4b:s4+s13], $0x80, s8, s13, $0xb8;
	[tilespmem:$0x1CA80] =	vst v63  }
0x83: {  	s9 =	simm.s32 $0x1  }
0x84: {  	s18 =	sshll.u32 s25, $0x7;
	s9 =	simm.s32 @!p1 $0x0  }
0x85: {  	s12 =	sand.u32 $0x80, s18;
	s9 =	sshll.u32 s9, $0xE  }
0x86: {  	v1 =	vmov s12;
	s28 =	sor.u32 $0x1300, s9  }
0x87: {  	s19 =	simm.s32 $0x0;
	v2 =	vld [tilespmem:s28+$0xF0]  }
0x88: {  	s13 =	sand.u32 $0xF00, s19;
	v4 =	vld [tilespmem:s28+$0xFFFFFF00]  }
0x89: {  	s14 =	simm.s32 $0x30;
	s8 =	sand.u32 $0x40, s19;
	s12 =	sadd.s32 $0x200, s13;
	v5 =	vld [tilespmem:s28+$0xFFFFFF10]  }
0x8a: {  	s13 =	sand.u32 $0x70, s14;
	s8 =	sor.u32 s8, s12;
	v6 =	vld [tilespmem:s28+$0xFFFFFF20]  }
0x8b: {  	s13 =	sor.u32 s13, s12;
	v3 =	vld.idx.msk [tilespmem:v1+s8+$0x0 ss:$0x1], $0xffff  }
0x8c: {  	v0 =	vld.idx.msk [tilespmem:v1+s13+$0x0 ss:$0x1], $0xffff  }
0x8d: {  	v7 =	vld [tilespmem:s28+$0xFFFFFF30]  }
0x8e: {  	v10 =	vld [tilespmem:s28+$0xFFFFFF60]  }
0x8f: {  	v8 =	vld [tilespmem:s28+$0xFFFFFF40]  }
0x90: {  	s15 =	simm.s32 $0x10;
	v9 =	vld [tilespmem:s28+$0xFFFFFF50];
	v4 =	vmul.f32 v4, v3  }
0x91: {  	v12 =	vld [tilespmem:s28+$0xFFFFFF80];
	s8 =	sand.u32 $0x50, s15;
	v2 =	vmul.f32 v2, v0  }
0x92: {  	v62 =	vld [tilespmem:s28+$0xFFFFFFD0];
	s8 =	sor.u32 s8, s12;
	v5 =	vmul.f32 v5, v3;
	[tilespmem:s28+$0xFFFFFF00] =	vst v4  }
0x93: {  	v11 =	vld.idx.msk [tilespmem:v1+s8+$0x0 ss:$0x1], $0xffff;
	v10 =	vmul.f32 v10, v3;
	[tilespmem:s28+$0xF0] =	vst v2  }
0x94: {  	v4 =	vld [tilespmem:s28+$0xFFFFFF70];
	v2 =	vmul.f32 v6, v3;
	[tilespmem:s28+$0xFFFFFF10] =	vst v5  }
0x95: {  	v6 =	vld [tilespmem:s28+$0xFFFFFF90];
	v5 =	vmul.f32 v7, v3;
	[tilespmem:s28+$0xFFFFFF60] =	vst v10  }
0x96: {  	v7 =	vld [tilespmem:s28+$0xFFFFFFA0];
	[tilespmem:s28+$0xFFFFFF20] =	vst v2;
	v2 =	vmul.f32 v8, v3  }
0x97: {  	v8 =	vld [tilespmem:s28+$0xFFFFFFB0];
	[tilespmem:s28+$0xFFFFFF30] =	vst v5;
	v5 =	vmul.f32 v9, v3  }
0x98: {  	s18 =	simm.s32 $0x20;
	v9 =	vld [tilespmem:s28+$0xFFFFFFC0];
	[tilespmem:s28+$0xFFFFFF40] =	vst v2;
	v2 =	vmul.f32 v12, v11  }
0x99: {  	s8 =	sand.u32 $0x60, s18;
	[tilespmem:s28+$0xFFFFFF50] =	vst v5;
	v5 =	vld [tilespmem:s28+$0xFFFFFFE0];
	v3 =	vmul.f32 v4, v3  }
0x9a: {  	s8 =	sor.u32 s8, s12;
	v4 =	vmul.f32 v6, v11;
	v6 =	vld [tilespmem:s28+$0xFFFFFFF0];
	[tilespmem:s28+$0xFFFFFF80] =	vst v2  }
0x9b: {  	v2 =	vld.idx.msk [tilespmem:v1+s8+$0x0 ss:$0x1], $0xffff;
	[tilespmem:s28+$0xFFFFFF70] =	vst v3;
	v3 =	vmul.f32 v7, v11  }
0x9c: {  	v7 =	vld [tilespmem:s28+$0x0];
	[tilespmem:s28+$0xFFFFFF90] =	vst v4;
	v4 =	vmul.f32 v8, v11  }
0x9d: {  	v8 =	vld [tilespmem:s28+$0x10];
	[tilespmem:s28+$0xFFFFFFA0] =	vst v3;
	v3 =	vmul.f32 v9, v11  }
0x9e: {  	v9 =	vld [tilespmem:s28+$0x20];
	[tilespmem:s28+$0xFFFFFFB0] =	vst v4;
	v4 =	vmul.f32 v62, v11  }
0x9f: {  	v10 =	vld [tilespmem:s28+$0x30];
	v6 =	vmul.f32 v6, v11;
	[tilespmem:s28+$0xFFFFFFC0] =	vst v3  }
0xa0: {  	v3 =	vmul.f32 v5, v11;
	v5 =	vld [tilespmem:s28+$0x40];
	[tilespmem:s28+$0xFFFFFFD0] =	vst v4  }
0xa1: {  	v63 =	vld [tilespmem:s28+$0x50];
	v4 =	vmul.f32 v7, v2;
	[tilespmem:s28+$0xFFFFFFF0] =	vst v6  }
0xa2: {  	v8 =	vmul.f32 v8, v2;
	[tilespmem:s28+$0xFFFFFFE0] =	vst v3;
	v3 =	vld [tilespmem:s28+$0x60]  }
0xa3: {  	v7 =	vld [tilespmem:s28+$0x70];
	[tilespmem:s28+$0x0] =	vst v4;
	v4 =	vmul.f32 v9, v2  }
0xa4: {  	v6 =	vld [tilespmem:s28+$0x80];
	[tilespmem:s28+$0x10] =	vst v8;
	v8 =	vmul.f32 v10, v2  }
0xa5: {  	s19 =	sshll.u32 s26, $0xE;
	[tilespmem:s28+$0x20] =	vst v4;
	v10 =	vmul.f32 v5, v2;
	v5 =	vld [tilespmem:s28+$0x90]  }
0xa6: {  	s30 =	sor.u32 $0x1200, s19;
	s9 =	simm.s32 $0x0;
	v9 =	vmul.f32 v63, v2;
	[tilespmem:s28+$0x30] =	vst v8;
	v4 =	vld [tilespmem:s28+$0xA0]  }
0xa7: {  	s13 =	simm.s32 $0x80;
	s12 =	simm.s32 $0x40;
	s8 =	smov.u32 s28;
	[tilespmem:s28+$0x40] =	vst v10;
	v8 =	vmul.f32 v3, v2;
	v3 =	vld [tilespmem:s28+$0xB0]  }
.LBB2_3:
0xa8: {  	s14 =	sand.u32 $0xF00, s13;
	s15 =	sadd.s32 $0x30, s12;
	s9 =	sadd.s32 $0x4, s9;
	[tilespmem:s28+$0x50] =	vst v9;
	v2 =	vmul.f32 v7, v2;
	v7 =	vld [tilespmem:s28+$0xC0]  }
0xa9: {  	s14 =	sadd.s32 $0x200, s14;
	s15 =	sand.u32 $0x70, s15;
	p2 =	slt.u32 s9, $0x7C;
	[tilespmem:s28+$0x60] =	vst v8;
	v6 =	vmul.f32 v6, v0;
	v8 =	vld [tilespmem:s28+$0xD0]  }
0xaa: {  	s18 =	sadd.s32 $0x10, s12;
	s19 =	sadd.s32 $0x20, s12;
	s15 =	sor.u32 s15, s14;
	[tilespmem:s28+$0x70] =	vst v2;
	v2 =	vmul.f32 v5, v0;
	v5 =	vld [tilespmem:s28+$0xE0]  }
0xab: {  	s18 =	sand.u32 $0x50, s18;
	s19 =	sand.u32 $0x60, s19;
	s28 =	sadd.s32 $0x200, s28;
	v9 =	vld.idx.msk [tilespmem:v1+s15+$0x0 ss:$0x1], $0xffff;
	[tilespmem:s8+$0x80] =	vst v6;
	v4 =	vmul.f32 v4, v0  }
0xac: {  	s18 =	sor.u32 s18, s14;
	s19 =	sor.u32 s19, s14;
	s15 =	sand.u32 $0x40, s12;
	v6 =	vld [tilespmem:s28+$0xF0];
	[tilespmem:s8+$0x90] =	vst v2;
	v2 =	vmul.f32 v3, v0  }
0xad: {  	s14 =	sor.u32 s15, s14;
	v3 =	vld.idx.msk [tilespmem:v1+s18+$0x0 ss:$0x1], $0xffff;
	[tilespmem:s8+$0xA0] =	vst v4;
	v4 =	vmul.f32 v7, v0  }
0xae: {  	v7 =	vld.idx.msk [tilespmem:v1+s14+$0x0 ss:$0x1], $0xffff;
	[tilespmem:s8+$0xB0] =	vst v2;
	v8 =	vmul.f32 v8, v0  }
0xaf: {  	v2 =	vld.idx.msk [tilespmem:v1+s19+$0x0 ss:$0x1], $0xffff;
	[tilespmem:s8+$0xC0] =	vst v4;
	v10 =	vmul.f32 v5, v0  }
0xb0: {  	v4 =	vld [tilespmem:s28+$0xFFFFFF00];
	[tilespmem:s8+$0xD0] =	vst v8  }
0xb1: {  	v0 =	vmov v9;
	v5 =	vld [tilespmem:s28+$0xFFFFFF10];
	v6 =	vmul.f32 v6, v9;
	[tilespmem:s8+$0xE0] =	vst v10;
	s8 =	smov.u32 s28  }
0xb2: {  	v8 =	vld [tilespmem:s28+$0xFFFFFF20]  }
0xb3: {  	v9 =	vld [tilespmem:s28+$0xFFFFFF30];
	[tilespmem:s28+$0xF0] =	vst v6  }
0xb4: {  	v6 =	vld [tilespmem:s28+$0xFFFFFF40]  }
0xb5: {  	v4 =	vmul.f32 v4, v7;
	v10 =	vld [tilespmem:s28+$0xFFFFFF50]  }
0xb6: {  	v5 =	vmul.f32 v5, v7;
	v11 =	vld [tilespmem:s28+$0xFFFFFF60]  }
0xb7: {  	[tilespmem:s28+$0xFFFFFF00] =	vst v4;
	v4 =	vmul.f32 v8, v7;
	v8 =	vld [tilespmem:s28+$0xFFFFFF70]  }
0xb8: {  	[tilespmem:s28+$0xFFFFFF10] =	vst v5;
	v5 =	vmul.f32 v9, v7;
	v9 =	vld [tilespmem:s28+$0xFFFFFF80]  }
0xb9: {  	[tilespmem:s28+$0xFFFFFF20] =	vst v4;
	v4 =	vmul.f32 v6, v7;
	v6 =	vld [tilespmem:s28+$0xFFFFFF90]  }
0xba: {  	[tilespmem:s28+$0xFFFFFF30] =	vst v5;
	v5 =	vmul.f32 v10, v7;
	v10 =	vld [tilespmem:s28+$0xFFFFFFA0]  }
0xbb: {  	[tilespmem:s28+$0xFFFFFF40] =	vst v4;
	v4 =	vmul.f32 v11, v7;
	v11 =	vld [tilespmem:s28+$0xFFFFFFB0]  }
0xbc: {  	[tilespmem:s28+$0xFFFFFF50] =	vst v5;
	v5 =	vmul.f32 v8, v7;
	v7 =	vld [tilespmem:s28+$0xFFFFFFC0]  }
0xbd: {  	[tilespmem:s28+$0xFFFFFF60] =	vst v4;
	v4 =	vmul.f32 v9, v3;
	v8 =	vld [tilespmem:s28+$0xFFFFFFD0]  }
0xbe: {  	[tilespmem:s28+$0xFFFFFF70] =	vst v5;
	v5 =	vmul.f32 v6, v3;
	v6 =	vld [tilespmem:s28+$0xFFFFFFE0]  }
0xbf: {  	[tilespmem:s28+$0xFFFFFF80] =	vst v4;
	v4 =	vmul.f32 v10, v3;
	v9 =	vld [tilespmem:s28+$0xFFFFFFF0]  }
0xc0: {  	[tilespmem:s28+$0xFFFFFF90] =	vst v5;
	v5 =	vmul.f32 v11, v3;
	v10 =	vld [tilespmem:s28+$0x0]  }
0xc1: {  	[tilespmem:s28+$0xFFFFFFA0] =	vst v4;
	v4 =	vmul.f32 v7, v3;
	v7 =	vld [tilespmem:s28+$0x10]  }
0xc2: {  	[tilespmem:s28+$0xFFFFFFB0] =	vst v5;
	v5 =	vmul.f32 v8, v3;
	v8 =	vld [tilespmem:s28+$0x20]  }
0xc3: {  	[tilespmem:s28+$0xFFFFFFC0] =	vst v4;
	v4 =	vmul.f32 v6, v3;
	v6 =	vld [tilespmem:s28+$0x30]  }
0xc4: {  	[tilespmem:s28+$0xFFFFFFD0] =	vst v5;
	v3 =	vmul.f32 v9, v3;
	v5 =	vld [tilespmem:s28+$0x40]  }
0xc5: {  	[tilespmem:s28+$0xFFFFFFE0] =	vst v4;
	v4 =	vmul.f32 v10, v2;
	v9 =	vld [tilespmem:s28+$0x50]  }
0xc6: {  	[tilespmem:s28+$0xFFFFFFF0] =	vst v3;
	v3 =	vmul.f32 v7, v2;
	v10 =	vld [tilespmem:s28+$0x60]  }
.Ltmp0:
0xc7: {  	[tilespmem:s28+$0x0] =	vst v4;
	v4 =	vmul.f32 v8, v2;
	v7 =	vld [tilespmem:s28+$0x70];
	(pc) =	sbr.rel @p2 .LBB2_3-.Ltmp0, $4  }
0xc8: {  	[tilespmem:s28+$0x10] =	vst v3;
	v3 =	vmul.f32 v6, v2;
	v6 =	vld [tilespmem:s28+$0x80]  }
0xc9: {  	[tilespmem:s28+$0x20] =	vst v4;
	v8 =	vmul.f32 v5, v2;
	v5 =	vld [tilespmem:s28+$0x90]  }
0xca: {  	[tilespmem:s28+$0x30] =	vst v3;
	v9 =	vmul.f32 v9, v2;
	v4 =	vld [tilespmem:s28+$0xA0]  }
0xcb: {  	s13 =	sadd.s32 $0x80, s13;
	s12 =	sadd.s32 $0x40, s12;
	[tilespmem:s28+$0x40] =	vst v8;
	v8 =	vmul.f32 v10, v2;
	v3 =	vld [tilespmem:s28+$0xB0]  }
0xcc: {  	[tilespmem:s28+$0x50] =	vst v9;
	v1 =	vmul.f32 v7, v2;
	v57 =	vld [tilespmem:s28+$0xC0]  }
0xcd: {  	v58 =	vld [tilespmem:s28+$0xD0];
	[tilespmem:s28+$0x60] =	vst v8;
	v6 =	vmul.f32 v6, v0  }
0xce: {  	v60 =	vld [tilespmem:s28+$0xE0];
	[tilespmem:s28+$0x70] =	vst v1;
	v59 =	vmul.f32 v5, v0  }
0xcf: {  	[tilespmem:s8+$0x80] =	vst v6;
	v4 =	vmul.f32 v4, v0  }
0xd0: {  	s25 =	sadd.s32 $0x1, s25;
	[tilespmem:s8+$0x90] =	vst v59;
	v61 =	vmul.f32 v3, v0  }
0xd1: {  	p2 =	sne.s32 s25, $0x50;
	[tilespmem:s8+$0xA0] =	vst v4;
	v2 =	vmul.f32 v57, v0  }
.Ltmp1:
0xd2: {  	v62 =	vmul.f32 v58, v0;
	[tilespmem:s8+$0xB0] =	vst v61;
	(pc) =	sbr.rel @p2 .LBB2_2-.Ltmp1, $4  }
0xd3: {  	v63 =	vmul.f32 v60, v0;
	[tilespmem:s8+$0xC0] =	vst v2  }
0xd4: {  	s9 =	sshll.u32 s26, $0x7;
	[tilespmem:s8+$0xD0] =	vst v62  }
0xd5: {  	p1 =	por !p1, !p1;
	s28 =	sor.u32 $0x100, s9;
	[tilespmem:s8+$0xE0] =	vst v63  }
0xd6: {  	[spmem:s1] =	stream.indirect.scatter.add.f32 [tilespmem:s30], [sflag:$0x5], $0x80, s28, s29, $0xb8;
	[tilespmem:$0x1CA80] =	vst v63  }
0xd7: {  	_ =	swait.ge [sflag:s3], $0x4000  }
0xd8: {  	[sflag:s3] =	ssyncset.done $0x0  }
0xd9: {  	[sflag:s3] =	ssyncadd.s32 $0xFFFFC000  }
0xda: {  	[bflag:$0x0] =	sbarrier.arrive $0xFFFF  }
0xdb: {  	s8 =	rddreg [dreg:$0xa]  }
0xdc: {  	[hbm:s8], [sflag:s11] =	dma.local [spmem:s23], $0x2700  }
0xdd: {  	_ =	swait.ge [sflag:s21], $0x2700  }
0xde: {  	s22 =	sadd.s32 $0x1, s22;
	[sflag:s21] =	ssyncset.done $0x0  }
0xdf: {  	p1 =	sne.s32 s22, s20;
	s8 =	rddreg [dreg:$0xb];
	[sflag:s21] =	ssyncadd.s32 $0xFFFFD900  }
0xe0: {  	[hbm:s8], [sflag:s11] =	dma.local @!p0 [spmem:s24], $0x100  }
.Ltmp2:
0xe1: {  	_ = 	snop;
	(pc) =	sbr.rel @p1 .LBB2_1-.Ltmp2, $4  }
0xe2: {  	s8 =	simm.s32 @!p0 $0x6  }
0xe3: {  	_ =	swait.ge @!p0 [sflag:s8], $0x100  }
0xe4: {  	[sflag:s8] =	ssyncset.done @!p0 $0x0  }
0xe5: {  	[sflag:s8] =	ssyncadd.s32 @!p0 $0xFFFFFF00  }
0xe6: {  	_ =	sfence.sel $0x180000  }
0xe7: {  	[bflag:$0x0] =	sbarrier.arrive $0xFFFF  }
0xe8: {  	_ =	strace $0x9000004A  }
0xe9: {  	s0 =	stileid.u32;
	[bflag:$0x2] =	sbarrier.arrive $0xFFFF  }
0xea: {  	p0 =	sne.s32 s0, $0x0;
	s0 =	rddreg [dreg:$0x3]  }
0xeb: {  	s0 =	sadd.s32 @!p0 $0x100000, s0  }
0xec: {  	[sflag:s0] =	ssyncadd.tile.s32 @!p0 $0x1;
	_ =	shalt  }
.Lfunc_end2:
_tile_overlayer_lowered:
.L_overlay_start_2:
0xed: {  	(tag) =	ssettag $0x2  }
0xee: {  	s0 =	rddreg [dreg:$0x0];
	s2 =	stileid.u32  }
0xef: {  	s1 =	rddreg [dreg:$0x1];
	p0 =	sne.s32 s2, $0x0  }
0xf0: {  	s3 =	rddreg [dreg:$0x2];
	[bflag:$0x3] =	sbarrier.arrive $0xFFFF;
	s2 =	simm.s32 @!p0 $0x1C06  }
0xf1: {  	[timem:s3], [sflag:s2] =	dma.local @!p0 [hbm:s0], s1  }
0xf2: {  	s0 =	simm.s32 @!p0 $0x6  }
0xf3: {  	_ =	swait.ge @!p0 [sflag:s0], s1  }
0xf4: {  	s1 =	ssub.s32 @!p0 $0x0, s1;
	[sflag:s0] =	ssyncset.done @!p0 $0x0  }
0xf5: {  	[sflag:s0] =	ssyncadd.s32 @!p0 s1  }
0xf6: {  	[bflag:$0x3] =	sbarrier.arrive $0xFFFF  }
0xf7: {  	_ =	shalt  }

// kernel: kernel.14.cloned.1.call-start
scs
__scs_entry_jumppad:
0x0: {  	(pc) =	sbr.rel $0x88, $3  }
0x1: {  	(tag) =	ssettag $0x0;
	lr =	simm.s32 $0x1  }
0x2: {  	[smem:$0x3F93] =	sst lr;
	_ =	strace $0xD0000000  }
0x3: {  	_ = 	snop  }
0x4: {  	_ = 	snop  }
0x5: {  	_ = 	snop  }
0x6: {  	_ = 	snop  }
0x7: {  	_ = 	snop  }
__scs_overlays_trampoline_lowered:
0x8: {  	[smem:$0x3FA2] =	sst s0  }
0x9: {  	[smem:$0x3FA3] =	sst s1  }
0xa: {  	[smem:$0x3FA4] =	sst s2  }
0xb: {  	[smem:$0x3FA5] =	sst s3  }
0xc: {  	[smem:$0x3FA6] =	sst s4  }
0xd: {  	[smem:$0x3FA7] =	sst s5  }
0xe: {  	[smem:$0x3FA8] =	sst s6  }
0xf: {  	[smem:$0x3FA9] =	sst s7  }
0x10: {  	[smem:$0x3FAA] =	sst s8  }
0x11: {  	[smem:$0x3FAB] =	sst s9;
	s0 =	simm.s32 @!p0 $0x0  }
0x12: {  	s1 =	sld [smem:$0x3F91];
	s0 =	simm.s32 @p0 $0x1  }
0x13: {  	[smem:$0x3FAC] =	sst s0;
	s0 =	simm.s32 @!p1 $0x0  }
0x14: {  	s2 =	sld [smem:$0x3F90];
	s0 =	simm.s32 @p1 $0x1  }
0x15: {  	[smem:$0x3FAD] =	sst s0;
	s0 =	simm.s32 @!p2 $0x0  }
0x16: {  	s3 =	sld [smem:$0x3FDB];
	s0 =	simm.s32 @p2 $0x1  }
0x17: {  	s4 =	simm.s32 $0x1BF5;
	[smem:$0x3FAF] =	sst s0  }
0x18: {  	s0 =	sld [smem:$0x3F92];
	_ =	swait.ge [sflag:s4], $0x0  }
0x19: {  	s7 =	sld [smem:$0x3F93]  }
0x1a: {  	s8 =	sadd.s32 $0xFFFFE003, lr  }
0x1b: {  	s9 =	sadd.s32 $0xFFFFFEF7, lr;
	s5 =	simm.s32 $0xFFFFFFFF;
	p2 =	slt.u32 s8, $0xFFFFF086  }
0x1c: {  	p1 =	slt.u32 s9, $0xF7A;
	s5 =	simm.s32 @!p2 $0x0  }
0x1d: {  	s5 =	simm.s32 @p1 $0x1;
	p0 =	seq.s32 s7, s2  }
0x1e: {  	s7 =	smul.u32 @!p0 $0xF7A, s2;
	p2 =	seq.s32 @!p0 s5, $0x0  }
0x1f: {  	s9 =	smul.u32 $0xF7A, s1;
	s8 =	simm.s32 @!p0 $0x1BF5;
	p2 =	por !p2, p0  }
0x20: {  	[sflag:s8] =	ssyncset.s32 @!p0 $0xFFFFF086;
	s6 =	sadd.s32 @!p0 s3, s7;
	s7 =	simm.s32 @!p0 $0x108  }
0x21: {  	s3 =	sadd.s32 s3, s9;
	s6 =	sadd.s32 @!p0 $0x88, s6;
	s7 =	simm.s32 @p2 $0x1082  }
0x22: {  	[simem:s7], [sflag:s8] =	dma.local @!p0 [hbm:s6], $0xF7A  }
0x23: {  	s9 =	sor.u32 $0xD0000000, s2;
	s6 =	simm.s32 $0x108;
	_ =	swait.ge @!p0 [sflag:s8], $0x0  }
0x24: {  	s3 =	sadd.s32 $0x88, s3;
	s6 =	simm.s32 @!p1 $0x1082;
	[sflag:s4] =	ssyncset.s32 $0xFFFFF086  }
0x25: {  	[simem:s6], [sflag:s4] =	dma.local [hbm:s3], $0xF7A  }
0x26: {  	[smem:$0x3F93] =	sst s1;
	(tag) =	ssettag s2;
	_ =	strace s9  }
0x27: {  	s1 =	sld [smem:$0x3FA3]  }
0x28: {  	s2 =	sld [smem:$0x3FA4]  }
0x29: {  	s4 =	sld [smem:$0x3FA6]  }
0x2a: {  	p0 =	seq.s32 s5, $0x0;
	s5 =	sld [smem:$0x3FA7]  }
0x2b: {  	s6 =	sld [smem:$0x3FA8]  }
0x2c: {  	s7 =	sld [smem:$0x3FA9]  }
0x2d: {  	s3 =	simm.s32 $0x108;
	s8 =	sld [smem:$0x3FAA]  }
0x2e: {  	s3 =	simm.s32 @!p0 $0x1082;
	s9 =	sld [smem:$0x3FAB]  }
0x2f: {  	lr =	sadd.s32 s0, s3;
	s0 =	sld [smem:$0x3FA2]  }
0x30: {  	s3 =	sld [smem:$0x3FA5]  }
0x31: {  	[smem:$0x3FAE] =	sst s10  }
0x32: {  	s10 =	sld [smem:$0x3FAC];
	_ =	sdelay $0x3  }
0x33: {  	p0 =	seq.s32 s10, $0x1;
	s10 =	sld [smem:$0x3FAE];
	_ =	sdelay $0x3  }
0x34: {  	[smem:$0x3FAE] =	sst s10  }
0x35: {  	s10 =	sld [smem:$0x3FAD];
	_ =	sdelay $0x3  }
0x36: {  	p1 =	seq.s32 s10, $0x1;
	s10 =	sld [smem:$0x3FAE];
	_ =	sdelay $0x3  }
0x37: {  	[smem:$0x3FAE] =	sst s10  }
0x38: {  	s10 =	sld [smem:$0x3FAF]  }
0x39: {  	_ = 	snop;
	(pc) =	sbr.ind lr, $3  }
0x3a: {  	_ = 	snop  }
0x3b: {  	_ = 	snop  }
0x3c: {  	p2 =	seq.s32 s10, $0x1;
	s10 =	sld [smem:$0x3FAE]  }
0x3d: {  	_ =	shalt  }
0x3e: {  	_ =	shalt  }
0x3f: {  	_ =	shalt  }
0x40: {  	_ =	shalt  }
0x41: {  	_ =	shalt  }
0x42: {  	_ =	shalt  }
0x43: {  	_ =	shalt  }
0x44: {  	_ =	shalt  }
0x45: {  	_ =	shalt  }
0x46: {  	_ =	shalt  }
0x47: {  	_ =	shalt  }
0x48: {  	_ =	shalt  }
0x49: {  	_ =	shalt  }
0x4a: {  	_ =	shalt  }
0x4b: {  	_ =	shalt  }
0x4c: {  	_ =	shalt  }
0x4d: {  	_ =	shalt  }
0x4e: {  	_ =	shalt  }
0x4f: {  	_ =	shalt  }
0x50: {  	_ =	shalt  }
0x51: {  	_ =	shalt  }
0x52: {  	_ =	shalt  }
0x53: {  	_ =	shalt  }
0x54: {  	_ =	shalt  }
0x55: {  	_ =	shalt  }
0x56: {  	_ =	shalt  }
0x57: {  	_ =	shalt  }
0x58: {  	_ =	shalt  }
0x59: {  	_ =	shalt  }
0x5a: {  	_ =	shalt  }
0x5b: {  	_ =	shalt  }
0x5c: {  	_ =	shalt  }
0x5d: {  	_ =	shalt  }
0x5e: {  	_ =	shalt  }
0x5f: {  	_ =	shalt  }
0x60: {  	_ =	shalt  }
0x61: {  	_ =	shalt  }
0x62: {  	_ =	shalt  }
0x63: {  	_ =	shalt  }
0x64: {  	_ =	shalt  }
0x65: {  	_ =	shalt  }
0x66: {  	_ =	shalt  }
0x67: {  	_ =	shalt  }
0x68: {  	_ =	shalt  }
0x69: {  	_ =	shalt  }
0x6a: {  	_ =	shalt  }
0x6b: {  	_ =	shalt  }
0x6c: {  	_ =	shalt  }
0x6d: {  	_ =	shalt  }
0x6e: {  	_ =	shalt  }
0x6f: {  	_ =	shalt  }
0x70: {  	_ =	shalt  }
0x71: {  	_ =	shalt  }
0x72: {  	_ =	shalt  }
0x73: {  	_ =	shalt  }
0x74: {  	_ =	shalt  }
0x75: {  	_ =	shalt  }
0x76: {  	_ =	shalt  }
0x77: {  	_ =	shalt  }
0x78: {  	_ =	shalt  }
0x79: {  	_ =	shalt  }
0x7a: {  	_ =	shalt  }
0x7b: {  	_ =	shalt  }
0x7c: {  	_ =	shalt  }
0x7d: {  	_ =	shalt  }
0x7e: {  	_ =	shalt  }
0x7f: {  	_ =	shalt  }
0x80: {  	_ =	shalt  }
0x81: {  	_ =	shalt  }
0x82: {  	_ =	shalt  }
0x83: {  	_ =	shalt  }
0x84: {  	_ =	shalt  }
0x85: {  	_ =	shalt  }
0x86: {  	_ =	shalt  }
0x87: {  	_ =	shalt  }
.Lfunc_end0:
.L_simem_size_0:
called_computation.2_lowered:
.L_overlay_start_0:
0x88: {  	s2 =	sld [smem:$0x3FD9]  }
0x89: {  	s3 =	sld [smem:$0x3FFE];
	_ =	sdelay $0x1  }
0x8a: {  	s1 =	srdreg.scid  }
0x8b: {  	s0 =	sand.u32 $0x1, s1  }
0x8c: {  	s17 =	sshll.u32 s0, $0xA;
	s2 =	sadd.s32 s3, s2  }
0x8d: {  	s2 =	sadd.s32 s2, s17  }
0x8e: {  	[smem:$0x3FBA] =	sst s2  }
0x8f: {  	_ = 	snop  }
0x90: {  	s2 =	sld [smem:$0x3FD0];
	(tm) =	ssettm $0x1  }
0x91: {  	s18 =	sld [smem:$0x3FFB];
	_ =	sdelay $0x3  }
0x92: {  	_ =	strace s18  }
0x93: {  	s3 =	sld [smem:$0x3FFC];
	_ =	sdelay $0x3  }
0x94: {  	_ =	strace s3  }
0x95: {  	s3 =	sld [smem:$0x3FFD];
	_ =	sdelay $0x3  }
0x96: {  	_ =	strace s3  }
0x97: {  	_ =	strace $0x8FFFFFFF  }
0x98: {  	s19 =	sld [smem:$0x3FDB];
	_ =	sdelay $0x1  }
0x99: {  	s4 =	simm.s32 $_scs_section_size  }
0x9a: {  	s5 =	simm.s32 $_size__tile_overlayer_lowered;
	s6 =	simm.s32 $_tile_overlayer_lowered  }
0x9b: {  	s22 =	simm.s32 $0x1BFF;
	s21 =	sshll.u32 s6, $0x1;
	s3 =	sadd.s32 s4, s19  }
0x9c: {  	s7 =	simm.s32 $0x0;
	s20 =	sshll.u32 s5, $0x1;
	s5 =	sadd.s32 s21, s3  }
0x9d: {  	[timem:s7], [sflag:s22] =	dma.local [hbm:s5], s20  }
0x9e: {  	_ =	swait.ge [sflag:s22], s20  }
0x9f: {  	s4 =	ssub.s32 $0x0, s20;
	[sflag:s22] =	ssyncset.done $0x0  }
0xa0: {  	[sflag:s22] =	ssyncadd.s32 s4;
	_ =	sdelay $0x1  }
0xa1: {  	s23 =	simm.s32 $0x1B8B  }
0xa2: {  	_ =	swait.ge [sflag:s23], $0x1  }
0xa3: {  	[sflag:s23] =	ssyncset.done $0x0  }
0xa4: {  	s25 =	simm.s32 $0x1B8E;
	s24 =	sld [smem:$0x3FFE];
	[sflag:s23] =	ssyncadd.s32 $0xFFFFFFFF  }
0xa5: {  	s26 =	simm.s32 $execute0_lowered;
	[smem:$0x3FD2] =	sst s25  }
0xa6: {  	s5 =	sshll.u32 s26, $0x1;
	_ =	strace $0x8000004C;
	[dreg:$0x1] =	wrdreg $0xFFFFFFFF  }
0xa7: {  	s28 =	simm.s32 $_size_execute0_lowered;
	s3 =	sadd.s32 s3, s5;
	[dreg:$0x0] =	wrdreg $0x0  }
0xa8: {  	s5 =	sshll.u32 s28, $0x1;
	[dreg:$0x2] =	wrdreg s3  }
0xa9: {  	[dreg:$0x3] =	wrdreg s5  }
0xaa: {  	[dreg:$0x4] =	wrdreg $0xC0  }
0xab: {  	_ =	task [dreg:s7], $0x5FFFF  }
0xac: {  	[dreg:$0x1] =	wrdreg $0xFFFFFFFF  }
0xad: {  	[dreg:$0x0] =	wrdreg $0x60  }
0xae: {  	[dreg:$0x2] =	wrdreg s24  }
0xaf: {  	[dreg:$0x3] =	wrdreg s2  }
0xb0: {  	[dreg:$0x4] =	wrdreg $0x92000  }
0xb1: {  	[dreg:$0x5] =	wrdreg $0x9  }
0xb2: {  	_ =	task.clear_ibuf [dreg:s7], $0x6FFFF;
	_ =	strace $0x9000004C  }
0xb3: {  	s29 =	simm.s32 $0x9;
	_ =	strace $0x8000004E  }
0xb4: {  	_ =	swait.ge [sflag:s29], $0x1  }
0xb5: {  	[sflag:s29] =	ssyncadd.s32 $0xFFFFFFFF  }
0xb6: {  	_ =	strace $0x9000004E  }
0xb7: {  	_ =	sfence  }
0xb8: {  	s30 =	sld [smem:$0x0];
	_ =	sdelay $0x2  }
0xb9: {  	s31 =	sshll.u32 s1, $0xD;
	s1 =	sshrl.u32 s1, $0x2  }
0xba: {  	s3 =	sand.u32 $0x4000, s31;
	s1 =	sadd.s32 s1, s30  }
0xbb: {  	s0 =	sor.u32 s3, s0;
	s1 =	sshll.u32 s1, $0x11  }
0xbc: {  	s0 =	sor.u32 s1, s0  }
0xbd: {  	s0 =	sadd.s32 $0x8F2B, s0  }
0xbe: {  	[sflag:s0] =	ssyncadd.remote.s32 $0x1  }
0xbf: {  	_ =	sfence.sel $0xFFFF  }
0xc0: {  	[dreg:$0x0] =	wrdreg $0xFFFFFFFF;
	(pc) =	sbr.abs _section_cstart, $3  }
0xc1: {  	[dreg:$0x1] =	wrdreg $0xFFFFFFFF  }
0xc2: {  	_ =	task.clear_ibuf [dreg:s7], $0x2FFFF;
	_ =	strace $0x9FFFFFFF  }
0xc3: {  	(tm) =	ssettm $0x7FFFFFFF  }
tec
execute0_lowered:
.L_overlay_start_1:
0x0: {  	(tag) =	ssettag $0x1  }
0x1: {  	s0 =	rddreg [dreg:$0x0]  }
0x2: {  	s3 =	rddreg [dreg:$0x1]  }
0x3: {  	s1 =	rddreg [dreg:$0x2];
	s2 =	simm.s32 $0x0  }
0x4: {  	s6 =	srdreg.scid;
	s18 =	stileid.u32;
	s29 =	simm.s32 $0x80  }
0x5: {  	s31 =	simm.s32 $0x1;
	[smem:$0x7FF] =	sst s2;
	s4 =	sadd.s32 $0x17200, s0  }
0x6: {  	s5 =	sadd.s32 $0x3200, s0;
	s8 =	sand.u32 $0x1, s6;
	s10 =	smul.u32 $0x4E000, s18  }
0x7: {  	s6 =	sadd.s32 $0xD200, s0;
	s7 =	sadd.s32 $0x297200, s0;
	s12 =	smul.u32 $0x13800, s18  }
0x8: {  	s0 =	sadd.s32 $0x3E400, s0;
	s13 =	sshrl.u32 s18, $0x2;
	s14 =	sshll.u32 s18, $0x8  }
0x9: {  	s23 =	sshll.u32 s18, $0x6;
	s24 =	sadd.s32 $0x138000, s1;
	p0 =	sne.s32 s18, $0xF  }
0xa: {  	_ =	strace $0x8000004D;
	s9 =	ssub.s32 $0x2, s8;
	s15 =	smul.u32 $0x14000, s13  }
0xb: {  	s16 =	sshll.u32 s8, $0x7;
	s14 =	sand.u32 $0x300, s14;
	s13 =	smul.u32 $0x140000, s13  }
0xc: {  	s8 =	smul.u32 $0x138800, s8;
	[dreg:$0x6] =	wrdreg s24;
	s11 =	sshrl.u32 s9, $0x1  }
0xd: {  	s10 =	sshrl.u32 s10, $0x2;
	s21 =	sshrl.u32 s12, $0x3;
	s16 =	sor.u32 s16, s14  }
0xe: {  	s9 =	ssub.s32 s9, s11;
	s10 =	sadd.s32 s10, s1;
	s22 =	sadd.s32 s3, s21  }
0xf: {  	s11 =	sor.u32 $0x1C06, s23;
	s3 =	sadd.s32 $0x27000, s3;
	[dreg:$0x4] =	wrdreg s10  }
0x10: {  	s28 =	sadd.s32 s12, s8;
	s8 =	sshrl.u32 s8, $0x3;
	[dreg:$0x5] =	wrdreg s22  }
0x11: {  	s21 =	simm.s32 $0x6;
	s10 =	sor.u32 s15, s16;
	[dreg:$0x7] =	wrdreg s3  }
0x12: {  	s16 =	sor.u32 s13, s16;
	s3 =	sshrl.u32 s28, $0x3;
	s20 =	smax.u32 s9, $0x1  }
0x13: {  	s22 =	simm.s32 $0x0;
	s15 =	sshrl.u32 s10, $0x3;
	s3 =	sadd.s32 s0, s3  }
0x14: {  	s30 =	sshrl.u32 s16, $0x3;
	s25 =	sadd.s32 s5, s15;
	[dreg:$0xa] =	wrdreg s3  }
0x15: {  	s0 =	sadd.s32 s0, s8;
	s26 =	sadd.s32 s6, s15;
	[dreg:$0x8] =	wrdreg s25  }
0x16: {  	s17 =	sadd.s32 s7, s30;
	s0 =	sadd.s32 $0x27000, s0;
	[dreg:$0x9] =	wrdreg s26  }
0x17: {  	s3 =	simm.s32 $0x5;
	[dreg:$0xb] =	wrdreg s0;
	s0 =	simm.s32 $0x2  }
.LBB2_1:
0x18: {  	s8 =	rddreg [dreg:$0x4]  }
0x19: {  	s26 =	rddreg [dreg:$0x5];
	s23 =	sshrl.u32 s8, $0x3  }
0x1a: {  	[spmem:s23], [sflag:s11] =	dma.local [hbm:s26], $0x2700  }
0x1b: {  	_ =	swait.ge [sflag:s21], $0x2700  }
0x1c: {  	[sflag:s21] =	ssyncset.done $0x0;
	s8 =	rddreg [dreg:$0x6]  }
0x1d: {  	[sflag:s21] =	ssyncadd.s32 $0xFFFFD900;
	s24 =	sshrl.u32 @!p0 s8, $0x3;
	s8 =	rddreg [dreg:$0x7]  }
0x1e: {  	[spmem:s24], [sflag:s11] =	dma.local @!p0 [hbm:s8], $0x100  }
0x1f: {  	s8 =	simm.s32 @!p0 $0x6  }
0x20: {  	_ =	swait.ge @!p0 [sflag:s8], $0x100  }
0x21: {  	[sflag:s8] =	ssyncset.done @!p0 $0x0  }
0x22: {  	[sflag:s8] =	ssyncadd.s32 @!p0 $0xFFFFFF00  }
0x23: {  	[bflag:$0x0] =	sbarrier.arrive $0xFFFF  }
0x24: {  	s28 =	rddreg [dreg:$0x8]  }
0x25: {  	[tilespmem:s2], [sflag:$0x6] =	stream.linear.gather [hbm4b:s28+s2], $0x80, $0x38;
	[tilespmem:$0x1CA80] =	vst v63  }
0x26: {  	_ =	swait.ge [sflag:s21], $0x80  }
0x27: {  	[sflag:s21] =	ssyncset.done $0x0  }
0x28: {  	s9 =	simm.s32 $0x100;
	s30 =	rddreg [dreg:$0x9];
	[sflag:s21] =	ssyncadd.s32 $0xFFFFFF80  }
0x29: {  	[tilespmem:s9], [sflag:$0x6] =	stream.linear.gather [hbm4b:s30+s2], $0x80, $0x38;
	[tilespmem:$0x1CA80] =	vst v63  }
0x2a: {  	_ =	swait.ge [sflag:s21], $0x80  }
0x2b: {  	[sflag:s21] =	ssyncset.done $0x0  }
0x2c: {  	s9 =	simm.s32 $0x200;
	[sflag:s21] =	ssyncadd.s32 $0xFFFFFF80  }
0x2d: {  	[tilespmem:s9], [sflag:$0x2] =	stream.linear.gather [hbm4b:s17+s2], $0x80, $0x38;
	[tilespmem:$0x1CA80] =	vst v63  }
0x2e: {  	s12 =	sadd.s32 $0x80, s17;
	s13 =	simm.s32 $0x300  }
0x2f: {  	[tilespmem:s13], [sflag:$0x2] =	stream.linear.gather [hbm4b:s12+s2], $0x80, $0x38;
	[tilespmem:$0x1CA80] =	vst v63  }
0x30: {  	s14 =	sadd.s32 $0x100, s17;
	s15 =	simm.s32 $0x400  }
0x31: {  	[tilespmem:s15], [sflag:$0x2] =	stream.linear.gather [hbm4b:s14+s2], $0x80, $0x38;
	[tilespmem:$0x1CA80] =	vst v63  }
0x32: {  	s18 =	sadd.s32 $0x180, s17;
	s19 =	simm.s32 $0x500  }
0x33: {  	[tilespmem:s19], [sflag:$0x2] =	stream.linear.gather [hbm4b:s18+s2], $0x80, $0x38;
	[tilespmem:$0x1CA80] =	vst v63  }
0x34: {  	s25 =	sadd.s32 $0x200, s17;
	s26 =	simm.s32 $0x600  }
0x35: {  	[tilespmem:s26], [sflag:$0x2] =	stream.linear.gather [hbm4b:s25+s2], $0x80, $0x38;
	[tilespmem:$0x1CA80] =	vst v63  }
0x36: {  	s28 =	sadd.s32 $0x280, s17;
	s30 =	simm.s32 $0x700  }
0x37: {  	[tilespmem:s30], [sflag:$0x2] =	stream.linear.gather [hbm4b:s28+s2], $0x80, $0x38;
	[tilespmem:$0x1CA80] =	vst v63  }
0x38: {  	s12 =	sadd.s32 $0x300, s17;
	s13 =	simm.s32 $0x800  }
0x39: {  	[tilespmem:s13], [sflag:$0x2] =	stream.linear.gather [hbm4b:s12+s2], $0x80, $0x38;
	[tilespmem:$0x1CA80] =	vst v63  }
0x3a: {  	s14 =	sadd.s32 $0x380, s17;
	s15 =	simm.s32 $0x900  }
0x3b: {  	[tilespmem:s15], [sflag:$0x2] =	stream.linear.gather [hbm4b:s14+s2], $0x80, $0x38;
	[tilespmem:$0x1CA80] =	vst v63  }
0x3c: {  	s18 =	sadd.s32 $0x400, s17;
	s19 =	simm.s32 $0xA00  }
0x3d: {  	[tilespmem:s19], [sflag:$0x2] =	stream.linear.gather [hbm4b:s18+s2], $0x80, $0x38;
	[tilespmem:$0x1CA80] =	vst v63  }
0x3e: {  	s25 =	sadd.s32 $0x480, s17;
	s26 =	simm.s32 $0xB00  }
0x3f: {  	[tilespmem:s26], [sflag:$0x2] =	stream.linear.gather [hbm4b:s25+s2], $0x80, $0x38;
	[tilespmem:$0x1CA80] =	vst v63  }
0x40: {  	s28 =	sadd.s32 $0x500, s17;
	s30 =	simm.s32 $0xC00  }
0x41: {  	[tilespmem:s30], [sflag:$0x2] =	stream.linear.gather [hbm4b:s28+s2], $0x80, $0x38;
	[tilespmem:$0x1CA80] =	vst v63  }
0x42: {  	s9 =	sadd.s32 $0x580, s17;
	s12 =	simm.s32 $0xD00  }
0x43: {  	[tilespmem:s12], [sflag:$0x2] =	stream.linear.gather [hbm4b:s9+s2], $0x80, $0x38;
	[tilespmem:$0x1CA80] =	vst v63  }
0x44: {  	s13 =	sadd.s32 $0x600, s17;
	s14 =	simm.s32 $0xE00  }
0x45: {  	[tilespmem:s14], [sflag:$0x2] =	stream.linear.gather [hbm4b:s13+s2], $0x80, $0x38;
	[tilespmem:$0x1CA80] =	vst v63  }
0x46: {  	s15 =	sadd.s32 $0x680, s17;
	s18 =	simm.s32 $0xF00  }
0x47: {  	[tilespmem:s18], [sflag:$0x2] =	stream.linear.gather [hbm4b:s15+s2], $0x80, $0x38;
	[tilespmem:$0x1CA80] =	vst v63  }
0x48: {  	s19 =	sadd.s32 $0x700, s17;
	s25 =	simm.s32 $0x1000  }
0x49: {  	[tilespmem:s25], [sflag:$0x2] =	stream.linear.gather [hbm4b:s19+s2], $0x80, $0x38;
	[tilespmem:$0x1CA80] =	vst v63  }
0x4a: {  	s26 =	sadd.s32 $0x780, s17;
	s28 =	simm.s32 $0x1100  }
0x4b: {  	[tilespmem:s28], [sflag:$0x2] =	stream.linear.gather [hbm4b:s26+s2], $0x80, $0x38;
	[tilespmem:$0x1CA80] =	vst v63  }
0x4c: {  	p1 =	por $0x0, $0x0;
	s30 =	simm.s32 $0x1200;
	s25 =	simm.s32 $0x0  }
0x4d: {  	[tilespmem:s30], [sflag:$0x1] =	stream.indirect.gather [hbm4b:s4+s29], $0x80, s2, s29, $0xb8;
	[tilespmem:$0x1CA80] =	vst v63  }
.LBB2_2:
0x4e: {  	p3 =	seq.s32 s25, $0x0  }
0x4f: {  	s8 =	simm.s32 @!p3 $0x5  }
0x50: {  	p2 =	seq.s32 s25, $0x4F;
	s26 =	sand.u32 $0x1, s25;
	_ =	swait.ge @!p3 [sflag:s8], $0x4000  }
0x51: {  	s12 =	sadd.s32 @!p2 $0x1, s25;
	s9 =	sxor.u32 $0x1, s26;
	[sflag:s8] =	ssyncset.done @!p3 $0x0  }
0x52: {  	s30 =	simm.s32 @!p2 $0x0;
	[sflag:s8] =	ssyncadd.s32 @!p3 $0xFFFFC000;
	s8 =	sshll.u32 @!p2 s12, $0xA  }
0x53: {  	s12 =	sshll.u32 @!p2 s12, $0xE;
	_ =	swait.ge [sflag:s0], $0x800;
	s8 =	sadd.s32 @!p2 s10, s8  }
0x54: {  	s12 =	sadd.s32 @!p2 s16, s12;
	[sflag:s0] =	ssyncset.done $0x0;
	s13 =	sshrl.u32 @!p2 s8, $0x3  }
0x55: {  	s8 =	sshll.u32 @!p2 s9, $0x7;
	[sflag:s0] =	ssyncadd.s32 $0xFFFFF800;
	s28 =	sadd.s32 @!p2 s5, s13  }
0x56: {  	[tilespmem:s8], [sflag:$0x3] =	stream.linear.gather @!p2 [hbm4b:s28+s30], $0x80, $0x38;
	[tilespmem:$0x1CA80] =	vst v63  }
0x57: {  	s12 =	sshrl.u32 @!p2 s12, $0x3;
	s13 =	sadd.s32 @!p2 s6, s13;
	s28 =	sor.u32 @!p2 $0x100, s8  }
0x58: {  	[tilespmem:s28], [sflag:$0x4] =	stream.linear.gather @!p2 [hbm4b:s13+s30], $0x80, $0x38;
	[tilespmem:$0x1CA80] =	vst v63  }
0x59: {  	s12 =	sadd.s32 @!p2 s7, s12;
	s13 =	sor.u32 @!p2 $0x200, s8  }
0x5a: {  	[tilespmem:s13], [sflag:$0x2] =	stream.linear.gather @!p2 [hbm4b:s12+s30], $0x80, $0x38;
	[tilespmem:$0x1CA80] =	vst v63  }
0x5b: {  	s28 =	sor.u32 @!p2 $0x300, s8;
	s13 =	sadd.s32 @!p2 $0x80, s12  }
0x5c: {  	[tilespmem:s28], [sflag:$0x2] =	stream.linear.gather @!p2 [hbm4b:s13+s30], $0x80, $0x38;
	[tilespmem:$0x1CA80] =	vst v63  }
0x5d: {  	s13 =	sadd.s32 @!p2 $0x100, s12;
	s28 =	sor.u32 @!p2 $0x400, s8  }
0x5e: {  	[tilespmem:s28], [sflag:$0x2] =	stream.linear.gather @!p2 [hbm4b:s13+s30], $0x80, $0x38;
	[tilespmem:$0x1CA80] =	vst v63  }
0x5f: {  	s13 =	sadd.s32 @!p2 $0x180, s12;
	s28 =	sor.u32 @!p2 $0x500, s8  }
0x60: {  	[tilespmem:s28], [sflag:$0x2] =	stream.linear.gather @!p2 [hbm4b:s13+s30], $0x80, $0x38;
	[tilespmem:$0x1CA80] =	vst v63  }
0x61: {  	s13 =	sadd.s32 @!p2 $0x200, s12;
	s28 =	sor.u32 @!p2 $0x600, s8  }
0x62: {  	[tilespmem:s28], [sflag:$0x2] =	stream.linear.gather @!p2 [hbm4b:s13+s30], $0x80, $0x38;
	[tilespmem:$0x1CA80] =	vst v63  }
0x63: {  	s13 =	sadd.s32 @!p2 $0x280, s12;
	s28 =	sor.u32 @!p2 $0x700, s8  }
0x64: {  	[tilespmem:s28], [sflag:$0x2] =	stream.linear.gather @!p2 [hbm4b:s13+s30], $0x80, $0x38;
	[tilespmem:$0x1CA80] =	vst v63  }
0x65: {  	s13 =	sadd.s32 @!p2 $0x300, s12;
	s28 =	sor.u32 @!p2 $0x800, s8  }
0x66: {  	[tilespmem:s28], [sflag:$0x2] =	stream.linear.gather @!p2 [hbm4b:s13+s30], $0x80, $0x38;
	[tilespmem:$0x1CA80] =	vst v63  }
0x67: {  	s13 =	sadd.s32 @!p2 $0x380, s12;
	s28 =	sor.u32 @!p2 $0x900, s8  }
0x68: {  	[tilespmem:s28], [sflag:$0x2] =	stream.linear.gather @!p2 [hbm4b:s13+s30], $0x80, $0x38;
	[tilespmem:$0x1CA80] =	vst v63  }
0x69: {  	s13 =	sadd.s32 @!p2 $0x400, s12;
	s28 =	sor.u32 @!p2 $0xA00, s8  }
0x6a: {  	[tilespmem:s28], [sflag:$0x2] =	stream.linear.gather @!p2 [hbm4b:s13+s30], $0x80, $0x38;
	[tilespmem:$0x1CA80] =	vst v63  }
0x6b: {  	s13 =	sadd.s32 @!p2 $0x480, s12;
	s28 =	sor.u32 @!p2 $0xB00, s8  }
0x6c: {  	[tilespmem:s28], [sflag:$0x2] =	stream.linear.gather @!p2 [hbm4b:s13+s30], $0x80, $0x38;
	[tilespmem:$0x1CA80] =	vst v63  }
0x6d: {  	s13 =	sadd.s32 @!p2 $0x500, s12;
	s28 =	sor.u32 @!p2 $0xC00, s8  }
0x6e: {  	[tilespmem:s28], [sflag:$0x2] =	stream.linear.gather @!p2 [hbm4b:s13+s30], $0x80, $0x38;
	[tilespmem:$0x1CA80] =	vst v63  }
0x6f: {  	s13 =	sadd.s32 @!p2 $0x580, s12;
	s28 =	sor.u32 @!p2 $0xD00, s8  }
0x70: {  	[tilespmem:s28], [sflag:$0x2] =	stream.linear.gather @!p2 [hbm4b:s13+s30], $0x80, $0x38;
	[tilespmem:$0x1CA80] =	vst v63  }
0x71: {  	s13 =	sadd.s32 @!p2 $0x600, s12;
	s28 =	sor.u32 @!p2 $0xE00, s8  }
0x72: {  	[tilespmem:s28], [sflag:$0x2] =	stream.linear.gather @!p2 [hbm4b:s13+s30], $0x80, $0x38;
	[tilespmem:$0x1CA80] =	vst v63  }
0x73: {  	s13 =	sadd.s32 @!p2 $0x680, s12;
	s28 =	sor.u32 @!p2 $0xF00, s8  }
0x74: {  	[tilespmem:s28], [sflag:$0x2] =	stream.linear.gather @!p2 [hbm4b:s13+s30], $0x80, $0x38;
	[tilespmem:$0x1CA80] =	vst v63  }
0x75: {  	s13 =	sadd.s32 @!p2 $0x700, s12;
	s28 =	sor.u32 @!p2 $0x1000, s8  }
0x76: {  	[tilespmem:s28], [sflag:$0x2] =	stream.linear.gather @!p2 [hbm4b:s13+s30], $0x80, $0x38;
	[tilespmem:$0x1CA80] =	vst v63  }
0x77: {  	s12 =	sadd.s32 @!p2 $0x780, s12;
	s13 =	sor.u32 @!p2 $0x1100, s8  }
0x78: {  	[tilespmem:s13], [sflag:$0x2] =	stream.linear.gather @!p2 [hbm4b:s12+s30], $0x80, $0x38;
	[tilespmem:$0x1CA80] =	vst v63  }
0x79: {  	_ =	swait.ge [sflag:s31], $0x4000  }
0x7a: {  	[sflag:s31] =	ssyncset.done $0x0  }
0x7b: {  	s12 =	simm.s32 @!p2 $0x3;
	[sflag:s31] =	ssyncadd.s32 $0xFFFFC000  }
0x7c: {  	_ =	swait.ge @!p2 [sflag:s12], $0x80  }
0x7d: {  	[sflag:s12] =	ssyncset.done @!p2 $0x0  }
0x7e: {  	[sflag:s12] =	ssyncadd.s32 @!p2 $0xFFFFFF80;
	s12 =	simm.s32 @!p2 $0x4  }
0x7f: {  	_ =	swait.ge @!p2 [sflag:s12], $0x80  }
0x80: {  	s9 =	sshll.u32 @!p2 s9, $0xE;
	[sflag:s12] =	ssyncset.done @!p2 $0x0  }
0x81: {  	s9 =	sor.u32 @!p2 $0x1200, s9;
	s13 =	simm.s32 @!p2 $0x80;
	[sflag:s12] =	ssyncadd.s32 @!p2 $0xFFFFFF80  }
0x82: {  	[tilespmem:s9], [sflag:$0x1] =	stream.indirect.gather @!p2 [hbm4b:s4+s13], $0x80, s8, s13, $0xb8;
	[tilespmem:$0x1CA80] =	vst v63  }
0x83: {  	s9 =	simm.s32 $0x1  }
0x84: {  	s18 =	sshll.u32 s25, $0x7;
	s9 =	simm.s32 @!p1 $0x0  }
0x85: {  	s12 =	sand.u32 $0x80, s18;
	s9 =	sshll.u32 s9, $0xE  }
0x86: {  	v1 =	vmov s12;
	s28 =	sor.u32 $0x1300, s9  }
0x87: {  	s19 =	simm.s32 $0x0;
	v2 =	vld [tilespmem:s28+$0xF0]  }
0x88: {  	s13 =	sand.u32 $0xF00, s19;
	v4 =	vld [tilespmem:s28+$0xFFFFFF00]  }
0x89: {  	s14 =	simm.s32 $0x30;
	s8 =	sand.u32 $0x40, s19;
	s12 =	sadd.s32 $0x200, s13;
	v5 =	vld [tilespmem:s28+$0xFFFFFF10]  }
0x8a: {  	s13 =	sand.u32 $0x70, s14;
	s8 =	sor.u32 s8, s12;
	v6 =	vld [tilespmem:s28+$0xFFFFFF20]  }
0x8b: {  	s13 =	sor.u32 s13, s12;
	v3 =	vld.idx.msk [tilespmem:v1+s8+$0x0 ss:$0x1], $0xffff  }
0x8c: {  	v0 =	vld.idx.msk [tilespmem:v1+s13+$0x0 ss:$0x1], $0xffff  }
0x8d: {  	v7 =	vld [tilespmem:s28+$0xFFFFFF30]  }
0x8e: {  	v10 =	vld [tilespmem:s28+$0xFFFFFF60]  }
0x8f: {  	v8 =	vld [tilespmem:s28+$0xFFFFFF40]  }
0x90: {  	s15 =	simm.s32 $0x10;
	v9 =	vld [tilespmem:s28+$0xFFFFFF50];
	v4 =	vmul.f32 v4, v3  }
0x91: {  	v12 =	vld [tilespmem:s28+$0xFFFFFF80];
	s8 =	sand.u32 $0x50, s15;
	v2 =	vmul.f32 v2, v0  }
0x92: {  	v62 =	vld [tilespmem:s28+$0xFFFFFFD0];
	s8 =	sor.u32 s8, s12;
	v5 =	vmul.f32 v5, v3;
	[tilespmem:s28+$0xFFFFFF00] =	vst v4  }
0x93: {  	v11 =	vld.idx.msk [tilespmem:v1+s8+$0x0 ss:$0x1], $0xffff;
	v10 =	vmul.f32 v10, v3;
	[tilespmem:s28+$0xF0] =	vst v2  }
0x94: {  	v4 =	vld [tilespmem:s28+$0xFFFFFF70];
	v2 =	vmul.f32 v6, v3;
	[tilespmem:s28+$0xFFFFFF10] =	vst v5  }
0x95: {  	v6 =	vld [tilespmem:s28+$0xFFFFFF90];
	v5 =	vmul.f32 v7, v3;
	[tilespmem:s28+$0xFFFFFF60] =	vst v10  }
0x96: {  	v7 =	vld [tilespmem:s28+$0xFFFFFFA0];
	[tilespmem:s28+$0xFFFFFF20] =	vst v2;
	v2 =	vmul.f32 v8, v3  }
0x97: {  	v8 =	vld [tilespmem:s28+$0xFFFFFFB0];
	[tilespmem:s28+$0xFFFFFF30] =	vst v5;
	v5 =	vmul.f32 v9, v3  }
0x98: {  	s18 =	simm.s32 $0x20;
	v9 =	vld [tilespmem:s28+$0xFFFFFFC0];
	[tilespmem:s28+$0xFFFFFF40] =	vst v2;
	v2 =	vmul.f32 v12, v11  }
0x99: {  	s8 =	sand.u32 $0x60, s18;
	[tilespmem:s28+$0xFFFFFF50] =	vst v5;
	v5 =	vld [tilespmem:s28+$0xFFFFFFE0];
	v3 =	vmul.f32 v4, v3  }
0x9a: {  	s8 =	sor.u32 s8, s12;
	v4 =	vmul.f32 v6, v11;
	v6 =	vld [tilespmem:s28+$0xFFFFFFF0];
	[tilespmem:s28+$0xFFFFFF80] =	vst v2  }
0x9b: {  	v2 =	vld.idx.msk [tilespmem:v1+s8+$0x0 ss:$0x1], $0xffff;
	[tilespmem:s28+$0xFFFFFF70] =	vst v3;
	v3 =	vmul.f32 v7, v11  }
0x9c: {  	v7 =	vld [tilespmem:s28+$0x0];
	[tilespmem:s28+$0xFFFFFF90] =	vst v4;
	v4 =	vmul.f32 v8, v11  }
0x9d: {  	v8 =	vld [tilespmem:s28+$0x10];
	[tilespmem:s28+$0xFFFFFFA0] =	vst v3;
	v3 =	vmul.f32 v9, v11  }
0x9e: {  	v9 =	vld [tilespmem:s28+$0x20];
	[tilespmem:s28+$0xFFFFFFB0] =	vst v4;
	v4 =	vmul.f32 v62, v11  }
0x9f: {  	v10 =	vld [tilespmem:s28+$0x30];
	v6 =	vmul.f32 v6, v11;
	[tilespmem:s28+$0xFFFFFFC0] =	vst v3  }
0xa0: {  	v3 =	vmul.f32 v5, v11;
	v5 =	vld [tilespmem:s28+$0x40];
	[tilespmem:s28+$0xFFFFFFD0] =	vst v4  }
0xa1: {  	v63 =	vld [tilespmem:s28+$0x50];
	v4 =	vmul.f32 v7, v2;
	[tilespmem:s28+$0xFFFFFFF0] =	vst v6  }
0xa2: {  	v8 =	vmul.f32 v8, v2;
	[tilespmem:s28+$0xFFFFFFE0] =	vst v3;
	v3 =	vld [tilespmem:s28+$0x60]  }
0xa3: {  	v7 =	vld [tilespmem:s28+$0x70];
	[tilespmem:s28+$0x0] =	vst v4;
	v4 =	vmul.f32 v9, v2  }
0xa4: {  	v6 =	vld [tilespmem:s28+$0x80];
	[tilespmem:s28+$0x10] =	vst v8;
	v8 =	vmul.f32 v10, v2  }
0xa5: {  	s19 =	sshll.u32 s26, $0xE;
	[tilespmem:s28+$0x20] =	vst v4;
	v10 =	vmul.f32 v5, v2;
	v5 =	vld [tilespmem:s28+$0x90]  }
0xa6: {  	s30 =	sor.u32 $0x1200, s19;
	s9 =	simm.s32 $0x0;
	v9 =	vmul.f32 v63, v2;
	[tilespmem:s28+$0x30] =	vst v8;
	v4 =	vld [tilespmem:s28+$0xA0]  }
0xa7: {  	s13 =	simm.s32 $0x80;
	s12 =	simm.s32 $0x40;
	s8 =	smov.u32 s28;
	[tilespmem:s28+$0x40] =	vst v10;
	v8 =	vmul.f32 v3, v2;
	v3 =	vld [tilespmem:s28+$0xB0]  }
.LBB2_3:
0xa8: {  	s14 =	sand.u32 $0xF00, s13;
	s15 =	sadd.s32 $0x30, s12;
	s9 =	sadd.s32 $0x4, s9;
	[tilespmem:s28+$0x50] =	vst v9;
	v2 =	vmul.f32 v7, v2;
	v7 =	vld [tilespmem:s28+$0xC0]  }
0xa9: {  	s14 =	sadd.s32 $0x200, s14;
	s15 =	sand.u32 $0x70, s15;
	p2 =	slt.u32 s9, $0x7C;
	[tilespmem:s28+$0x60] =	vst v8;
	v6 =	vmul.f32 v6, v0;
	v8 =	vld [tilespmem:s28+$0xD0]  }
0xaa: {  	s18 =	sadd.s32 $0x10, s12;
	s19 =	sadd.s32 $0x20, s12;
	s15 =	sor.u32 s15, s14;
	[tilespmem:s28+$0x70] =	vst v2;
	v2 =	vmul.f32 v5, v0;
	v5 =	vld [tilespmem:s28+$0xE0]  }
0xab: {  	s18 =	sand.u32 $0x50, s18;
	s19 =	sand.u32 $0x60, s19;
	s28 =	sadd.s32 $0x200, s28;
	v9 =	vld.idx.msk [tilespmem:v1+s15+$0x0 ss:$0x1], $0xffff;
	[tilespmem:s8+$0x80] =	vst v6;
	v4 =	vmul.f32 v4, v0  }
0xac: {  	s18 =	sor.u32 s18, s14;
	s19 =	sor.u32 s19, s14;
	s15 =	sand.u32 $0x40, s12;
	v6 =	vld [tilespmem:s28+$0xF0];
	[tilespmem:s8+$0x90] =	vst v2;
	v2 =	vmul.f32 v3, v0  }
0xad: {  	s14 =	sor.u32 s15, s14;
	v3 =	vld.idx.msk [tilespmem:v1+s18+$0x0 ss:$0x1], $0xffff;
	[tilespmem:s8+$0xA0] =	vst v4;
	v4 =	vmul.f32 v7, v0  }
0xae: {  	v7 =	vld.idx.msk [tilespmem:v1+s14+$0x0 ss:$0x1], $0xffff;
	[tilespmem:s8+$0xB0] =	vst v2;
	v8 =	vmul.f32 v8, v0  }
0xaf: {  	v2 =	vld.idx.msk [tilespmem:v1+s19+$0x0 ss:$0x1], $0xffff;
	[tilespmem:s8+$0xC0] =	vst v4;
	v10 =	vmul.f32 v5, v0  }
0xb0: {  	v4 =	vld [tilespmem:s28+$0xFFFFFF00];
	[tilespmem:s8+$0xD0] =	vst v8  }
0xb1: {  	v0 =	vmov v9;
	v5 =	vld [tilespmem:s28+$0xFFFFFF10];
	v6 =	vmul.f32 v6, v9;
	[tilespmem:s8+$0xE0] =	vst v10;
	s8 =	smov.u32 s28  }
0xb2: {  	v8 =	vld [tilespmem:s28+$0xFFFFFF20]  }
0xb3: {  	v9 =	vld [tilespmem:s28+$0xFFFFFF30];
	[tilespmem:s28+$0xF0] =	vst v6  }
0xb4: {  	v6 =	vld [tilespmem:s28+$0xFFFFFF40]  }
0xb5: {  	v4 =	vmul.f32 v4, v7;
	v10 =	vld [tilespmem:s28+$0xFFFFFF50]  }
0xb6: {  	v5 =	vmul.f32 v5, v7;
	v11 =	vld [tilespmem:s28+$0xFFFFFF60]  }
0xb7: {  	[tilespmem:s28+$0xFFFFFF00] =	vst v4;
	v4 =	vmul.f32 v8, v7;
	v8 =	vld [tilespmem:s28+$0xFFFFFF70]  }
0xb8: {  	[tilespmem:s28+$0xFFFFFF10] =	vst v5;
	v5 =	vmul.f32 v9, v7;
	v9 =	vld [tilespmem:s28+$0xFFFFFF80]  }
0xb9: {  	[tilespmem:s28+$0xFFFFFF20] =	vst v4;
	v4 =	vmul.f32 v6, v7;
	v6 =	vld [tilespmem:s28+$0xFFFFFF90]  }
0xba: {  	[tilespmem:s28+$0xFFFFFF30] =	vst v5;
	v5 =	vmul.f32 v10, v7;
	v10 =	vld [tilespmem:s28+$0xFFFFFFA0]  }
0xbb: {  	[tilespmem:s28+$0xFFFFFF40] =	vst v4;
	v4 =	vmul.f32 v11, v7;
	v11 =	vld [tilespmem:s28+$0xFFFFFFB0]  }
0xbc: {  	[tilespmem:s28+$0xFFFFFF50] =	vst v5;
	v5 =	vmul.f32 v8, v7;
	v7 =	vld [tilespmem:s28+$0xFFFFFFC0]  }
0xbd: {  	[tilespmem:s28+$0xFFFFFF60] =	vst v4;
	v4 =	vmul.f32 v9, v3;
	v8 =	vld [tilespmem:s28+$0xFFFFFFD0]  }
0xbe: {  	[tilespmem:s28+$0xFFFFFF70] =	vst v5;
	v5 =	vmul.f32 v6, v3;
	v6 =	vld [tilespmem:s28+$0xFFFFFFE0]  }
0xbf: {  	[tilespmem:s28+$0xFFFFFF80] =	vst v4;
	v4 =	vmul.f32 v10, v3;
	v9 =	vld [tilespmem:s28+$0xFFFFFFF0]  }
0xc0: {  	[tilespmem:s28+$0xFFFFFF90] =	vst v5;
	v5 =	vmul.f32 v11, v3;
	v10 =	vld [tilespmem:s28+$0x0]  }
0xc1: {  	[tilespmem:s28+$0xFFFFFFA0] =	vst v4;
	v4 =	vmul.f32 v7, v3;
	v7 =	vld [tilespmem:s28+$0x10]  }
0xc2: {  	[tilespmem:s28+$0xFFFFFFB0] =	vst v5;
	v5 =	vmul.f32 v8, v3;
	v8 =	vld [tilespmem:s28+$0x20]  }
0xc3: {  	[tilespmem:s28+$0xFFFFFFC0] =	vst v4;
	v4 =	vmul.f32 v6, v3;
	v6 =	vld [tilespmem:s28+$0x30]  }
0xc4: {  	[tilespmem:s28+$0xFFFFFFD0] =	vst v5;
	v3 =	vmul.f32 v9, v3;
	v5 =	vld [tilespmem:s28+$0x40]  }
0xc5: {  	[tilespmem:s28+$0xFFFFFFE0] =	vst v4;
	v4 =	vmul.f32 v10, v2;
	v9 =	vld [tilespmem:s28+$0x50]  }
0xc6: {  	[tilespmem:s28+$0xFFFFFFF0] =	vst v3;
	v3 =	vmul.f32 v7, v2;
	v10 =	vld [tilespmem:s28+$0x60]  }
.Ltmp0:
0xc7: {  	[tilespmem:s28+$0x0] =	vst v4;
	v4 =	vmul.f32 v8, v2;
	v7 =	vld [tilespmem:s28+$0x70];
	(pc) =	sbr.rel @p2 .LBB2_3-.Ltmp0, $4  }
0xc8: {  	[tilespmem:s28+$0x10] =	vst v3;
	v3 =	vmul.f32 v6, v2;
	v6 =	vld [tilespmem:s28+$0x80]  }
0xc9: {  	[tilespmem:s28+$0x20] =	vst v4;
	v8 =	vmul.f32 v5, v2;
	v5 =	vld [tilespmem:s28+$0x90]  }
0xca: {  	[tilespmem:s28+$0x30] =	vst v3;
	v9 =	vmul.f32 v9, v2;
	v4 =	vld [tilespmem:s28+$0xA0]  }
0xcb: {  	s13 =	sadd.s32 $0x80, s13;
	s12 =	sadd.s32 $0x40, s12;
	[tilespmem:s28+$0x40] =	vst v8;
	v8 =	vmul.f32 v10, v2;
	v3 =	vld [tilespmem:s28+$0xB0]  }
0xcc: {  	[tilespmem:s28+$0x50] =	vst v9;
	v1 =	vmul.f32 v7, v2;
	v57 =	vld [tilespmem:s28+$0xC0]  }
0xcd: {  	v58 =	vld [tilespmem:s28+$0xD0];
	[tilespmem:s28+$0x60] =	vst v8;
	v6 =	vmul.f32 v6, v0  }
0xce: {  	v60 =	vld [tilespmem:s28+$0xE0];
	[tilespmem:s28+$0x70] =	vst v1;
	v59 =	vmul.f32 v5, v0  }
0xcf: {  	[tilespmem:s8+$0x80] =	vst v6;
	v4 =	vmul.f32 v4, v0  }
0xd0: {  	s25 =	sadd.s32 $0x1, s25;
	[tilespmem:s8+$0x90] =	vst v59;
	v61 =	vmul.f32 v3, v0  }
0xd1: {  	p2 =	sne.s32 s25, $0x50;
	[tilespmem:s8+$0xA0] =	vst v4;
	v2 =	vmul.f32 v57, v0  }
.Ltmp1:
0xd2: {  	v62 =	vmul.f32 v58, v0;
	[tilespmem:s8+$0xB0] =	vst v61;
	(pc) =	sbr.rel @p2 .LBB2_2-.Ltmp1, $4  }
0xd3: {  	v63 =	vmul.f32 v60, v0;
	[tilespmem:s8+$0xC0] =	vst v2  }
0xd4: {  	s9 =	sshll.u32 s26, $0x7;
	[tilespmem:s8+$0xD0] =	vst v62  }
0xd5: {  	p1 =	por !p1, !p1;
	s28 =	sor.u32 $0x100, s9;
	[tilespmem:s8+$0xE0] =	vst v63  }
0xd6: {  	[spmem:s1] =	stream.indirect.scatter.add.f32 [tilespmem:s30], [sflag:$0x5], $0x80, s28, s29, $0xb8;
	[tilespmem:$0x1CA80] =	vst v63  }
0xd7: {  	_ =	swait.ge [sflag:s3], $0x4000  }
0xd8: {  	[sflag:s3] =	ssyncset.done $0x0  }
0xd9: {  	[sflag:s3] =	ssyncadd.s32 $0xFFFFC000  }
0xda: {  	[bflag:$0x0] =	sbarrier.arrive $0xFFFF  }
0xdb: {  	s8 =	rddreg [dreg:$0xa]  }
0xdc: {  	[hbm:s8], [sflag:s11] =	dma.local [spmem:s23], $0x2700  }
0xdd: {  	_ =	swait.ge [sflag:s21], $0x2700  }
0xde: {  	s22 =	sadd.s32 $0x1, s22;
	[sflag:s21] =	ssyncset.done $0x0  }
0xdf: {  	p1 =	sne.s32 s22, s20;
	s8 =	rddreg [dreg:$0xb];
	[sflag:s21] =	ssyncadd.s32 $0xFFFFD900  }
0xe0: {  	[hbm:s8], [sflag:s11] =	dma.local @!p0 [spmem:s24], $0x100  }
.Ltmp2:
0xe1: {  	_ = 	snop;
	(pc) =	sbr.rel @p1 .LBB2_1-.Ltmp2, $4  }
0xe2: {  	s8 =	simm.s32 @!p0 $0x6  }
0xe3: {  	_ =	swait.ge @!p0 [sflag:s8], $0x100  }
0xe4: {  	[sflag:s8] =	ssyncset.done @!p0 $0x0  }
0xe5: {  	[sflag:s8] =	ssyncadd.s32 @!p0 $0xFFFFFF00  }
0xe6: {  	_ =	sfence.sel $0x180000  }
0xe7: {  	[bflag:$0x0] =	sbarrier.arrive $0xFFFF  }
0xe8: {  	_ =	strace $0x9000004D  }
0xe9: {  	s0 =	stileid.u32;
	[bflag:$0x2] =	sbarrier.arrive $0xFFFF  }
0xea: {  	p0 =	sne.s32 s0, $0x0;
	s0 =	rddreg [dreg:$0x3]  }
0xeb: {  	s0 =	sadd.s32 @!p0 $0x100000, s0  }
0xec: {  	[sflag:s0] =	ssyncadd.tile.s32 @!p0 $0x1;
	_ =	shalt  }
.Lfunc_end2:
_tile_overlayer_lowered:
.L_overlay_start_2:
0xed: {  	(tag) =	ssettag $0x2  }
0xee: {  	s0 =	rddreg [dreg:$0x0];
	s2 =	stileid.u32  }
0xef: {  	s1 =	rddreg [dreg:$0x1];
	p0 =	sne.s32 s2, $0x0  }
0xf0: {  	s3 =	rddreg [dreg:$0x2];
	[bflag:$0x3] =	sbarrier.arrive $0xFFFF;
	s2 =	simm.s32 @!p0 $0x1C06  }
0xf1: {  	[timem:s3], [sflag:s2] =	dma.local @!p0 [hbm:s0], s1  }
0xf2: {  	s0 =	simm.s32 @!p0 $0x6  }
0xf3: {  	_ =	swait.ge @!p0 [sflag:s0], s1  }
0xf4: {  	s1 =	ssub.s32 @!p0 $0x0, s1;
	[sflag:s0] =	ssyncset.done @!p0 $0x0  }
0xf5: {  	[sflag:s0] =	ssyncadd.s32 @!p0 s1  }
0xf6: {  	[bflag:$0x3] =	sbarrier.arrive $0xFFFF  }
0xf7: {  	_ =	shalt  }

// kernel: kernel.8.cloned.1.call-start
scs
__scs_entry_jumppad:
0x0: {  	(pc) =	sbr.rel $0x88, $3  }
0x1: {  	(tag) =	ssettag $0x0;
	lr =	simm.s32 $0x1  }
0x2: {  	[smem:$0x3F93] =	sst lr;
	_ =	strace $0xD0000000  }
0x3: {  	_ = 	snop  }
0x4: {  	_ = 	snop  }
0x5: {  	_ = 	snop  }
0x6: {  	_ = 	snop  }
0x7: {  	_ = 	snop  }
__scs_overlays_trampoline_lowered:
0x8: {  	[smem:$0x3FA2] =	sst s0  }
0x9: {  	[smem:$0x3FA3] =	sst s1  }
0xa: {  	[smem:$0x3FA4] =	sst s2  }
0xb: {  	[smem:$0x3FA5] =	sst s3  }
0xc: {  	[smem:$0x3FA6] =	sst s4  }
0xd: {  	[smem:$0x3FA7] =	sst s5  }
0xe: {  	[smem:$0x3FA8] =	sst s6  }
0xf: {  	[smem:$0x3FA9] =	sst s7  }
0x10: {  	[smem:$0x3FAA] =	sst s8  }
0x11: {  	[smem:$0x3FAB] =	sst s9;
	s0 =	simm.s32 @!p0 $0x0  }
0x12: {  	s1 =	sld [smem:$0x3F91];
	s0 =	simm.s32 @p0 $0x1  }
0x13: {  	[smem:$0x3FAC] =	sst s0;
	s0 =	simm.s32 @!p1 $0x0  }
0x14: {  	s2 =	sld [smem:$0x3F90];
	s0 =	simm.s32 @p1 $0x1  }
0x15: {  	[smem:$0x3FAD] =	sst s0;
	s0 =	simm.s32 @!p2 $0x0  }
0x16: {  	s3 =	sld [smem:$0x3FDB];
	s0 =	simm.s32 @p2 $0x1  }
0x17: {  	s4 =	simm.s32 $0x1BF5;
	[smem:$0x3FAF] =	sst s0  }
0x18: {  	s0 =	sld [smem:$0x3F92];
	_ =	swait.ge [sflag:s4], $0x0  }
0x19: {  	s7 =	sld [smem:$0x3F93]  }
0x1a: {  	s8 =	sadd.s32 $0xFFFFE003, lr  }
0x1b: {  	s9 =	sadd.s32 $0xFFFFFEF7, lr;
	s5 =	simm.s32 $0xFFFFFFFF;
	p2 =	slt.u32 s8, $0xFFFFF086  }
0x1c: {  	p1 =	slt.u32 s9, $0xF7A;
	s5 =	simm.s32 @!p2 $0x0  }
0x1d: {  	s5 =	simm.s32 @p1 $0x1;
	p0 =	seq.s32 s7, s2  }
0x1e: {  	s7 =	smul.u32 @!p0 $0xF7A, s2;
	p2 =	seq.s32 @!p0 s5, $0x0  }
0x1f: {  	s9 =	smul.u32 $0xF7A, s1;
	s8 =	simm.s32 @!p0 $0x1BF5;
	p2 =	por !p2, p0  }
0x20: {  	[sflag:s8] =	ssyncset.s32 @!p0 $0xFFFFF086;
	s6 =	sadd.s32 @!p0 s3, s7;
	s7 =	simm.s32 @!p0 $0x108  }
0x21: {  	s3 =	sadd.s32 s3, s9;
	s6 =	sadd.s32 @!p0 $0x88, s6;
	s7 =	simm.s32 @p2 $0x1082  }
0x22: {  	[simem:s7], [sflag:s8] =	dma.local @!p0 [hbm:s6], $0xF7A  }
0x23: {  	s9 =	sor.u32 $0xD0000000, s2;
	s6 =	simm.s32 $0x108;
	_ =	swait.ge @!p0 [sflag:s8], $0x0  }
0x24: {  	s3 =	sadd.s32 $0x88, s3;
	s6 =	simm.s32 @!p1 $0x1082;
	[sflag:s4] =	ssyncset.s32 $0xFFFFF086  }
0x25: {  	[simem:s6], [sflag:s4] =	dma.local [hbm:s3], $0xF7A  }
0x26: {  	[smem:$0x3F93] =	sst s1;
	(tag) =	ssettag s2;
	_ =	strace s9  }
0x27: {  	s1 =	sld [smem:$0x3FA3]  }
0x28: {  	s2 =	sld [smem:$0x3FA4]  }
0x29: {  	s4 =	sld [smem:$0x3FA6]  }
0x2a: {  	p0 =	seq.s32 s5, $0x0;
	s5 =	sld [smem:$0x3FA7]  }
0x2b: {  	s6 =	sld [smem:$0x3FA8]  }
0x2c: {  	s7 =	sld [smem:$0x3FA9]  }
0x2d: {  	s3 =	simm.s32 $0x108;
	s8 =	sld [smem:$0x3FAA]  }
0x2e: {  	s3 =	simm.s32 @!p0 $0x1082;
	s9 =	sld [smem:$0x3FAB]  }
0x2f: {  	lr =	sadd.s32 s0, s3;
	s0 =	sld [smem:$0x3FA2]  }
0x30: {  	s3 =	sld [smem:$0x3FA5]  }
0x31: {  	[smem:$0x3FAE] =	sst s10  }
0x32: {  	s10 =	sld [smem:$0x3FAC];
	_ =	sdelay $0x3  }
0x33: {  	p0 =	seq.s32 s10, $0x1;
	s10 =	sld [smem:$0x3FAE];
	_ =	sdelay $0x3  }
0x34: {  	[smem:$0x3FAE] =	sst s10  }
0x35: {  	s10 =	sld [smem:$0x3FAD];
	_ =	sdelay $0x3  }
0x36: {  	p1 =	seq.s32 s10, $0x1;
	s10 =	sld [smem:$0x3FAE];
	_ =	sdelay $0x3  }
0x37: {  	[smem:$0x3FAE] =	sst s10  }
0x38: {  	s10 =	sld [smem:$0x3FAF]  }
0x39: {  	_ = 	snop;
	(pc) =	sbr.ind lr, $3  }
0x3a: {  	_ = 	snop  }
0x3b: {  	_ = 	snop  }
0x3c: {  	p2 =	seq.s32 s10, $0x1;
	s10 =	sld [smem:$0x3FAE]  }
0x3d: {  	_ =	shalt  }
0x3e: {  	_ =	shalt  }
0x3f: {  	_ =	shalt  }
0x40: {  	_ =	shalt  }
0x41: {  	_ =	shalt  }
0x42: {  	_ =	shalt  }
0x43: {  	_ =	shalt  }
0x44: {  	_ =	shalt  }
0x45: {  	_ =	shalt  }
0x46: {  	_ =	shalt  }
0x47: {  	_ =	shalt  }
0x48: {  	_ =	shalt  }
0x49: {  	_ =	shalt  }
0x4a: {  	_ =	shalt  }
0x4b: {  	_ =	shalt  }
0x4c: {  	_ =	shalt  }
0x4d: {  	_ =	shalt  }
0x4e: {  	_ =	shalt  }
0x4f: {  	_ =	shalt  }
0x50: {  	_ =	shalt  }
0x51: {  	_ =	shalt  }
0x52: {  	_ =	shalt  }
0x53: {  	_ =	shalt  }
0x54: {  	_ =	shalt  }
0x55: {  	_ =	shalt  }
0x56: {  	_ =	shalt  }
0x57: {  	_ =	shalt  }
0x58: {  	_ =	shalt  }
0x59: {  	_ =	shalt  }
0x5a: {  	_ =	shalt  }
0x5b: {  	_ =	shalt  }
0x5c: {  	_ =	shalt  }
0x5d: {  	_ =	shalt  }
0x5e: {  	_ =	shalt  }
0x5f: {  	_ =	shalt  }
0x60: {  	_ =	shalt  }
0x61: {  	_ =	shalt  }
0x62: {  	_ =	shalt  }
0x63: {  	_ =	shalt  }
0x64: {  	_ =	shalt  }
0x65: {  	_ =	shalt  }
0x66: {  	_ =	shalt  }
0x67: {  	_ =	shalt  }
0x68: {  	_ =	shalt  }
0x69: {  	_ =	shalt  }
0x6a: {  	_ =	shalt  }
0x6b: {  	_ =	shalt  }
0x6c: {  	_ =	shalt  }
0x6d: {  	_ =	shalt  }
0x6e: {  	_ =	shalt  }
0x6f: {  	_ =	shalt  }
0x70: {  	_ =	shalt  }
0x71: {  	_ =	shalt  }
0x72: {  	_ =	shalt  }
0x73: {  	_ =	shalt  }
0x74: {  	_ =	shalt  }
0x75: {  	_ =	shalt  }
0x76: {  	_ =	shalt  }
0x77: {  	_ =	shalt  }
0x78: {  	_ =	shalt  }
0x79: {  	_ =	shalt  }
0x7a: {  	_ =	shalt  }
0x7b: {  	_ =	shalt  }
0x7c: {  	_ =	shalt  }
0x7d: {  	_ =	shalt  }
0x7e: {  	_ =	shalt  }
0x7f: {  	_ =	shalt  }
0x80: {  	_ =	shalt  }
0x81: {  	_ =	shalt  }
0x82: {  	_ =	shalt  }
0x83: {  	_ =	shalt  }
0x84: {  	_ =	shalt  }
0x85: {  	_ =	shalt  }
0x86: {  	_ =	shalt  }
0x87: {  	_ =	shalt  }
.Lfunc_end0:
.L_simem_size_0:
called_computation_lowered:
.L_overlay_start_0:
0x88: {  	s2 =	sld [smem:$0x3FD9]  }
0x89: {  	s3 =	sld [smem:$0x3FFE];
	_ =	sdelay $0x1  }
0x8a: {  	s1 =	srdreg.scid  }
0x8b: {  	s0 =	sand.u32 $0x1, s1  }
0x8c: {  	s17 =	sshll.u32 s0, $0xA;
	s2 =	sadd.s32 s3, s2  }
0x8d: {  	s2 =	sadd.s32 s2, s17  }
0x8e: {  	[smem:$0x3FBA] =	sst s2  }
0x8f: {  	_ = 	snop  }
0x90: {  	s2 =	sld [smem:$0x3FC9]  }
0x91: {  	s18 =	sld [smem:$0x3FD0];
	(tm) =	ssettm $0x1  }
0x92: {  	s4 =	sld [smem:$0x3FFB];
	_ =	sdelay $0x3  }
0x93: {  	_ =	strace s4  }
0x94: {  	s4 =	sld [smem:$0x3FFC];
	_ =	sdelay $0x3  }
0x95: {  	_ =	strace s4  }
0x96: {  	s4 =	sld [smem:$0x3FFD];
	_ =	sdelay $0x3  }
0x97: {  	_ =	strace s4  }
0x98: {  	_ =	strace $0x8FFFFFFF  }
0x99: {  	s19 =	sld [smem:$0x3FDB];
	_ =	sdelay $0x1  }
0x9a: {  	s5 =	simm.s32 $_scs_section_size  }
0x9b: {  	s6 =	simm.s32 $_size__tile_overlayer_lowered;
	s7 =	simm.s32 $_tile_overlayer_lowered  }
0x9c: {  	s22 =	simm.s32 $0x1BFF;
	s21 =	sshll.u32 s7, $0x1;
	s4 =	sadd.s32 s5, s19  }
0x9d: {  	s8 =	simm.s32 $0x0;
	s20 =	sshll.u32 s6, $0x1;
	s6 =	sadd.s32 s21, s4  }
0x9e: {  	[timem:s8], [sflag:s22] =	dma.local [hbm:s6], s20  }
0x9f: {  	_ =	swait.ge [sflag:s22], s20  }
0xa0: {  	s5 =	ssub.s32 $0x0, s20;
	[sflag:s22] =	ssyncset.done $0x0  }
0xa1: {  	[sflag:s22] =	ssyncadd.s32 s5;
	_ =	sdelay $0x1  }
0xa2: {  	s23 =	simm.s32 $0x1B8B  }
0xa3: {  	_ =	swait.ge [sflag:s23], $0x1  }
0xa4: {  	[sflag:s23] =	ssyncset.done $0x0  }
0xa5: {  	s25 =	simm.s32 $0x1B8E;
	s24 =	sld [smem:$0x3FFE];
	[sflag:s23] =	ssyncadd.s32 $0xFFFFFFFF  }
0xa6: {  	s26 =	simm.s32 $execute0_lowered;
	[smem:$0x3FD2] =	sst s25  }
0xa7: {  	s6 =	sshll.u32 s26, $0x1;
	_ =	strace $0x80000046;
	[dreg:$0x1] =	wrdreg $0xFFFFFFFF  }
0xa8: {  	s28 =	simm.s32 $_size_execute0_lowered;
	s4 =	sadd.s32 s4, s6;
	[dreg:$0x0] =	wrdreg $0x0  }
0xa9: {  	s6 =	sshll.u32 s28, $0x1;
	[dreg:$0x2] =	wrdreg s4  }
0xaa: {  	[dreg:$0x3] =	wrdreg s6  }
0xab: {  	[dreg:$0x4] =	wrdreg $0xC0  }
0xac: {  	_ =	task [dreg:s8], $0x5FFFF  }
0xad: {  	[dreg:$0x1] =	wrdreg $0xFFFFFFFF  }
0xae: {  	[dreg:$0x0] =	wrdreg $0x60  }
0xaf: {  	[dreg:$0x2] =	wrdreg s2  }
0xb0: {  	[dreg:$0x3] =	wrdreg s24  }
0xb1: {  	[dreg:$0x4] =	wrdreg s18  }
0xb2: {  	[dreg:$0x5] =	wrdreg $0x92000  }
0xb3: {  	[dreg:$0x6] =	wrdreg $0x9  }
0xb4: {  	_ =	task.clear_ibuf [dreg:s8], $0x7FFFF;
	_ =	strace $0x90000046  }
0xb5: {  	s29 =	simm.s32 $0x9;
	_ =	strace $0x80000048  }
0xb6: {  	_ =	swait.ge [sflag:s29], $0x1  }
0xb7: {  	[sflag:s29] =	ssyncadd.s32 $0xFFFFFFFF  }
0xb8: {  	_ =	strace $0x90000048  }
0xb9: {  	_ =	sfence  }
0xba: {  	s30 =	sld [smem:$0x0];
	_ =	sdelay $0x2  }
0xbb: {  	s31 =	sshll.u32 s1, $0xD;
	s1 =	sshrl.u32 s1, $0x2  }
0xbc: {  	s3 =	sand.u32 $0x4000, s31;
	s1 =	sadd.s32 s1, s30  }
0xbd: {  	s0 =	sor.u32 s3, s0;
	s1 =	sshll.u32 s1, $0x11  }
0xbe: {  	s0 =	sor.u32 s1, s0  }
0xbf: {  	s0 =	sadd.s32 $0x8F2B, s0  }
0xc0: {  	[sflag:s0] =	ssyncadd.remote.s32 $0x1  }
0xc1: {  	_ =	sfence.sel $0xFFFF  }
0xc2: {  	[dreg:$0x0] =	wrdreg $0xFFFFFFFF;
	(pc) =	sbr.abs _section_cstart, $3  }
0xc3: {  	[dreg:$0x1] =	wrdreg $0xFFFFFFFF  }
0xc4: {  	_ =	task.clear_ibuf [dreg:s8], $0x2FFFF;
	_ =	strace $0x9FFFFFFF  }
0xc5: {  	(tm) =	ssettm $0x7FFFFFFF  }
tec
execute0_lowered:
.L_overlay_start_1:
0x0: {  	(tag) =	ssettag $0x1  }
0x1: {  	s1 =	rddreg [dreg:$0x0]  }
0x2: {  	s0 =	rddreg [dreg:$0x1]  }
0x3: {  	s4 =	rddreg [dreg:$0x2]  }
0x4: {  	s2 =	rddreg [dreg:$0x3]  }
0x5: {  	s3 =	simm.s32 $0x0;
	s6 =	srdreg.scid;
	s18 =	stileid.u32  }
0x6: {  	s29 =	simm.s32 $0x80;
	s31 =	simm.s32 $0x1;
	[smem:$0x7FF] =	sst s3  }
0x7: {  	s5 =	sadd.s32 $0x3200, s0;
	s8 =	sand.u32 $0x1, s6;
	s10 =	smul.u32 $0x4E000, s18  }
0x8: {  	s6 =	sadd.s32 $0xD200, s0;
	s7 =	sadd.s32 $0x297200, s0;
	s12 =	smul.u32 $0x13800, s18  }
0x9: {  	s0 =	sadd.s32 $0x17200, s0;
	s13 =	sshrl.u32 s18, $0x2;
	s14 =	sshll.u32 s18, $0x8  }
0xa: {  	s23 =	sshll.u32 s18, $0x6;
	s24 =	sadd.s32 $0x138000, s2;
	p0 =	sne.s32 s18, $0xF  }
0xb: {  	_ =	strace $0x80000047;
	s9 =	ssub.s32 $0x2, s8;
	s15 =	smul.u32 $0x14000, s13  }
0xc: {  	s16 =	sshll.u32 s8, $0x7;
	s14 =	sand.u32 $0x300, s14;
	s13 =	smul.u32 $0x140000, s13  }
0xd: {  	s8 =	smul.u32 $0x138800, s8;
	[dreg:$0x7] =	wrdreg s24;
	s11 =	sshrl.u32 s9, $0x1  }
0xe: {  	s10 =	sshrl.u32 s10, $0x2;
	s21 =	sshrl.u32 s12, $0x3;
	s16 =	sor.u32 s16, s14  }
0xf: {  	s9 =	ssub.s32 s9, s11;
	s10 =	sadd.s32 s10, s2;
	s22 =	sadd.s32 s4, s21  }
0x10: {  	s11 =	sor.u32 $0x1C06, s23;
	s4 =	sadd.s32 $0x27000, s4;
	[dreg:$0x5] =	wrdreg s10  }
0x11: {  	s28 =	sadd.s32 s12, s8;
	s8 =	sshrl.u32 s8, $0x3;
	[dreg:$0x6] =	wrdreg s22  }
0x12: {  	s21 =	simm.s32 $0x6;
	s10 =	sor.u32 s15, s16;
	[dreg:$0x8] =	wrdreg s4  }
0x13: {  	s16 =	sor.u32 s13, s16;
	s4 =	sshrl.u32 s28, $0x3;
	s20 =	smax.u32 s9, $0x1  }
0x14: {  	s22 =	simm.s32 $0x0;
	s15 =	sshrl.u32 s10, $0x3;
	s4 =	sadd.s32 s0, s4  }
0x15: {  	s30 =	sshrl.u32 s16, $0x3;
	s25 =	sadd.s32 s5, s15;
	[dreg:$0xb] =	wrdreg s4  }
0x16: {  	s0 =	sadd.s32 s0, s8;
	s26 =	sadd.s32 s6, s15;
	[dreg:$0x9] =	wrdreg s25  }
0x17: {  	s17 =	sadd.s32 s7, s30;
	s0 =	sadd.s32 $0x27000, s0;
	[dreg:$0xa] =	wrdreg s26  }
0x18: {  	s4 =	simm.s32 $0x5;
	[dreg:$0xc] =	wrdreg s0;
	s0 =	simm.s32 $0x2  }
.LBB2_1:
0x19: {  	s8 =	rddreg [dreg:$0x5]  }
0x1a: {  	s26 =	rddreg [dreg:$0x6];
	s23 =	sshrl.u32 s8, $0x3  }
0x1b: {  	[spmem:s23], [sflag:s11] =	dma.local [hbm:s26], $0x2700  }
0x1c: {  	_ =	swait.ge [sflag:s21], $0x2700  }
0x1d: {  	[sflag:s21] =	ssyncset.done $0x0;
	s8 =	rddreg [dreg:$0x7]  }
0x1e: {  	[sflag:s21] =	ssyncadd.s32 $0xFFFFD900;
	s24 =	sshrl.u32 @!p0 s8, $0x3;
	s8 =	rddreg [dreg:$0x8]  }
0x1f: {  	[spmem:s24], [sflag:s11] =	dma.local @!p0 [hbm:s8], $0x100  }
0x20: {  	s8 =	simm.s32 @!p0 $0x6  }
0x21: {  	_ =	swait.ge @!p0 [sflag:s8], $0x100  }
0x22: {  	[sflag:s8] =	ssyncset.done @!p0 $0x0  }
0x23: {  	[sflag:s8] =	ssyncadd.s32 @!p0 $0xFFFFFF00  }
0x24: {  	[bflag:$0x0] =	sbarrier.arrive $0xFFFF  }
0x25: {  	s28 =	rddreg [dreg:$0x9]  }
0x26: {  	[tilespmem:s3], [sflag:$0x6] =	stream.linear.gather [hbm4b:s28+s3], $0x80, $0x38;
	[tilespmem:$0x1CA80] =	vst v63  }
0x27: {  	_ =	swait.ge [sflag:s21], $0x80  }
0x28: {  	[sflag:s21] =	ssyncset.done $0x0  }
0x29: {  	s9 =	simm.s32 $0x100;
	s30 =	rddreg [dreg:$0xa];
	[sflag:s21] =	ssyncadd.s32 $0xFFFFFF80  }
0x2a: {  	[tilespmem:s9], [sflag:$0x6] =	stream.linear.gather [hbm4b:s30+s3], $0x80, $0x38;
	[tilespmem:$0x1CA80] =	vst v63  }
0x2b: {  	_ =	swait.ge [sflag:s21], $0x80  }
0x2c: {  	[sflag:s21] =	ssyncset.done $0x0  }
0x2d: {  	s9 =	simm.s32 $0x200;
	[sflag:s21] =	ssyncadd.s32 $0xFFFFFF80  }
0x2e: {  	[tilespmem:s9], [sflag:$0x2] =	stream.linear.gather [hbm4b:s17+s3], $0x80, $0x38;
	[tilespmem:$0x1CA80] =	vst v63  }
0x2f: {  	s12 =	sadd.s32 $0x80, s17;
	s13 =	simm.s32 $0x300  }
0x30: {  	[tilespmem:s13], [sflag:$0x2] =	stream.linear.gather [hbm4b:s12+s3], $0x80, $0x38;
	[tilespmem:$0x1CA80] =	vst v63  }
0x31: {  	s14 =	sadd.s32 $0x100, s17;
	s15 =	simm.s32 $0x400  }
0x32: {  	[tilespmem:s15], [sflag:$0x2] =	stream.linear.gather [hbm4b:s14+s3], $0x80, $0x38;
	[tilespmem:$0x1CA80] =	vst v63  }
0x33: {  	s18 =	sadd.s32 $0x180, s17;
	s19 =	simm.s32 $0x500  }
0x34: {  	[tilespmem:s19], [sflag:$0x2] =	stream.linear.gather [hbm4b:s18+s3], $0x80, $0x38;
	[tilespmem:$0x1CA80] =	vst v63  }
0x35: {  	s25 =	sadd.s32 $0x200, s17;
	s26 =	simm.s32 $0x600  }
0x36: {  	[tilespmem:s26], [sflag:$0x2] =	stream.linear.gather [hbm4b:s25+s3], $0x80, $0x38;
	[tilespmem:$0x1CA80] =	vst v63  }
0x37: {  	s28 =	sadd.s32 $0x280, s17;
	s30 =	simm.s32 $0x700  }
0x38: {  	[tilespmem:s30], [sflag:$0x2] =	stream.linear.gather [hbm4b:s28+s3], $0x80, $0x38;
	[tilespmem:$0x1CA80] =	vst v63  }
0x39: {  	s12 =	sadd.s32 $0x300, s17;
	s13 =	simm.s32 $0x800  }
0x3a: {  	[tilespmem:s13], [sflag:$0x2] =	stream.linear.gather [hbm4b:s12+s3], $0x80, $0x38;
	[tilespmem:$0x1CA80] =	vst v63  }
0x3b: {  	s14 =	sadd.s32 $0x380, s17;
	s15 =	simm.s32 $0x900  }
0x3c: {  	[tilespmem:s15], [sflag:$0x2] =	stream.linear.gather [hbm4b:s14+s3], $0x80, $0x38;
	[tilespmem:$0x1CA80] =	vst v63  }
0x3d: {  	s18 =	sadd.s32 $0x400, s17;
	s19 =	simm.s32 $0xA00  }
0x3e: {  	[tilespmem:s19], [sflag:$0x2] =	stream.linear.gather [hbm4b:s18+s3], $0x80, $0x38;
	[tilespmem:$0x1CA80] =	vst v63  }
0x3f: {  	s25 =	sadd.s32 $0x480, s17;
	s26 =	simm.s32 $0xB00  }
0x40: {  	[tilespmem:s26], [sflag:$0x2] =	stream.linear.gather [hbm4b:s25+s3], $0x80, $0x38;
	[tilespmem:$0x1CA80] =	vst v63  }
0x41: {  	s28 =	sadd.s32 $0x500, s17;
	s30 =	simm.s32 $0xC00  }
0x42: {  	[tilespmem:s30], [sflag:$0x2] =	stream.linear.gather [hbm4b:s28+s3], $0x80, $0x38;
	[tilespmem:$0x1CA80] =	vst v63  }
0x43: {  	s9 =	sadd.s32 $0x580, s17;
	s12 =	simm.s32 $0xD00  }
0x44: {  	[tilespmem:s12], [sflag:$0x2] =	stream.linear.gather [hbm4b:s9+s3], $0x80, $0x38;
	[tilespmem:$0x1CA80] =	vst v63  }
0x45: {  	s13 =	sadd.s32 $0x600, s17;
	s14 =	simm.s32 $0xE00  }
0x46: {  	[tilespmem:s14], [sflag:$0x2] =	stream.linear.gather [hbm4b:s13+s3], $0x80, $0x38;
	[tilespmem:$0x1CA80] =	vst v63  }
0x47: {  	s15 =	sadd.s32 $0x680, s17;
	s18 =	simm.s32 $0xF00  }
0x48: {  	[tilespmem:s18], [sflag:$0x2] =	stream.linear.gather [hbm4b:s15+s3], $0x80, $0x38;
	[tilespmem:$0x1CA80] =	vst v63  }
0x49: {  	s19 =	sadd.s32 $0x700, s17;
	s25 =	simm.s32 $0x1000  }
0x4a: {  	[tilespmem:s25], [sflag:$0x2] =	stream.linear.gather [hbm4b:s19+s3], $0x80, $0x38;
	[tilespmem:$0x1CA80] =	vst v63  }
0x4b: {  	s26 =	sadd.s32 $0x780, s17;
	s28 =	simm.s32 $0x1100  }
0x4c: {  	[tilespmem:s28], [sflag:$0x2] =	stream.linear.gather [hbm4b:s26+s3], $0x80, $0x38;
	[tilespmem:$0x1CA80] =	vst v63  }
0x4d: {  	p1 =	por $0x0, $0x0;
	s30 =	simm.s32 $0x1200;
	s25 =	simm.s32 $0x0  }
0x4e: {  	[tilespmem:s30], [sflag:$0x1] =	stream.indirect.gather [hbm4b:s1+s29], $0x80, s3, s29, $0xb8;
	[tilespmem:$0x1CA80] =	vst v63  }
.LBB2_2:
0x4f: {  	p3 =	seq.s32 s25, $0x0  }
0x50: {  	s8 =	simm.s32 @!p3 $0x5  }
0x51: {  	p2 =	seq.s32 s25, $0x4F;
	s26 =	sand.u32 $0x1, s25;
	_ =	swait.ge @!p3 [sflag:s8], $0x4000  }
0x52: {  	s12 =	sadd.s32 @!p2 $0x1, s25;
	s9 =	sxor.u32 $0x1, s26;
	[sflag:s8] =	ssyncset.done @!p3 $0x0  }
0x53: {  	s30 =	simm.s32 @!p2 $0x0;
	[sflag:s8] =	ssyncadd.s32 @!p3 $0xFFFFC000;
	s8 =	sshll.u32 @!p2 s12, $0xA  }
0x54: {  	s12 =	sshll.u32 @!p2 s12, $0xE;
	_ =	swait.ge [sflag:s0], $0x800;
	s8 =	sadd.s32 @!p2 s10, s8  }
0x55: {  	s12 =	sadd.s32 @!p2 s16, s12;
	[sflag:s0] =	ssyncset.done $0x0;
	s13 =	sshrl.u32 @!p2 s8, $0x3  }
0x56: {  	s8 =	sshll.u32 @!p2 s9, $0x7;
	[sflag:s0] =	ssyncadd.s32 $0xFFFFF800;
	s28 =	sadd.s32 @!p2 s5, s13  }
0x57: {  	[tilespmem:s8], [sflag:$0x3] =	stream.linear.gather @!p2 [hbm4b:s28+s30], $0x80, $0x38;
	[tilespmem:$0x1CA80] =	vst v63  }
0x58: {  	s12 =	sshrl.u32 @!p2 s12, $0x3;
	s13 =	sadd.s32 @!p2 s6, s13;
	s28 =	sor.u32 @!p2 $0x100, s8  }
0x59: {  	[tilespmem:s28], [sflag:$0x4] =	stream.linear.gather @!p2 [hbm4b:s13+s30], $0x80, $0x38;
	[tilespmem:$0x1CA80] =	vst v63  }
0x5a: {  	s12 =	sadd.s32 @!p2 s7, s12;
	s13 =	sor.u32 @!p2 $0x200, s8  }
0x5b: {  	[tilespmem:s13], [sflag:$0x2] =	stream.linear.gather @!p2 [hbm4b:s12+s30], $0x80, $0x38;
	[tilespmem:$0x1CA80] =	vst v63  }
0x5c: {  	s28 =	sor.u32 @!p2 $0x300, s8;
	s13 =	sadd.s32 @!p2 $0x80, s12  }
0x5d: {  	[tilespmem:s28], [sflag:$0x2] =	stream.linear.gather @!p2 [hbm4b:s13+s30], $0x80, $0x38;
	[tilespmem:$0x1CA80] =	vst v63  }
0x5e: {  	s13 =	sadd.s32 @!p2 $0x100, s12;
	s28 =	sor.u32 @!p2 $0x400, s8  }
0x5f: {  	[tilespmem:s28], [sflag:$0x2] =	stream.linear.gather @!p2 [hbm4b:s13+s30], $0x80, $0x38;
	[tilespmem:$0x1CA80] =	vst v63  }
0x60: {  	s13 =	sadd.s32 @!p2 $0x180, s12;
	s28 =	sor.u32 @!p2 $0x500, s8  }
0x61: {  	[tilespmem:s28], [sflag:$0x2] =	stream.linear.gather @!p2 [hbm4b:s13+s30], $0x80, $0x38;
	[tilespmem:$0x1CA80] =	vst v63  }
0x62: {  	s13 =	sadd.s32 @!p2 $0x200, s12;
	s28 =	sor.u32 @!p2 $0x600, s8  }
0x63: {  	[tilespmem:s28], [sflag:$0x2] =	stream.linear.gather @!p2 [hbm4b:s13+s30], $0x80, $0x38;
	[tilespmem:$0x1CA80] =	vst v63  }
0x64: {  	s13 =	sadd.s32 @!p2 $0x280, s12;
	s28 =	sor.u32 @!p2 $0x700, s8  }
0x65: {  	[tilespmem:s28], [sflag:$0x2] =	stream.linear.gather @!p2 [hbm4b:s13+s30], $0x80, $0x38;
	[tilespmem:$0x1CA80] =	vst v63  }
0x66: {  	s13 =	sadd.s32 @!p2 $0x300, s12;
	s28 =	sor.u32 @!p2 $0x800, s8  }
0x67: {  	[tilespmem:s28], [sflag:$0x2] =	stream.linear.gather @!p2 [hbm4b:s13+s30], $0x80, $0x38;
	[tilespmem:$0x1CA80] =	vst v63  }
0x68: {  	s13 =	sadd.s32 @!p2 $0x380, s12;
	s28 =	sor.u32 @!p2 $0x900, s8  }
0x69: {  	[tilespmem:s28], [sflag:$0x2] =	stream.linear.gather @!p2 [hbm4b:s13+s30], $0x80, $0x38;
	[tilespmem:$0x1CA80] =	vst v63  }
0x6a: {  	s13 =	sadd.s32 @!p2 $0x400, s12;
	s28 =	sor.u32 @!p2 $0xA00, s8  }
0x6b: {  	[tilespmem:s28], [sflag:$0x2] =	stream.linear.gather @!p2 [hbm4b:s13+s30], $0x80, $0x38;
	[tilespmem:$0x1CA80] =	vst v63  }
0x6c: {  	s13 =	sadd.s32 @!p2 $0x480, s12;
	s28 =	sor.u32 @!p2 $0xB00, s8  }
0x6d: {  	[tilespmem:s28], [sflag:$0x2] =	stream.linear.gather @!p2 [hbm4b:s13+s30], $0x80, $0x38;
	[tilespmem:$0x1CA80] =	vst v63  }
0x6e: {  	s13 =	sadd.s32 @!p2 $0x500, s12;
	s28 =	sor.u32 @!p2 $0xC00, s8  }
0x6f: {  	[tilespmem:s28], [sflag:$0x2] =	stream.linear.gather @!p2 [hbm4b:s13+s30], $0x80, $0x38;
	[tilespmem:$0x1CA80] =	vst v63  }
0x70: {  	s13 =	sadd.s32 @!p2 $0x580, s12;
	s28 =	sor.u32 @!p2 $0xD00, s8  }
0x71: {  	[tilespmem:s28], [sflag:$0x2] =	stream.linear.gather @!p2 [hbm4b:s13+s30], $0x80, $0x38;
	[tilespmem:$0x1CA80] =	vst v63  }
0x72: {  	s13 =	sadd.s32 @!p2 $0x600, s12;
	s28 =	sor.u32 @!p2 $0xE00, s8  }
0x73: {  	[tilespmem:s28], [sflag:$0x2] =	stream.linear.gather @!p2 [hbm4b:s13+s30], $0x80, $0x38;
	[tilespmem:$0x1CA80] =	vst v63  }
0x74: {  	s13 =	sadd.s32 @!p2 $0x680, s12;
	s28 =	sor.u32 @!p2 $0xF00, s8  }
0x75: {  	[tilespmem:s28], [sflag:$0x2] =	stream.linear.gather @!p2 [hbm4b:s13+s30], $0x80, $0x38;
	[tilespmem:$0x1CA80] =	vst v63  }
0x76: {  	s13 =	sadd.s32 @!p2 $0x700, s12;
	s28 =	sor.u32 @!p2 $0x1000, s8  }
0x77: {  	[tilespmem:s28], [sflag:$0x2] =	stream.linear.gather @!p2 [hbm4b:s13+s30], $0x80, $0x38;
	[tilespmem:$0x1CA80] =	vst v63  }
0x78: {  	s12 =	sadd.s32 @!p2 $0x780, s12;
	s13 =	sor.u32 @!p2 $0x1100, s8  }
0x79: {  	[tilespmem:s13], [sflag:$0x2] =	stream.linear.gather @!p2 [hbm4b:s12+s30], $0x80, $0x38;
	[tilespmem:$0x1CA80] =	vst v63  }
0x7a: {  	_ =	swait.ge [sflag:s31], $0x4000  }
0x7b: {  	[sflag:s31] =	ssyncset.done $0x0  }
0x7c: {  	s12 =	simm.s32 @!p2 $0x3;
	[sflag:s31] =	ssyncadd.s32 $0xFFFFC000  }
0x7d: {  	_ =	swait.ge @!p2 [sflag:s12], $0x80  }
0x7e: {  	[sflag:s12] =	ssyncset.done @!p2 $0x0  }
0x7f: {  	[sflag:s12] =	ssyncadd.s32 @!p2 $0xFFFFFF80;
	s12 =	simm.s32 @!p2 $0x4  }
0x80: {  	_ =	swait.ge @!p2 [sflag:s12], $0x80  }
0x81: {  	s9 =	sshll.u32 @!p2 s9, $0xE;
	[sflag:s12] =	ssyncset.done @!p2 $0x0  }
0x82: {  	s9 =	sor.u32 @!p2 $0x1200, s9;
	s13 =	simm.s32 @!p2 $0x80;
	[sflag:s12] =	ssyncadd.s32 @!p2 $0xFFFFFF80  }
0x83: {  	[tilespmem:s9], [sflag:$0x1] =	stream.indirect.gather @!p2 [hbm4b:s1+s13], $0x80, s8, s13, $0xb8;
	[tilespmem:$0x1CA80] =	vst v63  }
0x84: {  	s9 =	simm.s32 $0x1  }
0x85: {  	s18 =	sshll.u32 s25, $0x7;
	s9 =	simm.s32 @!p1 $0x0  }
0x86: {  	s12 =	sand.u32 $0x80, s18;
	s9 =	sshll.u32 s9, $0xE  }
0x87: {  	v1 =	vmov s12;
	s28 =	sor.u32 $0x1300, s9  }
0x88: {  	s19 =	simm.s32 $0x0;
	v2 =	vld [tilespmem:s28+$0xF0]  }
0x89: {  	s13 =	sand.u32 $0xF00, s19;
	v4 =	vld [tilespmem:s28+$0xFFFFFF00]  }
0x8a: {  	s14 =	simm.s32 $0x30;
	s8 =	sand.u32 $0x40, s19;
	s12 =	sadd.s32 $0x200, s13;
	v5 =	vld [tilespmem:s28+$0xFFFFFF10]  }
0x8b: {  	s13 =	sand.u32 $0x70, s14;
	s8 =	sor.u32 s8, s12;
	v6 =	vld [tilespmem:s28+$0xFFFFFF20]  }
0x8c: {  	s13 =	sor.u32 s13, s12;
	v3 =	vld.idx.msk [tilespmem:v1+s8+$0x0 ss:$0x1], $0xffff  }
0x8d: {  	v0 =	vld.idx.msk [tilespmem:v1+s13+$0x0 ss:$0x1], $0xffff  }
0x8e: {  	v7 =	vld [tilespmem:s28+$0xFFFFFF30]  }
0x8f: {  	v10 =	vld [tilespmem:s28+$0xFFFFFF60]  }
0x90: {  	v8 =	vld [tilespmem:s28+$0xFFFFFF40]  }
0x91: {  	s15 =	simm.s32 $0x10;
	v9 =	vld [tilespmem:s28+$0xFFFFFF50];
	v4 =	vmul.f32 v4, v3  }
0x92: {  	v12 =	vld [tilespmem:s28+$0xFFFFFF80];
	s8 =	sand.u32 $0x50, s15;
	v2 =	vmul.f32 v2, v0  }
0x93: {  	v62 =	vld [tilespmem:s28+$0xFFFFFFD0];
	s8 =	sor.u32 s8, s12;
	v5 =	vmul.f32 v5, v3;
	[tilespmem:s28+$0xFFFFFF00] =	vst v4  }
0x94: {  	v11 =	vld.idx.msk [tilespmem:v1+s8+$0x0 ss:$0x1], $0xffff;
	v10 =	vmul.f32 v10, v3;
	[tilespmem:s28+$0xF0] =	vst v2  }
0x95: {  	v4 =	vld [tilespmem:s28+$0xFFFFFF70];
	v2 =	vmul.f32 v6, v3;
	[tilespmem:s28+$0xFFFFFF10] =	vst v5  }
0x96: {  	v6 =	vld [tilespmem:s28+$0xFFFFFF90];
	v5 =	vmul.f32 v7, v3;
	[tilespmem:s28+$0xFFFFFF60] =	vst v10  }
0x97: {  	v7 =	vld [tilespmem:s28+$0xFFFFFFA0];
	[tilespmem:s28+$0xFFFFFF20] =	vst v2;
	v2 =	vmul.f32 v8, v3  }
0x98: {  	v8 =	vld [tilespmem:s28+$0xFFFFFFB0];
	[tilespmem:s28+$0xFFFFFF30] =	vst v5;
	v5 =	vmul.f32 v9, v3  }
0x99: {  	s18 =	simm.s32 $0x20;
	v9 =	vld [tilespmem:s28+$0xFFFFFFC0];
	[tilespmem:s28+$0xFFFFFF40] =	vst v2;
	v2 =	vmul.f32 v12, v11  }
0x9a: {  	s8 =	sand.u32 $0x60, s18;
	[tilespmem:s28+$0xFFFFFF50] =	vst v5;
	v5 =	vld [tilespmem:s28+$0xFFFFFFE0];
	v3 =	vmul.f32 v4, v3  }
0x9b: {  	s8 =	sor.u32 s8, s12;
	v4 =	vmul.f32 v6, v11;
	v6 =	vld [tilespmem:s28+$0xFFFFFFF0];
	[tilespmem:s28+$0xFFFFFF80] =	vst v2  }
0x9c: {  	v2 =	vld.idx.msk [tilespmem:v1+s8+$0x0 ss:$0x1], $0xffff;
	[tilespmem:s28+$0xFFFFFF70] =	vst v3;
	v3 =	vmul.f32 v7, v11  }
0x9d: {  	v7 =	vld [tilespmem:s28+$0x0];
	[tilespmem:s28+$0xFFFFFF90] =	vst v4;
	v4 =	vmul.f32 v8, v11  }
0x9e: {  	v8 =	vld [tilespmem:s28+$0x10];
	[tilespmem:s28+$0xFFFFFFA0] =	vst v3;
	v3 =	vmul.f32 v9, v11  }
0x9f: {  	v9 =	vld [tilespmem:s28+$0x20];
	[tilespmem:s28+$0xFFFFFFB0] =	vst v4;
	v4 =	vmul.f32 v62, v11  }
0xa0: {  	v10 =	vld [tilespmem:s28+$0x30];
	v6 =	vmul.f32 v6, v11;
	[tilespmem:s28+$0xFFFFFFC0] =	vst v3  }
0xa1: {  	v3 =	vmul.f32 v5, v11;
	v5 =	vld [tilespmem:s28+$0x40];
	[tilespmem:s28+$0xFFFFFFD0] =	vst v4  }
0xa2: {  	v63 =	vld [tilespmem:s28+$0x50];
	v4 =	vmul.f32 v7, v2;
	[tilespmem:s28+$0xFFFFFFF0] =	vst v6  }
0xa3: {  	v8 =	vmul.f32 v8, v2;
	[tilespmem:s28+$0xFFFFFFE0] =	vst v3;
	v3 =	vld [tilespmem:s28+$0x60]  }
0xa4: {  	v7 =	vld [tilespmem:s28+$0x70];
	[tilespmem:s28+$0x0] =	vst v4;
	v4 =	vmul.f32 v9, v2  }
0xa5: {  	v6 =	vld [tilespmem:s28+$0x80];
	[tilespmem:s28+$0x10] =	vst v8;
	v8 =	vmul.f32 v10, v2  }
0xa6: {  	s19 =	sshll.u32 s26, $0xE;
	[tilespmem:s28+$0x20] =	vst v4;
	v10 =	vmul.f32 v5, v2;
	v5 =	vld [tilespmem:s28+$0x90]  }
0xa7: {  	s30 =	sor.u32 $0x1200, s19;
	s9 =	simm.s32 $0x0;
	v9 =	vmul.f32 v63, v2;
	[tilespmem:s28+$0x30] =	vst v8;
	v4 =	vld [tilespmem:s28+$0xA0]  }
0xa8: {  	s13 =	simm.s32 $0x80;
	s12 =	simm.s32 $0x40;
	s8 =	smov.u32 s28;
	[tilespmem:s28+$0x40] =	vst v10;
	v8 =	vmul.f32 v3, v2;
	v3 =	vld [tilespmem:s28+$0xB0]  }
.LBB2_3:
0xa9: {  	s14 =	sand.u32 $0xF00, s13;
	s15 =	sadd.s32 $0x30, s12;
	s9 =	sadd.s32 $0x4, s9;
	[tilespmem:s28+$0x50] =	vst v9;
	v2 =	vmul.f32 v7, v2;
	v7 =	vld [tilespmem:s28+$0xC0]  }
0xaa: {  	s14 =	sadd.s32 $0x200, s14;
	s15 =	sand.u32 $0x70, s15;
	p2 =	slt.u32 s9, $0x7C;
	[tilespmem:s28+$0x60] =	vst v8;
	v6 =	vmul.f32 v6, v0;
	v8 =	vld [tilespmem:s28+$0xD0]  }
0xab: {  	s18 =	sadd.s32 $0x10, s12;
	s19 =	sadd.s32 $0x20, s12;
	s15 =	sor.u32 s15, s14;
	[tilespmem:s28+$0x70] =	vst v2;
	v2 =	vmul.f32 v5, v0;
	v5 =	vld [tilespmem:s28+$0xE0]  }
0xac: {  	s18 =	sand.u32 $0x50, s18;
	s19 =	sand.u32 $0x60, s19;
	s28 =	sadd.s32 $0x200, s28;
	v9 =	vld.idx.msk [tilespmem:v1+s15+$0x0 ss:$0x1], $0xffff;
	[tilespmem:s8+$0x80] =	vst v6;
	v4 =	vmul.f32 v4, v0  }
0xad: {  	s18 =	sor.u32 s18, s14;
	s19 =	sor.u32 s19, s14;
	s15 =	sand.u32 $0x40, s12;
	v6 =	vld [tilespmem:s28+$0xF0];
	[tilespmem:s8+$0x90] =	vst v2;
	v2 =	vmul.f32 v3, v0  }
0xae: {  	s14 =	sor.u32 s15, s14;
	v3 =	vld.idx.msk [tilespmem:v1+s18+$0x0 ss:$0x1], $0xffff;
	[tilespmem:s8+$0xA0] =	vst v4;
	v4 =	vmul.f32 v7, v0  }
0xaf: {  	v7 =	vld.idx.msk [tilespmem:v1+s14+$0x0 ss:$0x1], $0xffff;
	[tilespmem:s8+$0xB0] =	vst v2;
	v8 =	vmul.f32 v8, v0  }
0xb0: {  	v2 =	vld.idx.msk [tilespmem:v1+s19+$0x0 ss:$0x1], $0xffff;
	[tilespmem:s8+$0xC0] =	vst v4;
	v10 =	vmul.f32 v5, v0  }
0xb1: {  	v4 =	vld [tilespmem:s28+$0xFFFFFF00];
	[tilespmem:s8+$0xD0] =	vst v8  }
0xb2: {  	v0 =	vmov v9;
	v5 =	vld [tilespmem:s28+$0xFFFFFF10];
	v6 =	vmul.f32 v6, v9;
	[tilespmem:s8+$0xE0] =	vst v10;
	s8 =	smov.u32 s28  }
0xb3: {  	v8 =	vld [tilespmem:s28+$0xFFFFFF20]  }
0xb4: {  	v9 =	vld [tilespmem:s28+$0xFFFFFF30];
	[tilespmem:s28+$0xF0] =	vst v6  }
0xb5: {  	v6 =	vld [tilespmem:s28+$0xFFFFFF40]  }
0xb6: {  	v4 =	vmul.f32 v4, v7;
	v10 =	vld [tilespmem:s28+$0xFFFFFF50]  }
0xb7: {  	v5 =	vmul.f32 v5, v7;
	v11 =	vld [tilespmem:s28+$0xFFFFFF60]  }
0xb8: {  	[tilespmem:s28+$0xFFFFFF00] =	vst v4;
	v4 =	vmul.f32 v8, v7;
	v8 =	vld [tilespmem:s28+$0xFFFFFF70]  }
0xb9: {  	[tilespmem:s28+$0xFFFFFF10] =	vst v5;
	v5 =	vmul.f32 v9, v7;
	v9 =	vld [tilespmem:s28+$0xFFFFFF80]  }
0xba: {  	[tilespmem:s28+$0xFFFFFF20] =	vst v4;
	v4 =	vmul.f32 v6, v7;
	v6 =	vld [tilespmem:s28+$0xFFFFFF90]  }
0xbb: {  	[tilespmem:s28+$0xFFFFFF30] =	vst v5;
	v5 =	vmul.f32 v10, v7;
	v10 =	vld [tilespmem:s28+$0xFFFFFFA0]  }
0xbc: {  	[tilespmem:s28+$0xFFFFFF40] =	vst v4;
	v4 =	vmul.f32 v11, v7;
	v11 =	vld [tilespmem:s28+$0xFFFFFFB0]  }
0xbd: {  	[tilespmem:s28+$0xFFFFFF50] =	vst v5;
	v5 =	vmul.f32 v8, v7;
	v7 =	vld [tilespmem:s28+$0xFFFFFFC0]  }
0xbe: {  	[tilespmem:s28+$0xFFFFFF60] =	vst v4;
	v4 =	vmul.f32 v9, v3;
	v8 =	vld [tilespmem:s28+$0xFFFFFFD0]  }
0xbf: {  	[tilespmem:s28+$0xFFFFFF70] =	vst v5;
	v5 =	vmul.f32 v6, v3;
	v6 =	vld [tilespmem:s28+$0xFFFFFFE0]  }
0xc0: {  	[tilespmem:s28+$0xFFFFFF80] =	vst v4;
	v4 =	vmul.f32 v10, v3;
	v9 =	vld [tilespmem:s28+$0xFFFFFFF0]  }
0xc1: {  	[tilespmem:s28+$0xFFFFFF90] =	vst v5;
	v5 =	vmul.f32 v11, v3;
	v10 =	vld [tilespmem:s28+$0x0]  }
0xc2: {  	[tilespmem:s28+$0xFFFFFFA0] =	vst v4;
	v4 =	vmul.f32 v7, v3;
	v7 =	vld [tilespmem:s28+$0x10]  }
0xc3: {  	[tilespmem:s28+$0xFFFFFFB0] =	vst v5;
	v5 =	vmul.f32 v8, v3;
	v8 =	vld [tilespmem:s28+$0x20]  }
0xc4: {  	[tilespmem:s28+$0xFFFFFFC0] =	vst v4;
	v4 =	vmul.f32 v6, v3;
	v6 =	vld [tilespmem:s28+$0x30]  }
0xc5: {  	[tilespmem:s28+$0xFFFFFFD0] =	vst v5;
	v3 =	vmul.f32 v9, v3;
	v5 =	vld [tilespmem:s28+$0x40]  }
0xc6: {  	[tilespmem:s28+$0xFFFFFFE0] =	vst v4;
	v4 =	vmul.f32 v10, v2;
	v9 =	vld [tilespmem:s28+$0x50]  }
0xc7: {  	[tilespmem:s28+$0xFFFFFFF0] =	vst v3;
	v3 =	vmul.f32 v7, v2;
	v10 =	vld [tilespmem:s28+$0x60]  }
.Ltmp0:
0xc8: {  	[tilespmem:s28+$0x0] =	vst v4;
	v4 =	vmul.f32 v8, v2;
	v7 =	vld [tilespmem:s28+$0x70];
	(pc) =	sbr.rel @p2 .LBB2_3-.Ltmp0, $4  }
0xc9: {  	[tilespmem:s28+$0x10] =	vst v3;
	v3 =	vmul.f32 v6, v2;
	v6 =	vld [tilespmem:s28+$0x80]  }
0xca: {  	[tilespmem:s28+$0x20] =	vst v4;
	v8 =	vmul.f32 v5, v2;
	v5 =	vld [tilespmem:s28+$0x90]  }
0xcb: {  	[tilespmem:s28+$0x30] =	vst v3;
	v9 =	vmul.f32 v9, v2;
	v4 =	vld [tilespmem:s28+$0xA0]  }
0xcc: {  	s13 =	sadd.s32 $0x80, s13;
	s12 =	sadd.s32 $0x40, s12;
	[tilespmem:s28+$0x40] =	vst v8;
	v8 =	vmul.f32 v10, v2;
	v3 =	vld [tilespmem:s28+$0xB0]  }
0xcd: {  	[tilespmem:s28+$0x50] =	vst v9;
	v1 =	vmul.f32 v7, v2;
	v57 =	vld [tilespmem:s28+$0xC0]  }
0xce: {  	v58 =	vld [tilespmem:s28+$0xD0];
	[tilespmem:s28+$0x60] =	vst v8;
	v6 =	vmul.f32 v6, v0  }
0xcf: {  	v60 =	vld [tilespmem:s28+$0xE0];
	[tilespmem:s28+$0x70] =	vst v1;
	v59 =	vmul.f32 v5, v0  }
0xd0: {  	[tilespmem:s8+$0x80] =	vst v6;
	v4 =	vmul.f32 v4, v0  }
0xd1: {  	s25 =	sadd.s32 $0x1, s25;
	[tilespmem:s8+$0x90] =	vst v59;
	v61 =	vmul.f32 v3, v0  }
0xd2: {  	p2 =	sne.s32 s25, $0x50;
	[tilespmem:s8+$0xA0] =	vst v4;
	v2 =	vmul.f32 v57, v0  }
.Ltmp1:
0xd3: {  	v62 =	vmul.f32 v58, v0;
	[tilespmem:s8+$0xB0] =	vst v61;
	(pc) =	sbr.rel @p2 .LBB2_2-.Ltmp1, $4  }
0xd4: {  	v63 =	vmul.f32 v60, v0;
	[tilespmem:s8+$0xC0] =	vst v2  }
0xd5: {  	s9 =	sshll.u32 s26, $0x7;
	[tilespmem:s8+$0xD0] =	vst v62  }
0xd6: {  	p1 =	por !p1, !p1;
	s28 =	sor.u32 $0x100, s9;
	[tilespmem:s8+$0xE0] =	vst v63  }
0xd7: {  	[spmem:s2] =	stream.indirect.scatter.add.f32 [tilespmem:s30], [sflag:$0x5], $0x80, s28, s29, $0xb8;
	[tilespmem:$0x1CA80] =	vst v63  }
0xd8: {  	_ =	swait.ge [sflag:s4], $0x4000  }
0xd9: {  	[sflag:s4] =	ssyncset.done $0x0  }
0xda: {  	[sflag:s4] =	ssyncadd.s32 $0xFFFFC000  }
0xdb: {  	[bflag:$0x0] =	sbarrier.arrive $0xFFFF  }
0xdc: {  	s8 =	rddreg [dreg:$0xb]  }
0xdd: {  	[hbm:s8], [sflag:s11] =	dma.local [spmem:s23], $0x2700  }
0xde: {  	_ =	swait.ge [sflag:s21], $0x2700  }
0xdf: {  	s22 =	sadd.s32 $0x1, s22;
	[sflag:s21] =	ssyncset.done $0x0  }
0xe0: {  	p1 =	sne.s32 s22, s20;
	s8 =	rddreg [dreg:$0xc];
	[sflag:s21] =	ssyncadd.s32 $0xFFFFD900  }
0xe1: {  	[hbm:s8], [sflag:s11] =	dma.local @!p0 [spmem:s24], $0x100  }
.Ltmp2:
0xe2: {  	_ = 	snop;
	(pc) =	sbr.rel @p1 .LBB2_1-.Ltmp2, $4  }
0xe3: {  	s8 =	simm.s32 @!p0 $0x6  }
0xe4: {  	_ =	swait.ge @!p0 [sflag:s8], $0x100  }
0xe5: {  	[sflag:s8] =	ssyncset.done @!p0 $0x0  }
0xe6: {  	[sflag:s8] =	ssyncadd.s32 @!p0 $0xFFFFFF00  }
0xe7: {  	_ =	sfence.sel $0x180000  }
0xe8: {  	[bflag:$0x0] =	sbarrier.arrive $0xFFFF  }
0xe9: {  	_ =	strace $0x90000047  }
0xea: {  	s0 =	stileid.u32;
	[bflag:$0x2] =	sbarrier.arrive $0xFFFF  }
0xeb: {  	p0 =	sne.s32 s0, $0x0;
	s0 =	rddreg [dreg:$0x4]  }
0xec: {  	s0 =	sadd.s32 @!p0 $0x100000, s0  }
0xed: {  	[sflag:s0] =	ssyncadd.tile.s32 @!p0 $0x1;
	_ =	shalt  }
.Lfunc_end2:
_tile_overlayer_lowered:
.L_overlay_start_2:
0xee: {  	(tag) =	ssettag $0x2  }
0xef: {  	s0 =	rddreg [dreg:$0x0];
	s2 =	stileid.u32  }
0xf0: {  	s1 =	rddreg [dreg:$0x1];
	p0 =	sne.s32 s2, $0x0  }
0xf1: {  	s3 =	rddreg [dreg:$0x2];
	[bflag:$0x3] =	sbarrier.arrive $0xFFFF;
	s2 =	simm.s32 @!p0 $0x1C06  }
0xf2: {  	[timem:s3], [sflag:s2] =	dma.local @!p0 [hbm:s0], s1  }
0xf3: {  	s0 =	simm.s32 @!p0 $0x6  }
0xf4: {  	_ =	swait.ge @!p0 [sflag:s0], s1  }
0xf5: {  	s1 =	ssub.s32 @!p0 $0x0, s1;
	[sflag:s0] =	ssyncset.done @!p0 $0x0  }
0xf6: {  	[sflag:s0] =	ssyncadd.s32 @!p0 s1  }
0xf7: {  	[bflag:$0x3] =	sbarrier.arrive $0xFFFF  }
0xf8: {  	_ =	shalt  }

</sc_bundles>
